<compile_context>
chip_gen: v7x
topology: tpu7x:2x2x1
jax: 0.10.2.dev20260603
libtpu: 0.0.44.dev20260713+nightly
codegen_flags: <defaults>
</compile_context>

<pallas_src>
import functools

import jax
import jax.numpy as jnp
from jax import lax
from jax.experimental import pallas as pl
from jax.experimental.pallas import tpu as pltpu
from jax.experimental.pallas import tpu_sc as plsc

NC = 2
NS = 16
NW = NC * NS
K = 128


def _sc_aggregate(x, src, dst, ea_packed):
  n, d = x.shape
  e = src.shape[0]
  chunks = e // K
  iters = (chunks + NW - 1) // NW
  rpt = n // NS

  mesh = plsc.VectorSubcoreMesh(core_axis_name="c", subcore_axis_name="s")

  @functools.partial(
      pl.kernel,
      mesh=mesh,
      out_type=[
          jax.ShapeDtypeStruct((NC, n, d), jnp.float32),
          jax.ShapeDtypeStruct((NC, n, d), jnp.float32),
      ],
      scratch_types=[
          pltpu.VMEM_SHARED((n, d), jnp.float32),
          pltpu.VMEM((K,), jnp.int32),
          pltpu.VMEM((K,), jnp.int32),
          pltpu.VMEM((K,), jnp.int32),
          pltpu.VMEM((K,), jnp.int32),
          pltpu.VMEM((K, d), jnp.float32),
          pltpu.VMEM((K, d), jnp.float32),
          pltpu.VMEM((K // 8, d), jnp.float32),
          pltpu.VMEM((K // 8, d), jnp.float32),
          pltpu.SemaphoreType.DMA,
          pltpu.SemaphoreType.DMA,
      ],
  )
  def agg_kernel(x_hbm, src_hbm, dst_hbm, ea_hbm,
                 aggx_hbm, agge_hbm,
                 acc_s, src_v, dst_v, src_w, dst_w, rows_v, rows_w,
                 eapack_v, eapack_w, sem, sem2):
    cid = lax.axis_index("c")
    sid = lax.axis_index("s")
    wid = sid * NC + cid

    def zero_rows_v():
      @pl.loop(0, K)
      def _(i):
        for j in range(d // 16):
          rows_v[i, pl.ds(j * 16, 16)] = jnp.zeros((16,), jnp.float32)

    nblk = n // K
    tail = n - nblk * K

    def zero_acc():
      @pl.loop(0, (nblk + NS - 1) // NS)
      def _(t):
        b = sid + t * NS

        @pl.when(b < nblk)
        def _():
          pltpu.sync_copy(rows_v, acc_s.at[pl.ds(b * K, K)])

      if tail:
        @pl.when(sid == NS - 1)
        def _():
          pltpu.sync_copy(rows_v.at[pl.ds(0, tail)],
                          acc_s.at[pl.ds(nblk * K, tail)])

    def writeback(out_hbm):
      @pl.loop(0, (nblk + NS - 1) // NS)
      def _(t):
        b = sid + t * NS

        @pl.when(b < nblk)
        def _():
          pltpu.sync_copy(acc_s.at[pl.ds(b * K, K)], rows_w)
          pltpu.sync_copy(rows_w, out_hbm.at[cid].at[pl.ds(b * K, K)])

      if tail:
        @pl.when(sid == 0)
        def _():
          pltpu.sync_copy(acc_s.at[pl.ds(nblk * K, tail)],
                          rows_w.at[pl.ds(0, tail)])
          pltpu.sync_copy(rows_w.at[pl.ds(0, tail)],
                          out_hbm.at[cid].at[pl.ds(nblk * K, tail)])

    zero_rows_v()
    zero_acc()
    plsc.subcore_barrier()

    @pl.loop(0, iters // 2)
    def _(it):
      ci0 = wid + (2 * it) * NW
      ci1 = ci0 + NW
      pltpu.sync_copy(src_hbm.at[pl.ds(ci0 * K, K)], src_v)
      pltpu.sync_copy(dst_hbm.at[pl.ds(ci0 * K, K)], dst_v)
      cp_a = pltpu.async_copy(x_hbm.at[src_v], rows_v, sem)
      pltpu.sync_copy(src_hbm.at[pl.ds(ci1 * K, K)], src_w)
      pltpu.sync_copy(dst_hbm.at[pl.ds(ci1 * K, K)], dst_w)
      cp_b = pltpu.async_copy(x_hbm.at[src_w], rows_w, sem2)
      cp_a.wait()
      pltpu.sync_copy(rows_v, acc_s.at[dst_v], add=True)
      cp_b.wait()
      pltpu.sync_copy(rows_w, acc_s.at[dst_w], add=True)

    if iters % 2:
      ci = wid + (iters - 1) * NW

      @pl.when(ci < chunks)
      def _():
        pltpu.sync_copy(src_hbm.at[pl.ds(ci * K, K)], src_v)
        pltpu.sync_copy(dst_hbm.at[pl.ds(ci * K, K)], dst_v)
        pltpu.async_copy(x_hbm.at[src_v], rows_v, sem).wait()
        pltpu.sync_copy(rows_v, acc_s.at[dst_v], add=True)

    plsc.subcore_barrier()
    writeback(aggx_hbm)
    plsc.subcore_barrier()

    zero_rows_v()
    zero_acc()
    plsc.subcore_barrier()

    @pl.loop(0, K)
    def _(i):
      rows_v[i, pl.ds(16, 16)] = jnp.ones((16,), jnp.float32)

    @pl.loop(0, iters)
    def _(it):
      ci = wid + it * NW

      @pl.when(ci < chunks)
      def _():
        base = ci * K
        pltpu.sync_copy(dst_hbm.at[pl.ds(base, K)], dst_v)
        off8 = pl.multiple_of(ci * (K // 8), 8)
        pltpu.sync_copy(ea_hbm.at[pl.ds(off8, K // 8)], eapack_v)
        for i in range(K // 8):
          for j in range(8):
            rows_v[i * 8 + j, pl.ds(0, 16)] = eapack_v[i, pl.ds(j * 16, 16)]
        pltpu.sync_copy(rows_v, acc_s.at[dst_v], add=True)

    plsc.subcore_barrier()
    writeback(agge_hbm)

  return agg_kernel(x, src, dst, ea_packed)


def _tc_mlp(aggx, agge, x, lin_W, lin_b, W1, b1, W2, b2):
  n, d = x.shape
  de = lin_W.shape[0]
  bn = 2000
  grid = (n // bn,)

  def body(aggx_ref, agge_ref, x_ref, linw_ref, linb_ref,
           w1_ref, b1_ref, w2_ref, b2_ref, out_ref):
    ax = aggx_ref[0] + aggx_ref[1]
    ag = agge_ref[0] + agge_ref[1]
    ae = ag[:, 0:de]
    dg = ag[:, de:de + 1]
    ev = jnp.dot(ae, linw_ref[...], preferred_element_type=jnp.float32)
    ev = ev + dg * linb_ref[...]
    out = ax + ev + x_ref[...]
    h = jnp.maximum(
        jnp.dot(out, w1_ref[...], preferred_element_type=jnp.float32)
        + b1_ref[...], 0.0)
    out_ref[...] = (
        jnp.dot(h, w2_ref[...], preferred_element_type=jnp.float32)
        + b2_ref[...])

  return pl.pallas_call(
      body,
      grid=grid,
      in_specs=[
          pl.BlockSpec((NC, bn, d), lambda i: (0, i, 0)),
          pl.BlockSpec((NC, bn, d), lambda i: (0, i, 0)),
          pl.BlockSpec((bn, d), lambda i: (i, 0)),
          pl.BlockSpec((de, d), lambda i: (0, 0)),
          pl.BlockSpec((1, d), lambda i: (0, 0)),
          pl.BlockSpec((d, d), lambda i: (0, 0)),
          pl.BlockSpec((1, d), lambda i: (0, 0)),
          pl.BlockSpec((d, d), lambda i: (0, 0)),
          pl.BlockSpec((1, d), lambda i: (0, 0)),
      ],
      out_specs=pl.BlockSpec((bn, d), lambda i: (i, 0)),
      out_shape=jax.ShapeDtypeStruct((n, d), jnp.float32),
  )(aggx, agge, x, lin_W, lin_b.reshape(1, d), W1, b1.reshape(1, d),
    W2, b2.reshape(1, d))


def kernel(x, edge_index, edge_attr, lin_W, lin_b, W1, b1, W2, b2):
  src = edge_index[0].astype(jnp.int32)
  dst = edge_index[1].astype(jnp.int32)
  e, de = edge_attr.shape
  ea_packed = edge_attr.reshape(e * de // 128, 128)
  aggx, agge = _sc_aggregate(x, src, dst, ea_packed)
  return _tc_mlp(aggx, agge, x, lin_W, lin_b, W1, b1, W2, b2)

# --- scband reference (transcript-rebuilt; emitter-appended) ---
"""Pipeline reference for scband-layer-edge-ginconv-7430293422227 (READ-ONLY COPY).

The authoritative reference and input builder live on the scoring server;
editing this copy changes nothing except your own understanding.
"""

import jax, jax.numpy as jnp
import numpy as np

N_NODES = 10000
N_EDGES = 320000
D_FEAT = 128
D_EDGE = 16


def setup_inputs(seed: int = 0) -> dict:
    key = jax.random.key(seed)
    ks = jax.random.split(key, 9)
    x = jax.random.normal(ks[0], (N_NODES, D_FEAT), dtype=jnp.float32)
    edge_index = jax.random.randint(ks[1], (2, N_EDGES), 0, N_NODES, dtype=jnp.int64)
    edge_attr = jax.random.normal(ks[2], (N_EDGES, D_EDGE), dtype=jnp.float32)
    # lin: edge_dim -> in_channels (16 -> 128)
    lin_W = jax.random.normal(ks[3], (D_EDGE, D_FEAT), dtype=jnp.float32) * (1.0 / np.sqrt(D_EDGE))
    lin_b = jnp.zeros((D_FEAT,), dtype=jnp.float32)
    # gin_nn: Linear(128,128) -> ReLU -> Linear(128,128)
    W1 = jax.random.normal(ks[4], (D_FEAT, D_FEAT), dtype=jnp.float32) * (1.0 / np.sqrt(D_FEAT))
    b1 = jnp.zeros((D_FEAT,), dtype=jnp.float32)
    W2 = jax.random.normal(ks[5], (D_FEAT, D_FEAT), dtype=jnp.float32) * (1.0 / np.sqrt(D_FEAT))
    b2 = jnp.zeros((D_FEAT,), dtype=jnp.float32)
    return {"x": x, "edge_index": edge_index, "edge_attr": edge_attr,
            "lin_W": lin_W, "lin_b": lin_b, "W1": W1, "b1": b1, "W2": W2, "b2": b2}


def reference(x, edge_index, edge_attr, lin_W, lin_b, W1, b1, W2, b2):
    eps = 0.0  # non-trainable buffer, initial_eps=0.0
    src = edge_index[0]
    dst = edge_index[1]
    # message: x_j + lin(edge_attr)
    e = edge_attr @ lin_W + lin_b
    msg = jnp.take(x, src, axis=0) + e
    # aggregate 'add' at destination nodes
    agg = jax.ops.segment_sum(msg, dst, num_segments=x.shape[0])
    out = agg + (1.0 + eps) * x
    # gin_nn: Linear -> ReLU -> Linear (no batchnorm)
    h = jnp.maximum(out @ W1 + b1, 0.0)
    return h @ W2 + b2

if __name__ == "__main__":
    import jax
    _d = setup_inputs()
    print(jax.jit(kernel)(*tuple(_d.values())))

</pallas_src>

<mosaic_0001>
#map = affine_map<(d0, d1) -> (0, 0)>
#map1 = affine_map<(d0, d1) -> (0)>
#map2 = affine_map<(d0, d1) -> (0, 0, 0)>
module attributes {stable_mosaic.version = 14 : i64} {
  func.func @agg_kernel(%arg0: i32, %arg1: i32, %arg2: memref<10000x128xf32, #tpu.memory_space<hbm>>, %arg3: memref<320000xi32, #tpu.memory_space<hbm>>, %arg4: memref<320000xi32, #tpu.memory_space<hbm>>, %arg5: memref<40000x128xf32, #tpu.memory_space<hbm>>, %arg6: memref<2x10000x128xf32, #tpu.memory_space<hbm>>, %arg7: memref<2x10000x128xf32, #tpu.memory_space<hbm>>, %arg8: memref<10000x128xf32, #tpu.memory_space<vmem_shared>>, %arg9: memref<128xi32, #tpu.memory_space<vmem>>, %arg10: memref<128xi32, #tpu.memory_space<vmem>>, %arg11: memref<128xi32, #tpu.memory_space<vmem>>, %arg12: memref<128xi32, #tpu.memory_space<vmem>>, %arg13: memref<128x128xf32, #tpu.memory_space<vmem>>, %arg14: memref<128x128xf32, #tpu.memory_space<vmem>>, %arg15: memref<16x128xf32, #tpu.memory_space<vmem>>, %arg16: memref<16x128xf32, #tpu.memory_space<vmem>>, %arg17: memref<!tpu.dma_semaphore, #tpu.memory_space<semaphore_mem>>, %arg18: memref<!tpu.dma_semaphore, #tpu.memory_space<semaphore_mem>>) attributes {dimension_semantics = [#tpu.dimension_semantics<core_parallel>, #tpu.dimension_semantics<subcore_parallel>], iteration_bounds = array<i64: 2, 16>, scalar_prefetch = 0 : i64, scratch_operands = 11 : i64, tpu.core_type = #tpu.core_type<sc_vector_subcore>, window_params = [{transform_indices = #map}, {transform_indices = #map1}, {transform_indices = #map1}, {transform_indices = #map}, {transform_indices = #map2}, {transform_indices = #map2}]} {
    %mul3A = arith.constant 2 : i32
    %mul3A_0 = arith.muli %arg1, %mul3A : i32
    %add3A = arith.addi %mul3A_0, %arg0 : i32
    %scan3A = arith.constant 0 : i32
    %scan3A_1 = arith.constant 128 : i32
    %scan3A_2 = arith.addi %scan3A, %scan3A_1 : i32
    %scan3A_3 = arith.constant 1 : i32
    scf.for %scan3A_72 = %scan3A to %scan3A_2 step %scan3A_3  : i32 {
      %mul3A_73 = arith.constant 1 : i32
      %mul3A_74 = arith.muli %scan3A_72, %mul3A_73 : i32
      %add3A_75 = arith.constant 0 : i32
      %add3A_76 = arith.addi %add3A_75, %mul3A_74 : i32
      %broadcast_in_dim3A = arith.constant 0.000000e+00 : f32
      %broadcast_in_dim3A_77 = vector.broadcast %broadcast_in_dim3A : f32 to vector<16xf32>
      %swap3A = arith.index_cast %add3A_76 : i32 to index
      %swap3A_78 = arith.constant 0 : index
      %swap3A_79 = tpu.vector_load %arg13[%swap3A, %swap3A_78] {strides = array<i32>} : memref<128x128xf32, #tpu.memory_space<vmem>>, vector<1x16xf32>,
      %swap3A_80 = vector.shape_cast %swap3A_79 : vector<1x16xf32> to vector<16xf32>
      %swap3A_81 = vector.shape_cast %broadcast_in_dim3A_77 : vector<16xf32> to vector<1x16xf32>
      tpu.vector_store %arg13[%swap3A, %swap3A_78], %swap3A_81 {strides = array<i32>} : memref<128x128xf32, #tpu.memory_space<vmem>>, vector<1x16xf32>,
      %broadcast_in_dim3A_82 = arith.constant 0.000000e+00 : f32
      %broadcast_in_dim3A_83 = vector.broadcast %broadcast_in_dim3A_82 : f32 to vector<16xf32>
      %swap3A_84 = arith.index_cast %add3A_76 : i32 to index
      %swap3A_85 = arith.constant 16 : index
      %swap3A_86 = tpu.vector_load %arg13[%swap3A_84, %swap3A_85] {strides = array<i32>} : memref<128x128xf32, #tpu.memory_space<vmem>>, vector<1x16xf32>,
      %swap3A_87 = vector.shape_cast %swap3A_86 : vector<1x16xf32> to vector<16xf32>
      %swap3A_88 = vector.shape_cast %broadcast_in_dim3A_83 : vector<16xf32> to vector<1x16xf32>
      tpu.vector_store %arg13[%swap3A_84, %swap3A_85], %swap3A_88 {strides = array<i32>} : memref<128x128xf32, #tpu.memory_space<vmem>>, vector<1x16xf32>,
      %broadcast_in_dim3A_89 = arith.constant 0.000000e+00 : f32
      %broadcast_in_dim3A_90 = vector.broadcast %broadcast_in_dim3A_89 : f32 to vector<16xf32>
      %swap3A_91 = arith.index_cast %add3A_76 : i32 to index
      %swap3A_92 = arith.constant 32 : index
      %swap3A_93 = tpu.vector_load %arg13[%swap3A_91, %swap3A_92] {strides = array<i32>} : memref<128x128xf32, #tpu.memory_space<vmem>>, vector<1x16xf32>,
      %swap3A_94 = vector.shape_cast %swap3A_93 : vector<1x16xf32> to vector<16xf32>
      %swap3A_95 = vector.shape_cast %broadcast_in_dim3A_90 : vector<16xf32> to vector<1x16xf32>
      tpu.vector_store %arg13[%swap3A_91, %swap3A_92], %swap3A_95 {strides = array<i32>} : memref<128x128xf32, #tpu.memory_space<vmem>>, vector<1x16xf32>,
      %broadcast_in_dim3A_96 = arith.constant 0.000000e+00 : f32
      %broadcast_in_dim3A_97 = vector.broadcast %broadcast_in_dim3A_96 : f32 to vector<16xf32>
      %swap3A_98 = arith.index_cast %add3A_76 : i32 to index
      %swap3A_99 = arith.constant 48 : index
      %swap3A_100 = tpu.vector_load %arg13[%swap3A_98, %swap3A_99] {strides = array<i32>} : memref<128x128xf32, #tpu.memory_space<vmem>>, vector<1x16xf32>,
      %swap3A_101 = vector.shape_cast %swap3A_100 : vector<1x16xf32> to vector<16xf32>
      %swap3A_102 = vector.shape_cast %broadcast_in_dim3A_97 : vector<16xf32> to vector<1x16xf32>
      tpu.vector_store %arg13[%swap3A_98, %swap3A_99], %swap3A_102 {strides = array<i32>} : memref<128x128xf32, #tpu.memory_space<vmem>>, vector<1x16xf32>,
      %broadcast_in_dim3A_103 = arith.constant 0.000000e+00 : f32
      %broadcast_in_dim3A_104 = vector.broadcast %broadcast_in_dim3A_103 : f32 to vector<16xf32>
      %swap3A_105 = arith.index_cast %add3A_76 : i32 to index
      %swap3A_106 = arith.constant 64 : index
      %swap3A_107 = tpu.vector_load %arg13[%swap3A_105, %swap3A_106] {strides = array<i32>} : memref<128x128xf32, #tpu.memory_space<vmem>>, vector<1x16xf32>,
      %swap3A_108 = vector.shape_cast %swap3A_107 : vector<1x16xf32> to vector<16xf32>
      %swap3A_109 = vector.shape_cast %broadcast_in_dim3A_104 : vector<16xf32> to vector<1x16xf32>
      tpu.vector_store %arg13[%swap3A_105, %swap3A_106], %swap3A_109 {strides = array<i32>} : memref<128x128xf32, #tpu.memory_space<vmem>>, vector<1x16xf32>,
      %broadcast_in_dim3A_110 = arith.constant 0.000000e+00 : f32
      %broadcast_in_dim3A_111 = vector.broadcast %broadcast_in_dim3A_110 : f32 to vector<16xf32>
      %swap3A_112 = arith.index_cast %add3A_76 : i32 to index
      %swap3A_113 = arith.constant 80 : index
      %swap3A_114 = tpu.vector_load %arg13[%swap3A_112, %swap3A_113] {strides = array<i32>} : memref<128x128xf32, #tpu.memory_space<vmem>>, vector<1x16xf32>,
      %swap3A_115 = vector.shape_cast %swap3A_114 : vector<1x16xf32> to vector<16xf32>
      %swap3A_116 = vector.shape_cast %broadcast_in_dim3A_111 : vector<16xf32> to vector<1x16xf32>
      tpu.vector_store %arg13[%swap3A_112, %swap3A_113], %swap3A_116 {strides = array<i32>} : memref<128x128xf32, #tpu.memory_space<vmem>>, vector<1x16xf32>,
      %broadcast_in_dim3A_117 = arith.constant 0.000000e+00 : f32
      %broadcast_in_dim3A_118 = vector.broadcast %broadcast_in_dim3A_117 : f32 to vector<16xf32>
      %swap3A_119 = arith.index_cast %add3A_76 : i32 to index
      %swap3A_120 = arith.constant 96 : index
      %swap3A_121 = tpu.vector_load %arg13[%swap3A_119, %swap3A_120] {strides = array<i32>} : memref<128x128xf32, #tpu.memory_space<vmem>>, vector<1x16xf32>,
      %swap3A_122 = vector.shape_cast %swap3A_121 : vector<1x16xf32> to vector<16xf32>
      %swap3A_123 = vector.shape_cast %broadcast_in_dim3A_118 : vector<16xf32> to vector<1x16xf32>
      tpu.vector_store %arg13[%swap3A_119, %swap3A_120], %swap3A_123 {strides = array<i32>} : memref<128x128xf32, #tpu.memory_space<vmem>>, vector<1x16xf32>,
      %broadcast_in_dim3A_124 = arith.constant 0.000000e+00 : f32
      %broadcast_in_dim3A_125 = vector.broadcast %broadcast_in_dim3A_124 : f32 to vector<16xf32>
      %swap3A_126 = arith.index_cast %add3A_76 : i32 to index
      %swap3A_127 = arith.constant 112 : index
      %swap3A_128 = tpu.vector_load %arg13[%swap3A_126, %swap3A_127] {strides = array<i32>} : memref<128x128xf32, #tpu.memory_space<vmem>>, vector<1x16xf32>,
      %swap3A_129 = vector.shape_cast %swap3A_128 : vector<1x16xf32> to vector<16xf32>
      %swap3A_130 = vector.shape_cast %broadcast_in_dim3A_125 : vector<16xf32> to vector<1x16xf32>
      tpu.vector_store %arg13[%swap3A_126, %swap3A_127], %swap3A_130 {strides = array<i32>} : memref<128x128xf32, #tpu.memory_space<vmem>>, vector<1x16xf32>,
    }
    %scan3A_4 = arith.constant 128 : i32
    %scan3A_5 = arith.constant 0 : i32
    %scan3A_6 = arith.constant 5 : i32
    %scan3A_7 = arith.addi %scan3A_5, %scan3A_6 : i32
    %scan3A_8 = arith.constant 1 : i32
    scf.for %scan3A_72 = %scan3A_5 to %scan3A_7 step %scan3A_8  : i32 {
      %mul3A_73 = arith.constant 1 : i32
      %mul3A_74 = arith.muli %scan3A_72, %mul3A_73 : i32
      %add3A_75 = arith.constant 0 : i32
      %add3A_76 = arith.addi %add3A_75, %mul3A_74 : i32
      %mul3A_77 = arith.constant 16 : i32
      %mul3A_78 = arith.muli %add3A_76, %mul3A_77 : i32
      %add3A_79 = arith.addi %arg1, %mul3A_78 : i32
      %lt3A_80 = arith.constant 78 : i32
      %lt3A_81 = arith.cmpi slt, %add3A_79, %lt3A_80 : i32
      %convert_element_type3A_82 = arith.extui %lt3A_81 : i1 to i32
      %cond3A_83 = arith.constant 0 : i32
      %cond3A_84 = arith.cmpi ne, %convert_element_type3A_82, %cond3A_83 : i32
      scf.if %cond3A_84 {
        %mul3A_85 = arith.constant 128 : i32
        %mul3A_86 = arith.muli %add3A_79, %mul3A_85 : i32
        "tpu.region"() ({
          %run_scoped3A = tpu.sem_alloc : memref<!tpu.dma_semaphore, #tpu.memory_space<semaphore_mem>>
          %dma_start3A = arith.constant 0 : i32
          %dma_start3A_87 = tpu.memref_slice %arg8[%mul3A_86, %dma_start3A] : memref<10000x128xf32, #tpu.memory_space<vmem_shared>> -> memref<128x128xf32, #tpu.memory_space<vmem_shared>>
          %dma_start3A_88 = arith.constant 0 : i32
          %dma_start3A_89 = tpu.memref_slice %arg8[%mul3A_86, %dma_start3A_88] : memref<10000x128xf32, #tpu.memory_space<vmem_shared>> -> memref<128x128xf32, #tpu.memory_space<vmem_shared>>
          tpu.enqueue_dma source(%arg13 : memref<128x128xf32, #tpu.memory_space<vmem>>) target(%dma_start3A_89 : memref<128x128xf32, #tpu.memory_space<vmem_shared>>) target_semaphore(%run_scoped3A : memref<!tpu.dma_semaphore, #tpu.memory_space<semaphore_mem>>)
          %dma_wait3A = arith.constant 0 : i32
          %dma_wait3A_90 = tpu.memref_slice %arg8[%mul3A_86, %dma_wait3A] : memref<10000x128xf32, #tpu.memory_space<vmem_shared>> -> memref<128x128xf32, #tpu.memory_space<vmem_shared>>
          %dma_wait3A_91 = arith.constant 0 : i32
          %dma_wait3A_92 = tpu.memref_slice %arg8[%mul3A_86, %dma_wait3A_91] : memref<10000x128xf32, #tpu.memory_space<vmem_shared>> -> memref<128x128xf32, #tpu.memory_space<vmem_shared>>
          tpu.wait_dma2 semaphore(%run_scoped3A : memref<!tpu.dma_semaphore, #tpu.memory_space<semaphore_mem>>) src(%arg13 : memref<128x128xf32, #tpu.memory_space<vmem>>) dst(%dma_wait3A_92 : memref<128x128xf32, #tpu.memory_space<vmem_shared>>)
          tpu.yield
        }) : () -> ()
      } else {
      }
    }
    %scan3A_9 = arith.constant 5 : i32
    %eq3A = arith.constant 15 : i32
    %eq3A_10 = arith.cmpi eq, %arg1, %eq3A : i32
    %convert_element_type3A = arith.extui %eq3A_10 : i1 to i32
    %cond3A = arith.constant 0 : i32
    %cond3A_11 = arith.cmpi ne, %convert_element_type3A, %cond3A : i32
    scf.if %cond3A_11 {
      "tpu.region"() ({
        %run_scoped3A = tpu.sem_alloc : memref<!tpu.dma_semaphore, #tpu.memory_space<semaphore_mem>>
        %dma_start3A = arith.constant 0 : i32
        %dma_start3A_72 = arith.constant 0 : i32
        %dma_start3A_73 = tpu.memref_slice %arg13[%dma_start3A, %dma_start3A_72] : memref<128x128xf32, #tpu.memory_space<vmem>> -> memref<16x128xf32, #tpu.memory_space<vmem>>
        %dma_start3A_74 = arith.constant 9984 : i32
        %dma_start3A_75 = arith.constant 0 : i32
        %dma_start3A_76 = tpu.memref_slice %arg8[%dma_start3A_74, %dma_start3A_75] : memref<10000x128xf32, #tpu.memory_space<vmem_shared>> -> memref<16x128xf32, #tpu.memory_space<vmem_shared>>
        %dma_start3A_77 = arith.constant 9984 : i32
        %dma_start3A_78 = arith.constant 0 : i32
        %dma_start3A_79 = tpu.memref_slice %arg8[%dma_start3A_77, %dma_start3A_78] : memref<10000x128xf32, #tpu.memory_space<vmem_shared>> -> memref<16x128xf32, #tpu.memory_space<vmem_shared>>
        %dma_start3A_80 = arith.constant 0 : i32
        %dma_start3A_81 = arith.constant 0 : i32
        %dma_start3A_82 = tpu.memref_slice %arg13[%dma_start3A_80, %dma_start3A_81] : memref<128x128xf32, #tpu.memory_space<vmem>> -> memref<16x128xf32, #tpu.memory_space<vmem>>
        tpu.enqueue_dma source(%dma_start3A_82 : memref<16x128xf32, #tpu.memory_space<vmem>>) target(%dma_start3A_79 : memref<16x128xf32, #tpu.memory_space<vmem_shared>>) target_semaphore(%run_scoped3A : memref<!tpu.dma_semaphore, #tpu.memory_space<semaphore_mem>>)
        %dma_wait3A = arith.constant 0 : i32
        %dma_wait3A_83 = arith.constant 0 : i32
        %dma_wait3A_84 = tpu.memref_slice %arg13[%dma_wait3A, %dma_wait3A_83] : memref<128x128xf32, #tpu.memory_space<vmem>> -> memref<16x128xf32, #tpu.memory_space<vmem>>
        %dma_wait3A_85 = arith.constant 9984 : i32
        %dma_wait3A_86 = arith.constant 0 : i32
        %dma_wait3A_87 = tpu.memref_slice %arg8[%dma_wait3A_85, %dma_wait3A_86] : memref<10000x128xf32, #tpu.memory_space<vmem_shared>> -> memref<16x128xf32, #tpu.memory_space<vmem_shared>>
        %dma_wait3A_88 = arith.constant 9984 : i32
        %dma_wait3A_89 = arith.constant 0 : i32
        %dma_wait3A_90 = tpu.memref_slice %arg8[%dma_wait3A_88, %dma_wait3A_89] : memref<10000x128xf32, #tpu.memory_space<vmem_shared>> -> memref<16x128xf32, #tpu.memory_space<vmem_shared>>
        %dma_wait3A_91 = arith.constant 0 : i32
        %dma_wait3A_92 = arith.constant 0 : i32
        %dma_wait3A_93 = tpu.memref_slice %arg13[%dma_wait3A_91, %dma_wait3A_92] : memref<128x128xf32, #tpu.memory_space<vmem>> -> memref<16x128xf32, #tpu.memory_space<vmem>>
        tpu.wait_dma2 semaphore(%run_scoped3A : memref<!tpu.dma_semaphore, #tpu.memory_space<semaphore_mem>>) src(%dma_wait3A_93 : memref<16x128xf32, #tpu.memory_space<vmem>>) dst(%dma_wait3A_90 : memref<16x128xf32, #tpu.memory_space<vmem_shared>>)
        tpu.yield
      }) : () -> ()
    } else {
    }
    %barrier3A = arith.constant 0 : index
    tpu.barrier barrier_id(%barrier3A)
    %scan3A_12 = arith.constant 0 : i32
    %scan3A_13 = arith.constant 39 : i32
    %scan3A_14 = arith.addi %scan3A_12, %scan3A_13 : i32
    %scan3A_15 = arith.constant 1 : i32
    scf.for %scan3A_72 = %scan3A_12 to %scan3A_14 step %scan3A_15  : i32 {
      %mul3A_73 = arith.constant 1 : i32
      %mul3A_74 = arith.muli %scan3A_72, %mul3A_73 : i32
      %add3A_75 = arith.constant 0 : i32
      %add3A_76 = arith.addi %add3A_75, %mul3A_74 : i32
      %mul3A_77 = arith.constant 2 : i32
      %mul3A_78 = arith.muli %mul3A_77, %add3A_76 : i32
      %mul3A_79 = arith.constant 32 : i32
      %mul3A_80 = arith.muli %mul3A_78, %mul3A_79 : i32
      %add3A_81 = arith.addi %add3A, %mul3A_80 : i32
      %add3A_82 = arith.constant 32 : i32
      %add3A_83 = arith.addi %add3A_81, %add3A_82 : i32
      %mul3A_84 = arith.constant 128 : i32
      %mul3A_85 = arith.muli %add3A_81, %mul3A_84 : i32
      "tpu.region"() ({
        %run_scoped3A = tpu.sem_alloc : memref<!tpu.dma_semaphore, #tpu.memory_space<semaphore_mem>>
        %dma_start3A_102 = tpu.memref_slice %arg3[%mul3A_85] : memref<320000xi32, #tpu.memory_space<hbm>> -> memref<128xi32, #tpu.memory_space<hbm>>
        %dma_start3A_103 = tpu.memref_slice %arg3[%mul3A_85] : memref<320000xi32, #tpu.memory_space<hbm>> -> memref<128xi32, #tpu.memory_space<hbm>>
        tpu.enqueue_dma source(%dma_start3A_103 : memref<128xi32, #tpu.memory_space<hbm>>) target(%arg9 : memref<128xi32, #tpu.memory_space<vmem>>) target_semaphore(%run_scoped3A : memref<!tpu.dma_semaphore, #tpu.memory_space<semaphore_mem>>)
        %dma_wait3A_104 = tpu.memref_slice %arg3[%mul3A_85] : memref<320000xi32, #tpu.memory_space<hbm>> -> memref<128xi32, #tpu.memory_space<hbm>>
        %dma_wait3A_105 = tpu.memref_slice %arg3[%mul3A_85] : memref<320000xi32, #tpu.memory_space<hbm>> -> memref<128xi32, #tpu.memory_space<hbm>>
        tpu.wait_dma2 semaphore(%run_scoped3A : memref<!tpu.dma_semaphore, #tpu.memory_space<semaphore_mem>>) src(%dma_wait3A_105 : memref<128xi32, #tpu.memory_space<hbm>>) dst(%arg9 : memref<128xi32, #tpu.memory_space<vmem>>)
        tpu.yield
      }) : () -> ()
      %mul3A_86 = arith.constant 128 : i32
      %mul3A_87 = arith.muli %add3A_81, %mul3A_86 : i32
      "tpu.region"() ({
        %run_scoped3A = tpu.sem_alloc : memref<!tpu.dma_semaphore, #tpu.memory_space<semaphore_mem>>
        %dma_start3A_102 = tpu.memref_slice %arg4[%mul3A_87] : memref<320000xi32, #tpu.memory_space<hbm>> -> memref<128xi32, #tpu.memory_space<hbm>>
        %dma_start3A_103 = tpu.memref_slice %arg4[%mul3A_87] : memref<320000xi32, #tpu.memory_space<hbm>> -> memref<128xi32, #tpu.memory_space<hbm>>
        tpu.enqueue_dma source(%dma_start3A_103 : memref<128xi32, #tpu.memory_space<hbm>>) target(%arg10 : memref<128xi32, #tpu.memory_space<vmem>>) target_semaphore(%run_scoped3A : memref<!tpu.dma_semaphore, #tpu.memory_space<semaphore_mem>>)
        %dma_wait3A_104 = tpu.memref_slice %arg4[%mul3A_87] : memref<320000xi32, #tpu.memory_space<hbm>> -> memref<128xi32, #tpu.memory_space<hbm>>
        %dma_wait3A_105 = tpu.memref_slice %arg4[%mul3A_87] : memref<320000xi32, #tpu.memory_space<hbm>> -> memref<128xi32, #tpu.memory_space<hbm>>
        tpu.wait_dma2 semaphore(%run_scoped3A : memref<!tpu.dma_semaphore, #tpu.memory_space<semaphore_mem>>) src(%dma_wait3A_105 : memref<128xi32, #tpu.memory_space<hbm>>) dst(%arg10 : memref<128xi32, #tpu.memory_space<vmem>>)
        tpu.yield
      }) : () -> ()
      %dma_start3A = arith.constant 0 : i32
      %dma_start3A_88 = arith.constant 0 : i32
      %dma_start3A_89 = tpu.memref_slice %arg2[%dma_start3A, %dma_start3A_88] : memref<10000x128xf32, #tpu.memory_space<hbm>> -> memref<10000x128xf32, #tpu.memory_space<hbm>>
      tpu.enqueue_indirect_dma source(%dma_start3A_89 : memref<10000x128xf32, #tpu.memory_space<hbm>>) target(%arg13 : memref<128x128xf32, #tpu.memory_space<vmem>>) offsets(%arg9 : memref<128xi32, #tpu.memory_space<vmem>>) semaphore(%arg17 : memref<!tpu.dma_semaphore, #tpu.memory_space<semaphore_mem>>)
      %mul3A_90 = arith.constant 128 : i32
      %mul3A_91 = arith.muli %add3A_83, %mul3A_90 : i32
      "tpu.region"() ({
        %run_scoped3A = tpu.sem_alloc : memref<!tpu.dma_semaphore, #tpu.memory_space<semaphore_mem>>
        %dma_start3A_102 = tpu.memref_slice %arg3[%mul3A_91] : memref<320000xi32, #tpu.memory_space<hbm>> -> memref<128xi32, #tpu.memory_space<hbm>>
        %dma_start3A_103 = tpu.memref_slice %arg3[%mul3A_91] : memref<320000xi32, #tpu.memory_space<hbm>> -> memref<128xi32, #tpu.memory_space<hbm>>
        tpu.enqueue_dma source(%dma_start3A_103 : memref<128xi32, #tpu.memory_space<hbm>>) target(%arg11 : memref<128xi32, #tpu.memory_space<vmem>>) target_semaphore(%run_scoped3A : memref<!tpu.dma_semaphore, #tpu.memory_space<semaphore_mem>>)
        %dma_wait3A_104 = tpu.memref_slice %arg3[%mul3A_91] : memref<320000xi32, #tpu.memory_space<hbm>> -> memref<128xi32, #tpu.memory_space<hbm>>
        %dma_wait3A_105 = tpu.memref_slice %arg3[%mul3A_91] : memref<320000xi32, #tpu.memory_space<hbm>> -> memref<128xi32, #tpu.memory_space<hbm>>
        tpu.wait_dma2 semaphore(%run_scoped3A : memref<!tpu.dma_semaphore, #tpu.memory_space<semaphore_mem>>) src(%dma_wait3A_105 : memref<128xi32, #tpu.memory_space<hbm>>) dst(%arg11 : memref<128xi32, #tpu.memory_space<vmem>>)
        tpu.yield
      }) : () -> ()
      %mul3A_92 = arith.constant 128 : i32
      %mul3A_93 = arith.muli %add3A_83, %mul3A_92 : i32
      "tpu.region"() ({
        %run_scoped3A = tpu.sem_alloc : memref<!tpu.dma_semaphore, #tpu.memory_space<semaphore_mem>>
        %dma_start3A_102 = tpu.memref_slice %arg4[%mul3A_93] : memref<320000xi32, #tpu.memory_space<hbm>> -> memref<128xi32, #tpu.memory_space<hbm>>
        %dma_start3A_103 = tpu.memref_slice %arg4[%mul3A_93] : memref<320000xi32, #tpu.memory_space<hbm>> -> memref<128xi32, #tpu.memory_space<hbm>>
        tpu.enqueue_dma source(%dma_start3A_103 : memref<128xi32, #tpu.memory_space<hbm>>) target(%arg12 : memref<128xi32, #tpu.memory_space<vmem>>) target_semaphore(%run_scoped3A : memref<!tpu.dma_semaphore, #tpu.memory_space<semaphore_mem>>)
        %dma_wait3A_104 = tpu.memref_slice %arg4[%mul3A_93] : memref<320000xi32, #tpu.memory_space<hbm>> -> memref<128xi32, #tpu.memory_space<hbm>>
        %dma_wait3A_105 = tpu.memref_slice %arg4[%mul3A_93] : memref<320000xi32, #tpu.memory_space<hbm>> -> memref<128xi32, #tpu.memory_space<hbm>>
        tpu.wait_dma2 semaphore(%run_scoped3A : memref<!tpu.dma_semaphore, #tpu.memory_space<semaphore_mem>>) src(%dma_wait3A_105 : memref<128xi32, #tpu.memory_space<hbm>>) dst(%arg12 : memref<128xi32, #tpu.memory_space<vmem>>)
        tpu.yield
      }) : () -> ()
      %dma_start3A_94 = arith.constant 0 : i32
      %dma_start3A_95 = arith.constant 0 : i32
      %dma_start3A_96 = tpu.memref_slice %arg2[%dma_start3A_94, %dma_start3A_95] : memref<10000x128xf32, #tpu.memory_space<hbm>> -> memref<10000x128xf32, #tpu.memory_space<hbm>>
      tpu.enqueue_indirect_dma source(%dma_start3A_96 : memref<10000x128xf32, #tpu.memory_space<hbm>>) target(%arg14 : memref<128x128xf32, #tpu.memory_space<vmem>>) offsets(%arg11 : memref<128xi32, #tpu.memory_space<vmem>>) semaphore(%arg18 : memref<!tpu.dma_semaphore, #tpu.memory_space<semaphore_mem>>)
      %dma_wait3A = arith.constant 0 : i32
      %dma_wait3A_97 = arith.constant 0 : i32
      %dma_wait3A_98 = tpu.memref_slice %arg2[%dma_wait3A, %dma_wait3A_97] : memref<10000x128xf32, #tpu.memory_space<hbm>> -> memref<10000x128xf32, #tpu.memory_space<hbm>>
      tpu.wait_indirect_dma semaphore(%arg17 : memref<!tpu.dma_semaphore, #tpu.memory_space<semaphore_mem>>) src(%dma_wait3A_98 : memref<10000x128xf32, #tpu.memory_space<hbm>>) dst(%arg13 : memref<128x128xf32, #tpu.memory_space<vmem>>)
      "tpu.region"() ({
        %run_scoped3A = tpu.sem_alloc : memref<!tpu.dma_semaphore, #tpu.memory_space<semaphore_mem>>
        %dma_start3A_102 = arith.constant 0 : i32
        %dma_start3A_103 = arith.constant 0 : i32
        %dma_start3A_104 = tpu.memref_slice %arg8[%dma_start3A_102, %dma_start3A_103] : memref<10000x128xf32, #tpu.memory_space<vmem_shared>> -> memref<10000x128xf32, #tpu.memory_space<vmem_shared>>
        tpu.enqueue_indirect_dma source(%arg13 : memref<128x128xf32, #tpu.memory_space<vmem>>) target(%dma_start3A_104 : memref<10000x128xf32, #tpu.memory_space<vmem_shared>>) offsets(%arg10 : memref<128xi32, #tpu.memory_space<vmem>>) semaphore(%run_scoped3A : memref<!tpu.dma_semaphore, #tpu.memory_space<semaphore_mem>>) {add = true}
        %dma_wait3A_105 = arith.constant 0 : i32
        %dma_wait3A_106 = arith.constant 0 : i32
        %dma_wait3A_107 = tpu.memref_slice %arg8[%dma_wait3A_105, %dma_wait3A_106] : memref<10000x128xf32, #tpu.memory_space<vmem_shared>> -> memref<10000x128xf32, #tpu.memory_space<vmem_shared>>
        tpu.wait_indirect_dma semaphore(%run_scoped3A : memref<!tpu.dma_semaphore, #tpu.memory_space<semaphore_mem>>) src(%arg13 : memref<128x128xf32, #tpu.memory_space<vmem>>) dst(%dma_wait3A_107 : memref<10000x128xf32, #tpu.memory_space<vmem_shared>>)
        tpu.yield
      }) : () -> ()
      %dma_wait3A_99 = arith.constant 0 : i32
      %dma_wait3A_100 = arith.constant 0 : i32
      %dma_wait3A_101 = tpu.memref_slice %arg2[%dma_wait3A_99, %dma_wait3A_100] : memref<10000x128xf32, #tpu.memory_space<hbm>> -> memref<10000x128xf32, #tpu.memory_space<hbm>>
      tpu.wait_indirect_dma semaphore(%arg18 : memref<!tpu.dma_semaphore, #tpu.memory_space<semaphore_mem>>) src(%dma_wait3A_101 : memref<10000x128xf32, #tpu.memory_space<hbm>>) dst(%arg14 : memref<128x128xf32, #tpu.memory_space<vmem>>)
      "tpu.region"() ({
        %run_scoped3A = tpu.sem_alloc : memref<!tpu.dma_semaphore, #tpu.memory_space<semaphore_mem>>
        %dma_start3A_102 = arith.constant 0 : i32
        %dma_start3A_103 = arith.constant 0 : i32
        %dma_start3A_104 = tpu.memref_slice %arg8[%dma_start3A_102, %dma_start3A_103] : memref<10000x128xf32, #tpu.memory_space<vmem_shared>> -> memref<10000x128xf32, #tpu.memory_space<vmem_shared>>
        tpu.enqueue_indirect_dma source(%arg14 : memref<128x128xf32, #tpu.memory_space<vmem>>) target(%dma_start3A_104 : memref<10000x128xf32, #tpu.memory_space<vmem_shared>>) offsets(%arg12 : memref<128xi32, #tpu.memory_space<vmem>>) semaphore(%run_scoped3A : memref<!tpu.dma_semaphore, #tpu.memory_space<semaphore_mem>>) {add = true}
        %dma_wait3A_105 = arith.constant 0 : i32
        %dma_wait3A_106 = arith.constant 0 : i32
        %dma_wait3A_107 = tpu.memref_slice %arg8[%dma_wait3A_105, %dma_wait3A_106] : memref<10000x128xf32, #tpu.memory_space<vmem_shared>> -> memref<10000x128xf32, #tpu.memory_space<vmem_shared>>
        tpu.wait_indirect_dma semaphore(%run_scoped3A : memref<!tpu.dma_semaphore, #tpu.memory_space<semaphore_mem>>) src(%arg14 : memref<128x128xf32, #tpu.memory_space<vmem>>) dst(%dma_wait3A_107 : memref<10000x128xf32, #tpu.memory_space<vmem_shared>>)
        tpu.yield
      }) : () -> ()
    }
    %scan3A_16 = arith.constant 39 : i32
    %add3A_17 = arith.constant 2496 : i32
    %add3A_18 = arith.addi %add3A, %add3A_17 : i32
    %lt3A = arith.constant 2500 : i32
    %lt3A_19 = arith.cmpi slt, %add3A_18, %lt3A : i32
    %convert_element_type3A_20 = arith.extui %lt3A_19 : i1 to i32
    %cond3A_21 = arith.constant 0 : i32
    %cond3A_22 = arith.cmpi ne, %convert_element_type3A_20, %cond3A_21 : i32
    scf.if %cond3A_22 {
      %mul3A_72 = arith.constant 128 : i32
      %mul3A_73 = arith.muli %add3A_18, %mul3A_72 : i32
      "tpu.region"() ({
        %run_scoped3A = tpu.sem_alloc : memref<!tpu.dma_semaphore, #tpu.memory_space<semaphore_mem>>
        %dma_start3A_80 = tpu.memref_slice %arg3[%mul3A_73] : memref<320000xi32, #tpu.memory_space<hbm>> -> memref<128xi32, #tpu.memory_space<hbm>>
        %dma_start3A_81 = tpu.memref_slice %arg3[%mul3A_73] : memref<320000xi32, #tpu.memory_space<hbm>> -> memref<128xi32, #tpu.memory_space<hbm>>
        tpu.enqueue_dma source(%dma_start3A_81 : memref<128xi32, #tpu.memory_space<hbm>>) target(%arg9 : memref<128xi32, #tpu.memory_space<vmem>>) target_semaphore(%run_scoped3A : memref<!tpu.dma_semaphore, #tpu.memory_space<semaphore_mem>>)
        %dma_wait3A_82 = tpu.memref_slice %arg3[%mul3A_73] : memref<320000xi32, #tpu.memory_space<hbm>> -> memref<128xi32, #tpu.memory_space<hbm>>
        %dma_wait3A_83 = tpu.memref_slice %arg3[%mul3A_73] : memref<320000xi32, #tpu.memory_space<hbm>> -> memref<128xi32, #tpu.memory_space<hbm>>
        tpu.wait_dma2 semaphore(%run_scoped3A : memref<!tpu.dma_semaphore, #tpu.memory_space<semaphore_mem>>) src(%dma_wait3A_83 : memref<128xi32, #tpu.memory_space<hbm>>) dst(%arg9 : memref<128xi32, #tpu.memory_space<vmem>>)
        tpu.yield
      }) : () -> ()
      %mul3A_74 = arith.constant 128 : i32
      %mul3A_75 = arith.muli %add3A_18, %mul3A_74 : i32
      "tpu.region"() ({
        %run_scoped3A = tpu.sem_alloc : memref<!tpu.dma_semaphore, #tpu.memory_space<semaphore_mem>>
        %dma_start3A_80 = tpu.memref_slice %arg4[%mul3A_75] : memref<320000xi32, #tpu.memory_space<hbm>> -> memref<128xi32, #tpu.memory_space<hbm>>
        %dma_start3A_81 = tpu.memref_slice %arg4[%mul3A_75] : memref<320000xi32, #tpu.memory_space<hbm>> -> memref<128xi32, #tpu.memory_space<hbm>>
        tpu.enqueue_dma source(%dma_start3A_81 : memref<128xi32, #tpu.memory_space<hbm>>) target(%arg10 : memref<128xi32, #tpu.memory_space<vmem>>) target_semaphore(%run_scoped3A : memref<!tpu.dma_semaphore, #tpu.memory_space<semaphore_mem>>)
        %dma_wait3A_82 = tpu.memref_slice %arg4[%mul3A_75] : memref<320000xi32, #tpu.memory_space<hbm>> -> memref<128xi32, #tpu.memory_space<hbm>>
        %dma_wait3A_83 = tpu.memref_slice %arg4[%mul3A_75] : memref<320000xi32, #tpu.memory_space<hbm>> -> memref<128xi32, #tpu.memory_space<hbm>>
        tpu.wait_dma2 semaphore(%run_scoped3A : memref<!tpu.dma_semaphore, #tpu.memory_space<semaphore_mem>>) src(%dma_wait3A_83 : memref<128xi32, #tpu.memory_space<hbm>>) dst(%arg10 : memref<128xi32, #tpu.memory_space<vmem>>)
        tpu.yield
      }) : () -> ()
      %dma_start3A = arith.constant 0 : i32
      %dma_start3A_76 = arith.constant 0 : i32
      %dma_start3A_77 = tpu.memref_slice %arg2[%dma_start3A, %dma_start3A_76] : memref<10000x128xf32, #tpu.memory_space<hbm>> -> memref<10000x128xf32, #tpu.memory_space<hbm>>
      tpu.enqueue_indirect_dma source(%dma_start3A_77 : memref<10000x128xf32, #tpu.memory_space<hbm>>) target(%arg13 : memref<128x128xf32, #tpu.memory_space<vmem>>) offsets(%arg9 : memref<128xi32, #tpu.memory_space<vmem>>) semaphore(%arg17 : memref<!tpu.dma_semaphore, #tpu.memory_space<semaphore_mem>>)
      %dma_wait3A = arith.constant 0 : i32
      %dma_wait3A_78 = arith.constant 0 : i32
      %dma_wait3A_79 = tpu.memref_slice %arg2[%dma_wait3A, %dma_wait3A_78] : memref<10000x128xf32, #tpu.memory_space<hbm>> -> memref<10000x128xf32, #tpu.memory_space<hbm>>
      tpu.wait_indirect_dma semaphore(%arg17 : memref<!tpu.dma_semaphore, #tpu.memory_space<semaphore_mem>>) src(%dma_wait3A_79 : memref<10000x128xf32, #tpu.memory_space<hbm>>) dst(%arg13 : memref<128x128xf32, #tpu.memory_space<vmem>>)
      "tpu.region"() ({
        %run_scoped3A = tpu.sem_alloc : memref<!tpu.dma_semaphore, #tpu.memory_space<semaphore_mem>>
        %dma_start3A_80 = arith.constant 0 : i32
        %dma_start3A_81 = arith.constant 0 : i32
        %dma_start3A_82 = tpu.memref_slice %arg8[%dma_start3A_80, %dma_start3A_81] : memref<10000x128xf32, #tpu.memory_space<vmem_shared>> -> memref<10000x128xf32, #tpu.memory_space<vmem_shared>>
        tpu.enqueue_indirect_dma source(%arg13 : memref<128x128xf32, #tpu.memory_space<vmem>>) target(%dma_start3A_82 : memref<10000x128xf32, #tpu.memory_space<vmem_shared>>) offsets(%arg10 : memref<128xi32, #tpu.memory_space<vmem>>) semaphore(%run_scoped3A : memref<!tpu.dma_semaphore, #tpu.memory_space<semaphore_mem>>) {add = true}
        %dma_wait3A_83 = arith.constant 0 : i32
        %dma_wait3A_84 = arith.constant 0 : i32
        %dma_wait3A_85 = tpu.memref_slice %arg8[%dma_wait3A_83, %dma_wait3A_84] : memref<10000x128xf32, #tpu.memory_space<vmem_shared>> -> memref<10000x128xf32, #tpu.memory_space<vmem_shared>>
        tpu.wait_indirect_dma semaphore(%run_scoped3A : memref<!tpu.dma_semaphore, #tpu.memory_space<semaphore_mem>>) src(%arg13 : memref<128x128xf32, #tpu.memory_space<vmem>>) dst(%dma_wait3A_85 : memref<10000x128xf32, #tpu.memory_space<vmem_shared>>)
        tpu.yield
      }) : () -> ()
    } else {
    }
    %barrier3A_23 = arith.constant 0 : index
    tpu.barrier barrier_id(%barrier3A_23)
    %scan3A_24 = arith.constant 0 : i32
    %scan3A_25 = arith.constant 5 : i32
    %scan3A_26 = arith.addi %scan3A_24, %scan3A_25 : i32
    %scan3A_27 = arith.constant 1 : i32
    scf.for %scan3A_72 = %scan3A_24 to %scan3A_26 step %scan3A_27  : i32 {
      %mul3A_73 = arith.constant 1 : i32
      %mul3A_74 = arith.muli %scan3A_72, %mul3A_73 : i32
      %add3A_75 = arith.constant 0 : i32
      %add3A_76 = arith.addi %add3A_75, %mul3A_74 : i32
      %mul3A_77 = arith.constant 16 : i32
      %mul3A_78 = arith.muli %add3A_76, %mul3A_77 : i32
      %add3A_79 = arith.addi %arg1, %mul3A_78 : i32
      %lt3A_80 = arith.constant 78 : i32
      %lt3A_81 = arith.cmpi slt, %add3A_79, %lt3A_80 : i32
      %convert_element_type3A_82 = arith.extui %lt3A_81 : i1 to i32
      %cond3A_83 = arith.constant 0 : i32
      %cond3A_84 = arith.cmpi ne, %convert_element_type3A_82, %cond3A_83 : i32
      scf.if %cond3A_84 {
        %mul3A_85 = arith.constant 128 : i32
        %mul3A_86 = arith.muli %add3A_79, %mul3A_85 : i32
        "tpu.region"() ({
          %run_scoped3A = tpu.sem_alloc : memref<!tpu.dma_semaphore, #tpu.memory_space<semaphore_mem>>
          %dma_start3A = arith.constant 0 : i32
          %dma_start3A_89 = tpu.memref_slice %arg8[%mul3A_86, %dma_start3A] : memref<10000x128xf32, #tpu.memory_space<vmem_shared>> -> memref<128x128xf32, #tpu.memory_space<vmem_shared>>
          %dma_start3A_90 = arith.constant 0 : i32
          %dma_start3A_91 = tpu.memref_slice %arg8[%mul3A_86, %dma_start3A_90] : memref<10000x128xf32, #tpu.memory_space<vmem_shared>> -> memref<128x128xf32, #tpu.memory_space<vmem_shared>>
          tpu.enqueue_dma source(%dma_start3A_91 : memref<128x128xf32, #tpu.memory_space<vmem_shared>>) target(%arg14 : memref<128x128xf32, #tpu.memory_space<vmem>>) target_semaphore(%run_scoped3A : memref<!tpu.dma_semaphore, #tpu.memory_space<semaphore_mem>>)
          %dma_wait3A = arith.constant 0 : i32
          %dma_wait3A_92 = tpu.memref_slice %arg8[%mul3A_86, %dma_wait3A] : memref<10000x128xf32, #tpu.memory_space<vmem_shared>> -> memref<128x128xf32, #tpu.memory_space<vmem_shared>>
          %dma_wait3A_93 = arith.constant 0 : i32
          %dma_wait3A_94 = tpu.memref_slice %arg8[%mul3A_86, %dma_wait3A_93] : memref<10000x128xf32, #tpu.memory_space<vmem_shared>> -> memref<128x128xf32, #tpu.memory_space<vmem_shared>>
          tpu.wait_dma2 semaphore(%run_scoped3A : memref<!tpu.dma_semaphore, #tpu.memory_space<semaphore_mem>>) src(%dma_wait3A_94 : memref<128x128xf32, #tpu.memory_space<vmem_shared>>) dst(%arg14 : memref<128x128xf32, #tpu.memory_space<vmem>>)
          tpu.yield
        }) : () -> ()
        %mul3A_87 = arith.constant 128 : i32
        %mul3A_88 = arith.muli %add3A_79, %mul3A_87 : i32
        "tpu.region"() ({
          %run_scoped3A = tpu.sem_alloc : memref<!tpu.dma_semaphore, #tpu.memory_space<semaphore_mem>>
          %dma_start3A = arith.constant 0 : i32
          %dma_start3A_89 = arith.constant 0 : i32
          %dma_start3A_90 = tpu.memref_slice %arg6[%arg0, %dma_start3A, %dma_start3A_89] : memref<2x10000x128xf32, #tpu.memory_space<hbm>> -> memref<1x10000x128xf32, #tpu.memory_space<hbm>>
          %dma_start3A_91 = tpu.memref_squeeze %dma_start3A_90 : memref<1x10000x128xf32, #tpu.memory_space<hbm>> -> memref<10000x128xf32, #tpu.memory_space<hbm>>
          %dma_start3A_92 = arith.constant 0 : i32
          %dma_start3A_93 = tpu.memref_slice %dma_start3A_91[%mul3A_88, %dma_start3A_92] : memref<10000x128xf32, #tpu.memory_space<hbm>> -> memref<128x128xf32, #tpu.memory_space<hbm>>
          %dma_start3A_94 = arith.constant 0 : i32
          %dma_start3A_95 = arith.constant 0 : i32
          %dma_start3A_96 = tpu.memref_slice %arg6[%arg0, %dma_start3A_94, %dma_start3A_95] : memref<2x10000x128xf32, #tpu.memory_space<hbm>> -> memref<1x10000x128xf32, #tpu.memory_space<hbm>>
          %dma_start3A_97 = tpu.memref_squeeze %dma_start3A_96 : memref<1x10000x128xf32, #tpu.memory_space<hbm>> -> memref<10000x128xf32, #tpu.memory_space<hbm>>
          %dma_start3A_98 = arith.constant 0 : i32
          %dma_start3A_99 = tpu.memref_slice %dma_start3A_97[%mul3A_88, %dma_start3A_98] : memref<10000x128xf32, #tpu.memory_space<hbm>> -> memref<128x128xf32, #tpu.memory_space<hbm>>
          tpu.enqueue_dma source(%arg14 : memref<128x128xf32, #tpu.memory_space<vmem>>) target(%dma_start3A_99 : memref<128x128xf32, #tpu.memory_space<hbm>>) target_semaphore(%run_scoped3A : memref<!tpu.dma_semaphore, #tpu.memory_space<semaphore_mem>>)
          %dma_wait3A = arith.constant 0 : i32
          %dma_wait3A_100 = arith.constant 0 : i32
          %dma_wait3A_101 = tpu.memref_slice %arg6[%arg0, %dma_wait3A, %dma_wait3A_100] : memref<2x10000x128xf32, #tpu.memory_space<hbm>> -> memref<1x10000x128xf32, #tpu.memory_space<hbm>>
          %dma_wait3A_102 = tpu.memref_squeeze %dma_wait3A_101 : memref<1x10000x128xf32, #tpu.memory_space<hbm>> -> memref<10000x128xf32, #tpu.memory_space<hbm>>
          %dma_wait3A_103 = arith.constant 0 : i32
          %dma_wait3A_104 = tpu.memref_slice %dma_wait3A_102[%mul3A_88, %dma_wait3A_103] : memref<10000x128xf32, #tpu.memory_space<hbm>> -> memref<128x128xf32, #tpu.memory_space<hbm>>
          %dma_wait3A_105 = arith.constant 0 : i32
          %dma_wait3A_106 = arith.constant 0 : i32
          %dma_wait3A_107 = tpu.memref_slice %arg6[%arg0, %dma_wait3A_105, %dma_wait3A_106] : memref<2x10000x128xf32, #tpu.memory_space<hbm>> -> memref<1x10000x128xf32, #tpu.memory_space<hbm>>
          %dma_wait3A_108 = tpu.memref_squeeze %dma_wait3A_107 : memref<1x10000x128xf32, #tpu.memory_space<hbm>> -> memref<10000x128xf32, #tpu.memory_space<hbm>>
          %dma_wait3A_109 = arith.constant 0 : i32
          %dma_wait3A_110 = tpu.memref_slice %dma_wait3A_108[%mul3A_88, %dma_wait3A_109] : memref<10000x128xf32, #tpu.memory_space<hbm>> -> memref<128x128xf32, #tpu.memory_space<hbm>>
          tpu.wait_dma2 semaphore(%run_scoped3A : memref<!tpu.dma_semaphore, #tpu.memory_space<semaphore_mem>>) src(%arg14 : memref<128x128xf32, #tpu.memory_space<vmem>>) dst(%dma_wait3A_110 : memref<128x128xf32, #tpu.memory_space<hbm>>)
          tpu.yield
        }) : () -> ()
      } else {
      }
    }
    %scan3A_28 = arith.constant 5 : i32
    %eq3A_29 = arith.constant 0 : i32
    %eq3A_30 = arith.cmpi eq, %arg1, %eq3A_29 : i32
    %convert_element_type3A_31 = arith.extui %eq3A_30 : i1 to i32
    %cond3A_32 = arith.constant 0 : i32
    %cond3A_33 = arith.cmpi ne, %convert_element_type3A_31, %cond3A_32 : i32
    scf.if %cond3A_33 {
      "tpu.region"() ({
        %run_scoped3A = tpu.sem_alloc : memref<!tpu.dma_semaphore, #tpu.memory_space<semaphore_mem>>
        %dma_start3A = arith.constant 0 : i32
        %dma_start3A_72 = arith.constant 0 : i32
        %dma_start3A_73 = tpu.memref_slice %arg14[%dma_start3A, %dma_start3A_72] : memref<128x128xf32, #tpu.memory_space<vmem>> -> memref<16x128xf32, #tpu.memory_space<vmem>>
        %dma_start3A_74 = arith.constant 9984 : i32
        %dma_start3A_75 = arith.constant 0 : i32
        %dma_start3A_76 = tpu.memref_slice %arg8[%dma_start3A_74, %dma_start3A_75] : memref<10000x128xf32, #tpu.memory_space<vmem_shared>> -> memref<16x128xf32, #tpu.memory_space<vmem_shared>>
        %dma_start3A_77 = arith.constant 0 : i32
        %dma_start3A_78 = arith.constant 0 : i32
        %dma_start3A_79 = tpu.memref_slice %arg14[%dma_start3A_77, %dma_start3A_78] : memref<128x128xf32, #tpu.memory_space<vmem>> -> memref<16x128xf32, #tpu.memory_space<vmem>>
        %dma_start3A_80 = arith.constant 9984 : i32
        %dma_start3A_81 = arith.constant 0 : i32
        %dma_start3A_82 = tpu.memref_slice %arg8[%dma_start3A_80, %dma_start3A_81] : memref<10000x128xf32, #tpu.memory_space<vmem_shared>> -> memref<16x128xf32, #tpu.memory_space<vmem_shared>>
        tpu.enqueue_dma source(%dma_start3A_82 : memref<16x128xf32, #tpu.memory_space<vmem_shared>>) target(%dma_start3A_79 : memref<16x128xf32, #tpu.memory_space<vmem>>) target_semaphore(%run_scoped3A : memref<!tpu.dma_semaphore, #tpu.memory_space<semaphore_mem>>)
        %dma_wait3A = arith.constant 0 : i32
        %dma_wait3A_83 = arith.constant 0 : i32
        %dma_wait3A_84 = tpu.memref_slice %arg14[%dma_wait3A, %dma_wait3A_83] : memref<128x128xf32, #tpu.memory_space<vmem>> -> memref<16x128xf32, #tpu.memory_space<vmem>>
        %dma_wait3A_85 = arith.constant 9984 : i32
        %dma_wait3A_86 = arith.constant 0 : i32
        %dma_wait3A_87 = tpu.memref_slice %arg8[%dma_wait3A_85, %dma_wait3A_86] : memref<10000x128xf32, #tpu.memory_space<vmem_shared>> -> memref<16x128xf32, #tpu.memory_space<vmem_shared>>
        %dma_wait3A_88 = arith.constant 0 : i32
        %dma_wait3A_89 = arith.constant 0 : i32
        %dma_wait3A_90 = tpu.memref_slice %arg14[%dma_wait3A_88, %dma_wait3A_89] : memref<128x128xf32, #tpu.memory_space<vmem>> -> memref<16x128xf32, #tpu.memory_space<vmem>>
        %dma_wait3A_91 = arith.constant 9984 : i32
        %dma_wait3A_92 = arith.constant 0 : i32
        %dma_wait3A_93 = tpu.memref_slice %arg8[%dma_wait3A_91, %dma_wait3A_92] : memref<10000x128xf32, #tpu.memory_space<vmem_shared>> -> memref<16x128xf32, #tpu.memory_space<vmem_shared>>
        tpu.wait_dma2 semaphore(%run_scoped3A : memref<!tpu.dma_semaphore, #tpu.memory_space<semaphore_mem>>) src(%dma_wait3A_93 : memref<16x128xf32, #tpu.memory_space<vmem_shared>>) dst(%dma_wait3A_90 : memref<16x128xf32, #tpu.memory_space<vmem>>)
        tpu.yield
      }) : () -> ()
      "tpu.region"() ({
        %run_scoped3A = tpu.sem_alloc : memref<!tpu.dma_semaphore, #tpu.memory_space<semaphore_mem>>
        %dma_start3A = arith.constant 0 : i32
        %dma_start3A_72 = arith.constant 0 : i32
        %dma_start3A_73 = tpu.memref_slice %arg14[%dma_start3A, %dma_start3A_72] : memref<128x128xf32, #tpu.memory_space<vmem>> -> memref<16x128xf32, #tpu.memory_space<vmem>>
        %dma_start3A_74 = arith.constant 0 : i32
        %dma_start3A_75 = arith.constant 0 : i32
        %dma_start3A_76 = tpu.memref_slice %arg6[%arg0, %dma_start3A_74, %dma_start3A_75] : memref<2x10000x128xf32, #tpu.memory_space<hbm>> -> memref<1x10000x128xf32, #tpu.memory_space<hbm>>
        %dma_start3A_77 = tpu.memref_squeeze %dma_start3A_76 : memref<1x10000x128xf32, #tpu.memory_space<hbm>> -> memref<10000x128xf32, #tpu.memory_space<hbm>>
        %dma_start3A_78 = arith.constant 9984 : i32
        %dma_start3A_79 = arith.constant 0 : i32
        %dma_start3A_80 = tpu.memref_slice %dma_start3A_77[%dma_start3A_78, %dma_start3A_79] : memref<10000x128xf32, #tpu.memory_space<hbm>> -> memref<16x128xf32, #tpu.memory_space<hbm>>
        %dma_start3A_81 = arith.constant 0 : i32
        %dma_start3A_82 = arith.constant 0 : i32
        %dma_start3A_83 = tpu.memref_slice %arg6[%arg0, %dma_start3A_81, %dma_start3A_82] : memref<2x10000x128xf32, #tpu.memory_space<hbm>> -> memref<1x10000x128xf32, #tpu.memory_space<hbm>>
        %dma_start3A_84 = tpu.memref_squeeze %dma_start3A_83 : memref<1x10000x128xf32, #tpu.memory_space<hbm>> -> memref<10000x128xf32, #tpu.memory_space<hbm>>
        %dma_start3A_85 = arith.constant 9984 : i32
        %dma_start3A_86 = arith.constant 0 : i32
        %dma_start3A_87 = tpu.memref_slice %dma_start3A_84[%dma_start3A_85, %dma_start3A_86] : memref<10000x128xf32, #tpu.memory_space<hbm>> -> memref<16x128xf32, #tpu.memory_space<hbm>>
        %dma_start3A_88 = arith.constant 0 : i32
        %dma_start3A_89 = arith.constant 0 : i32
        %dma_start3A_90 = tpu.memref_slice %arg14[%dma_start3A_88, %dma_start3A_89] : memref<128x128xf32, #tpu.memory_space<vmem>> -> memref<16x128xf32, #tpu.memory_space<vmem>>
        tpu.enqueue_dma source(%dma_start3A_90 : memref<16x128xf32, #tpu.memory_space<vmem>>) target(%dma_start3A_87 : memref<16x128xf32, #tpu.memory_space<hbm>>) target_semaphore(%run_scoped3A : memref<!tpu.dma_semaphore, #tpu.memory_space<semaphore_mem>>)
        %dma_wait3A = arith.constant 0 : i32
        %dma_wait3A_91 = arith.constant 0 : i32
        %dma_wait3A_92 = tpu.memref_slice %arg14[%dma_wait3A, %dma_wait3A_91] : memref<128x128xf32, #tpu.memory_space<vmem>> -> memref<16x128xf32, #tpu.memory_space<vmem>>
        %dma_wait3A_93 = arith.constant 0 : i32
        %dma_wait3A_94 = arith.constant 0 : i32
        %dma_wait3A_95 = tpu.memref_slice %arg6[%arg0, %dma_wait3A_93, %dma_wait3A_94] : memref<2x10000x128xf32, #tpu.memory_space<hbm>> -> memref<1x10000x128xf32, #tpu.memory_space<hbm>>
        %dma_wait3A_96 = tpu.memref_squeeze %dma_wait3A_95 : memref<1x10000x128xf32, #tpu.memory_space<hbm>> -> memref<10000x128xf32, #tpu.memory_space<hbm>>
        %dma_wait3A_97 = arith.constant 9984 : i32
        %dma_wait3A_98 = arith.constant 0 : i32
        %dma_wait3A_99 = tpu.memref_slice %dma_wait3A_96[%dma_wait3A_97, %dma_wait3A_98] : memref<10000x128xf32, #tpu.memory_space<hbm>> -> memref<16x128xf32, #tpu.memory_space<hbm>>
        %dma_wait3A_100 = arith.constant 0 : i32
        %dma_wait3A_101 = arith.constant 0 : i32
        %dma_wait3A_102 = tpu.memref_slice %arg6[%arg0, %dma_wait3A_100, %dma_wait3A_101] : memref<2x10000x128xf32, #tpu.memory_space<hbm>> -> memref<1x10000x128xf32, #tpu.memory_space<hbm>>
        %dma_wait3A_103 = tpu.memref_squeeze %dma_wait3A_102 : memref<1x10000x128xf32, #tpu.memory_space<hbm>> -> memref<10000x128xf32, #tpu.memory_space<hbm>>
        %dma_wait3A_104 = arith.constant 9984 : i32
        %dma_wait3A_105 = arith.constant 0 : i32
        %dma_wait3A_106 = tpu.memref_slice %dma_wait3A_103[%dma_wait3A_104, %dma_wait3A_105] : memref<10000x128xf32, #tpu.memory_space<hbm>> -> memref<16x128xf32, #tpu.memory_space<hbm>>
        %dma_wait3A_107 = arith.constant 0 : i32
        %dma_wait3A_108 = arith.constant 0 : i32
        %dma_wait3A_109 = tpu.memref_slice %arg14[%dma_wait3A_107, %dma_wait3A_108] : memref<128x128xf32, #tpu.memory_space<vmem>> -> memref<16x128xf32, #tpu.memory_space<vmem>>
        tpu.wait_dma2 semaphore(%run_scoped3A : memref<!tpu.dma_semaphore, #tpu.memory_space<semaphore_mem>>) src(%dma_wait3A_109 : memref<16x128xf32, #tpu.memory_space<vmem>>) dst(%dma_wait3A_106 : memref<16x128xf32, #tpu.memory_space<hbm>>)
        tpu.yield
      }) : () -> ()
    } else {
    }
    %barrier3A_34 = arith.constant 0 : index
    tpu.barrier barrier_id(%barrier3A_34)
    %scan3A_35 = arith.constant 0 : i32
    %scan3A_36 = arith.constant 128 : i32
    %scan3A_37 = arith.addi %scan3A_35, %scan3A_36 : i32
    %scan3A_38 = arith.constant 1 : i32
    scf.for %scan3A_72 = %scan3A_35 to %scan3A_37 step %scan3A_38  : i32 {
      %mul3A_73 = arith.constant 1 : i32
      %mul3A_74 = arith.muli %scan3A_72, %mul3A_73 : i32
      %add3A_75 = arith.constant 0 : i32
      %add3A_76 = arith.addi %add3A_75, %mul3A_74 : i32
      %broadcast_in_dim3A = arith.constant 0.000000e+00 : f32
      %broadcast_in_dim3A_77 = vector.broadcast %broadcast_in_dim3A : f32 to vector<16xf32>
      %swap3A = arith.index_cast %add3A_76 : i32 to index
      %swap3A_78 = arith.constant 0 : index
      %swap3A_79 = tpu.vector_load %arg13[%swap3A, %swap3A_78] {strides = array<i32>} : memref<128x128xf32, #tpu.memory_space<vmem>>, vector<1x16xf32>,
      %swap3A_80 = vector.shape_cast %swap3A_79 : vector<1x16xf32> to vector<16xf32>
      %swap3A_81 = vector.shape_cast %broadcast_in_dim3A_77 : vector<16xf32> to vector<1x16xf32>
      tpu.vector_store %arg13[%swap3A, %swap3A_78], %swap3A_81 {strides = array<i32>} : memref<128x128xf32, #tpu.memory_space<vmem>>, vector<1x16xf32>,
      %broadcast_in_dim3A_82 = arith.constant 0.000000e+00 : f32
      %broadcast_in_dim3A_83 = vector.broadcast %broadcast_in_dim3A_82 : f32 to vector<16xf32>
      %swap3A_84 = arith.index_cast %add3A_76 : i32 to index
      %swap3A_85 = arith.constant 16 : index
      %swap3A_86 = tpu.vector_load %arg13[%swap3A_84, %swap3A_85] {strides = array<i32>} : memref<128x128xf32, #tpu.memory_space<vmem>>, vector<1x16xf32>,
      %swap3A_87 = vector.shape_cast %swap3A_86 : vector<1x16xf32> to vector<16xf32>
      %swap3A_88 = vector.shape_cast %broadcast_in_dim3A_83 : vector<16xf32> to vector<1x16xf32>
      tpu.vector_store %arg13[%swap3A_84, %swap3A_85], %swap3A_88 {strides = array<i32>} : memref<128x128xf32, #tpu.memory_space<vmem>>, vector<1x16xf32>,
      %broadcast_in_dim3A_89 = arith.constant 0.000000e+00 : f32
      %broadcast_in_dim3A_90 = vector.broadcast %broadcast_in_dim3A_89 : f32 to vector<16xf32>
      %swap3A_91 = arith.index_cast %add3A_76 : i32 to index
      %swap3A_92 = arith.constant 32 : index
      %swap3A_93 = tpu.vector_load %arg13[%swap3A_91, %swap3A_92] {strides = array<i32>} : memref<128x128xf32, #tpu.memory_space<vmem>>, vector<1x16xf32>,
      %swap3A_94 = vector.shape_cast %swap3A_93 : vector<1x16xf32> to vector<16xf32>
      %swap3A_95 = vector.shape_cast %broadcast_in_dim3A_90 : vector<16xf32> to vector<1x16xf32>
      tpu.vector_store %arg13[%swap3A_91, %swap3A_92], %swap3A_95 {strides = array<i32>} : memref<128x128xf32, #tpu.memory_space<vmem>>, vector<1x16xf32>,
      %broadcast_in_dim3A_96 = arith.constant 0.000000e+00 : f32
      %broadcast_in_dim3A_97 = vector.broadcast %broadcast_in_dim3A_96 : f32 to vector<16xf32>
      %swap3A_98 = arith.index_cast %add3A_76 : i32 to index
      %swap3A_99 = arith.constant 48 : index
      %swap3A_100 = tpu.vector_load %arg13[%swap3A_98, %swap3A_99] {strides = array<i32>} : memref<128x128xf32, #tpu.memory_space<vmem>>, vector<1x16xf32>,
      %swap3A_101 = vector.shape_cast %swap3A_100 : vector<1x16xf32> to vector<16xf32>
      %swap3A_102 = vector.shape_cast %broadcast_in_dim3A_97 : vector<16xf32> to vector<1x16xf32>
      tpu.vector_store %arg13[%swap3A_98, %swap3A_99], %swap3A_102 {strides = array<i32>} : memref<128x128xf32, #tpu.memory_space<vmem>>, vector<1x16xf32>,
      %broadcast_in_dim3A_103 = arith.constant 0.000000e+00 : f32
      %broadcast_in_dim3A_104 = vector.broadcast %broadcast_in_dim3A_103 : f32 to vector<16xf32>
      %swap3A_105 = arith.index_cast %add3A_76 : i32 to index
      %swap3A_106 = arith.constant 64 : index
      %swap3A_107 = tpu.vector_load %arg13[%swap3A_105, %swap3A_106] {strides = array<i32>} : memref<128x128xf32, #tpu.memory_space<vmem>>, vector<1x16xf32>,
      %swap3A_108 = vector.shape_cast %swap3A_107 : vector<1x16xf32> to vector<16xf32>
      %swap3A_109 = vector.shape_cast %broadcast_in_dim3A_104 : vector<16xf32> to vector<1x16xf32>
      tpu.vector_store %arg13[%swap3A_105, %swap3A_106], %swap3A_109 {strides = array<i32>} : memref<128x128xf32, #tpu.memory_space<vmem>>, vector<1x16xf32>,
      %broadcast_in_dim3A_110 = arith.constant 0.000000e+00 : f32
      %broadcast_in_dim3A_111 = vector.broadcast %broadcast_in_dim3A_110 : f32 to vector<16xf32>
      %swap3A_112 = arith.index_cast %add3A_76 : i32 to index
      %swap3A_113 = arith.constant 80 : index
      %swap3A_114 = tpu.vector_load %arg13[%swap3A_112, %swap3A_113] {strides = array<i32>} : memref<128x128xf32, #tpu.memory_space<vmem>>, vector<1x16xf32>,
      %swap3A_115 = vector.shape_cast %swap3A_114 : vector<1x16xf32> to vector<16xf32>
      %swap3A_116 = vector.shape_cast %broadcast_in_dim3A_111 : vector<16xf32> to vector<1x16xf32>
      tpu.vector_store %arg13[%swap3A_112, %swap3A_113], %swap3A_116 {strides = array<i32>} : memref<128x128xf32, #tpu.memory_space<vmem>>, vector<1x16xf32>,
      %broadcast_in_dim3A_117 = arith.constant 0.000000e+00 : f32
      %broadcast_in_dim3A_118 = vector.broadcast %broadcast_in_dim3A_117 : f32 to vector<16xf32>
      %swap3A_119 = arith.index_cast %add3A_76 : i32 to index
      %swap3A_120 = arith.constant 96 : index
      %swap3A_121 = tpu.vector_load %arg13[%swap3A_119, %swap3A_120] {strides = array<i32>} : memref<128x128xf32, #tpu.memory_space<vmem>>, vector<1x16xf32>,
      %swap3A_122 = vector.shape_cast %swap3A_121 : vector<1x16xf32> to vector<16xf32>
      %swap3A_123 = vector.shape_cast %broadcast_in_dim3A_118 : vector<16xf32> to vector<1x16xf32>
      tpu.vector_store %arg13[%swap3A_119, %swap3A_120], %swap3A_123 {strides = array<i32>} : memref<128x128xf32, #tpu.memory_space<vmem>>, vector<1x16xf32>,
      %broadcast_in_dim3A_124 = arith.constant 0.000000e+00 : f32
      %broadcast_in_dim3A_125 = vector.broadcast %broadcast_in_dim3A_124 : f32 to vector<16xf32>
      %swap3A_126 = arith.index_cast %add3A_76 : i32 to index
      %swap3A_127 = arith.constant 112 : index
      %swap3A_128 = tpu.vector_load %arg13[%swap3A_126, %swap3A_127] {strides = array<i32>} : memref<128x128xf32, #tpu.memory_space<vmem>>, vector<1x16xf32>,
      %swap3A_129 = vector.shape_cast %swap3A_128 : vector<1x16xf32> to vector<16xf32>
      %swap3A_130 = vector.shape_cast %broadcast_in_dim3A_125 : vector<16xf32> to vector<1x16xf32>
      tpu.vector_store %arg13[%swap3A_126, %swap3A_127], %swap3A_130 {strides = array<i32>} : memref<128x128xf32, #tpu.memory_space<vmem>>, vector<1x16xf32>,
    }
    %scan3A_39 = arith.constant 128 : i32
    %scan3A_40 = arith.constant 0 : i32
    %scan3A_41 = arith.constant 5 : i32
    %scan3A_42 = arith.addi %scan3A_40, %scan3A_41 : i32
    %scan3A_43 = arith.constant 1 : i32
    scf.for %scan3A_72 = %scan3A_40 to %scan3A_42 step %scan3A_43  : i32 {
      %mul3A_73 = arith.constant 1 : i32
      %mul3A_74 = arith.muli %scan3A_72, %mul3A_73 : i32
      %add3A_75 = arith.constant 0 : i32
      %add3A_76 = arith.addi %add3A_75, %mul3A_74 : i32
      %mul3A_77 = arith.constant 16 : i32
      %mul3A_78 = arith.muli %add3A_76, %mul3A_77 : i32
      %add3A_79 = arith.addi %arg1, %mul3A_78 : i32
      %lt3A_80 = arith.constant 78 : i32
      %lt3A_81 = arith.cmpi slt, %add3A_79, %lt3A_80 : i32
      %convert_element_type3A_82 = arith.extui %lt3A_81 : i1 to i32
      %cond3A_83 = arith.constant 0 : i32
      %cond3A_84 = arith.cmpi ne, %convert_element_type3A_82, %cond3A_83 : i32
      scf.if %cond3A_84 {
        %mul3A_85 = arith.constant 128 : i32
        %mul3A_86 = arith.muli %add3A_79, %mul3A_85 : i32
        "tpu.region"() ({
          %run_scoped3A = tpu.sem_alloc : memref<!tpu.dma_semaphore, #tpu.memory_space<semaphore_mem>>
          %dma_start3A = arith.constant 0 : i32
          %dma_start3A_87 = tpu.memref_slice %arg8[%mul3A_86, %dma_start3A] : memref<10000x128xf32, #tpu.memory_space<vmem_shared>> -> memref<128x128xf32, #tpu.memory_space<vmem_shared>>
          %dma_start3A_88 = arith.constant 0 : i32
          %dma_start3A_89 = tpu.memref_slice %arg8[%mul3A_86, %dma_start3A_88] : memref<10000x128xf32, #tpu.memory_space<vmem_shared>> -> memref<128x128xf32, #tpu.memory_space<vmem_shared>>
          tpu.enqueue_dma source(%arg13 : memref<128x128xf32, #tpu.memory_space<vmem>>) target(%dma_start3A_89 : memref<128x128xf32, #tpu.memory_space<vmem_shared>>) target_semaphore(%run_scoped3A : memref<!tpu.dma_semaphore, #tpu.memory_space<semaphore_mem>>)
          %dma_wait3A = arith.constant 0 : i32
          %dma_wait3A_90 = tpu.memref_slice %arg8[%mul3A_86, %dma_wait3A] : memref<10000x128xf32, #tpu.memory_space<vmem_shared>> -> memref<128x128xf32, #tpu.memory_space<vmem_shared>>
          %dma_wait3A_91 = arith.constant 0 : i32
          %dma_wait3A_92 = tpu.memref_slice %arg8[%mul3A_86, %dma_wait3A_91] : memref<10000x128xf32, #tpu.memory_space<vmem_shared>> -> memref<128x128xf32, #tpu.memory_space<vmem_shared>>
          tpu.wait_dma2 semaphore(%run_scoped3A : memref<!tpu.dma_semaphore, #tpu.memory_space<semaphore_mem>>) src(%arg13 : memref<128x128xf32, #tpu.memory_space<vmem>>) dst(%dma_wait3A_92 : memref<128x128xf32, #tpu.memory_space<vmem_shared>>)
          tpu.yield
        }) : () -> ()
      } else {
      }
    }
    %scan3A_44 = arith.constant 5 : i32
    %eq3A_45 = arith.constant 15 : i32
    %eq3A_46 = arith.cmpi eq, %arg1, %eq3A_45 : i32
    %convert_element_type3A_47 = arith.extui %eq3A_46 : i1 to i32
    %cond3A_48 = arith.constant 0 : i32
    %cond3A_49 = arith.cmpi ne, %convert_element_type3A_47, %cond3A_48 : i32
    scf.if %cond3A_49 {
      "tpu.region"() ({
        %run_scoped3A = tpu.sem_alloc : memref<!tpu.dma_semaphore, #tpu.memory_space<semaphore_mem>>
        %dma_start3A = arith.constant 0 : i32
        %dma_start3A_72 = arith.constant 0 : i32
        %dma_start3A_73 = tpu.memref_slice %arg13[%dma_start3A, %dma_start3A_72] : memref<128x128xf32, #tpu.memory_space<vmem>> -> memref<16x128xf32, #tpu.memory_space<vmem>>
        %dma_start3A_74 = arith.constant 9984 : i32
        %dma_start3A_75 = arith.constant 0 : i32
        %dma_start3A_76 = tpu.memref_slice %arg8[%dma_start3A_74, %dma_start3A_75] : memref<10000x128xf32, #tpu.memory_space<vmem_shared>> -> memref<16x128xf32, #tpu.memory_space<vmem_shared>>
        %dma_start3A_77 = arith.constant 9984 : i32
        %dma_start3A_78 = arith.constant 0 : i32
        %dma_start3A_79 = tpu.memref_slice %arg8[%dma_start3A_77, %dma_start3A_78] : memref<10000x128xf32, #tpu.memory_space<vmem_shared>> -> memref<16x128xf32, #tpu.memory_space<vmem_shared>>
        %dma_start3A_80 = arith.constant 0 : i32
        %dma_start3A_81 = arith.constant 0 : i32
        %dma_start3A_82 = tpu.memref_slice %arg13[%dma_start3A_80, %dma_start3A_81] : memref<128x128xf32, #tpu.memory_space<vmem>> -> memref<16x128xf32, #tpu.memory_space<vmem>>
        tpu.enqueue_dma source(%dma_start3A_82 : memref<16x128xf32, #tpu.memory_space<vmem>>) target(%dma_start3A_79 : memref<16x128xf32, #tpu.memory_space<vmem_shared>>) target_semaphore(%run_scoped3A : memref<!tpu.dma_semaphore, #tpu.memory_space<semaphore_mem>>)
        %dma_wait3A = arith.constant 0 : i32
        %dma_wait3A_83 = arith.constant 0 : i32
        %dma_wait3A_84 = tpu.memref_slice %arg13[%dma_wait3A, %dma_wait3A_83] : memref<128x128xf32, #tpu.memory_space<vmem>> -> memref<16x128xf32, #tpu.memory_space<vmem>>
        %dma_wait3A_85 = arith.constant 9984 : i32
        %dma_wait3A_86 = arith.constant 0 : i32
        %dma_wait3A_87 = tpu.memref_slice %arg8[%dma_wait3A_85, %dma_wait3A_86] : memref<10000x128xf32, #tpu.memory_space<vmem_shared>> -> memref<16x128xf32, #tpu.memory_space<vmem_shared>>
        %dma_wait3A_88 = arith.constant 9984 : i32
        %dma_wait3A_89 = arith.constant 0 : i32
        %dma_wait3A_90 = tpu.memref_slice %arg8[%dma_wait3A_88, %dma_wait3A_89] : memref<10000x128xf32, #tpu.memory_space<vmem_shared>> -> memref<16x128xf32, #tpu.memory_space<vmem_shared>>
        %dma_wait3A_91 = arith.constant 0 : i32
        %dma_wait3A_92 = arith.constant 0 : i32
        %dma_wait3A_93 = tpu.memref_slice %arg13[%dma_wait3A_91, %dma_wait3A_92] : memref<128x128xf32, #tpu.memory_space<vmem>> -> memref<16x128xf32, #tpu.memory_space<vmem>>
        tpu.wait_dma2 semaphore(%run_scoped3A : memref<!tpu.dma_semaphore, #tpu.memory_space<semaphore_mem>>) src(%dma_wait3A_93 : memref<16x128xf32, #tpu.memory_space<vmem>>) dst(%dma_wait3A_90 : memref<16x128xf32, #tpu.memory_space<vmem_shared>>)
        tpu.yield
      }) : () -> ()
    } else {
    }
    %barrier3A_50 = arith.constant 0 : index
    tpu.barrier barrier_id(%barrier3A_50)
    %scan3A_51 = arith.constant 0 : i32
    %scan3A_52 = arith.constant 128 : i32
    %scan3A_53 = arith.addi %scan3A_51, %scan3A_52 : i32
    %scan3A_54 = arith.constant 1 : i32
    scf.for %scan3A_72 = %scan3A_51 to %scan3A_53 step %scan3A_54  : i32 {
      %mul3A_73 = arith.constant 1 : i32
      %mul3A_74 = arith.muli %scan3A_72, %mul3A_73 : i32
      %add3A_75 = arith.constant 0 : i32
      %add3A_76 = arith.addi %add3A_75, %mul3A_74 : i32
      %broadcast_in_dim3A = arith.constant 1.000000e+00 : f32
      %broadcast_in_dim3A_77 = vector.broadcast %broadcast_in_dim3A : f32 to vector<16xf32>
      %swap3A = arith.index_cast %add3A_76 : i32 to index
      %swap3A_78 = arith.constant 16 : index
      %swap3A_79 = tpu.vector_load %arg13[%swap3A, %swap3A_78] {strides = array<i32>} : memref<128x128xf32, #tpu.memory_space<vmem>>, vector<1x16xf32>,
      %swap3A_80 = vector.shape_cast %swap3A_79 : vector<1x16xf32> to vector<16xf32>
      %swap3A_81 = vector.shape_cast %broadcast_in_dim3A_77 : vector<16xf32> to vector<1x16xf32>
      tpu.vector_store %arg13[%swap3A, %swap3A_78], %swap3A_81 {strides = array<i32>} : memref<128x128xf32, #tpu.memory_space<vmem>>, vector<1x16xf32>,
    }
    %scan3A_55 = arith.constant 128 : i32
    %scan3A_56 = arith.constant 0 : i32
    %scan3A_57 = arith.constant 79 : i32
    %scan3A_58 = arith.addi %scan3A_56, %scan3A_57 : i32
    %scan3A_59 = arith.constant 1 : i32
    scf.for %scan3A_72 = %scan3A_56 to %scan3A_58 step %scan3A_59  : i32 {
      %mul3A_73 = arith.constant 1 : i32
      %mul3A_74 = arith.muli %scan3A_72, %mul3A_73 : i32
      %add3A_75 = arith.constant 0 : i32
      %add3A_76 = arith.addi %add3A_75, %mul3A_74 : i32
      %mul3A_77 = arith.constant 32 : i32
      %mul3A_78 = arith.muli %add3A_76, %mul3A_77 : i32
      %add3A_79 = arith.addi %add3A, %mul3A_78 : i32
      %lt3A_80 = arith.constant 2500 : i32
      %lt3A_81 = arith.cmpi slt, %add3A_79, %lt3A_80 : i32
      %convert_element_type3A_82 = arith.extui %lt3A_81 : i1 to i32
      %cond3A_83 = arith.constant 0 : i32
      %cond3A_84 = arith.cmpi ne, %convert_element_type3A_82, %cond3A_83 : i32
      scf.if %cond3A_84 {
        %mul3A_85 = arith.constant 128 : i32
        %mul3A_86 = arith.muli %add3A_79, %mul3A_85 : i32
        "tpu.region"() ({
          %run_scoped3A = tpu.sem_alloc : memref<!tpu.dma_semaphore, #tpu.memory_space<semaphore_mem>>
          %dma_start3A = tpu.memref_slice %arg4[%mul3A_86] : memref<320000xi32, #tpu.memory_space<hbm>> -> memref<128xi32, #tpu.memory_space<hbm>>
          %dma_start3A_1495 = tpu.memref_slice %arg4[%mul3A_86] : memref<320000xi32, #tpu.memory_space<hbm>> -> memref<128xi32, #tpu.memory_space<hbm>>
          tpu.enqueue_dma source(%dma_start3A_1495 : memref<128xi32, #tpu.memory_space<hbm>>) target(%arg10 : memref<128xi32, #tpu.memory_space<vmem>>) target_semaphore(%run_scoped3A : memref<!tpu.dma_semaphore, #tpu.memory_space<semaphore_mem>>)
          %dma_wait3A = tpu.memref_slice %arg4[%mul3A_86] : memref<320000xi32, #tpu.memory_space<hbm>> -> memref<128xi32, #tpu.memory_space<hbm>>
          %dma_wait3A_1496 = tpu.memref_slice %arg4[%mul3A_86] : memref<320000xi32, #tpu.memory_space<hbm>> -> memref<128xi32, #tpu.memory_space<hbm>>
          tpu.wait_dma2 semaphore(%run_scoped3A : memref<!tpu.dma_semaphore, #tpu.memory_space<semaphore_mem>>) src(%dma_wait3A_1496 : memref<128xi32, #tpu.memory_space<hbm>>) dst(%arg10 : memref<128xi32, #tpu.memory_space<vmem>>)
          tpu.yield
        }) : () -> ()
        %mul3A_87 = arith.constant 16 : i32
        %mul3A_88 = arith.muli %add3A_79, %mul3A_87 : i32
        %multiple_of3A = tpu.assume_multiple %mul3A_88, 8 : i32
        "tpu.region"() ({
          %run_scoped3A = tpu.sem_alloc : memref<!tpu.dma_semaphore, #tpu.memory_space<semaphore_mem>>
          %dma_start3A = arith.constant 0 : i32
          %dma_start3A_1495 = tpu.memref_slice %arg5[%multiple_of3A, %dma_start3A] : memref<40000x128xf32, #tpu.memory_space<hbm>> -> memref<16x128xf32, #tpu.memory_space<hbm>>
          %dma_start3A_1496 = arith.constant 0 : i32
          %dma_start3A_1497 = tpu.memref_slice %arg5[%multiple_of3A, %dma_start3A_1496] : memref<40000x128xf32, #tpu.memory_space<hbm>> -> memref<16x128xf32, #tpu.memory_space<hbm>>
          tpu.enqueue_dma source(%dma_start3A_1497 : memref<16x128xf32, #tpu.memory_space<hbm>>) target(%arg15 : memref<16x128xf32, #tpu.memory_space<vmem>>) target_semaphore(%run_scoped3A : memref<!tpu.dma_semaphore, #tpu.memory_space<semaphore_mem>>)
          %dma_wait3A = arith.constant 0 : i32
          %dma_wait3A_1498 = tpu.memref_slice %arg5[%multiple_of3A, %dma_wait3A] : memref<40000x128xf32, #tpu.memory_space<hbm>> -> memref<16x128xf32, #tpu.memory_space<hbm>>
          %dma_wait3A_1499 = arith.constant 0 : i32
          %dma_wait3A_1500 = tpu.memref_slice %arg5[%multiple_of3A, %dma_wait3A_1499] : memref<40000x128xf32, #tpu.memory_space<hbm>> -> memref<16x128xf32, #tpu.memory_space<hbm>>
          tpu.wait_dma2 semaphore(%run_scoped3A : memref<!tpu.dma_semaphore, #tpu.memory_space<semaphore_mem>>) src(%dma_wait3A_1500 : memref<16x128xf32, #tpu.memory_space<hbm>>) dst(%arg15 : memref<16x128xf32, #tpu.memory_space<vmem>>)
          tpu.yield
        }) : () -> ()
        %get3A = arith.constant 0 : i32
        %get3A_89 = arith.index_cast %get3A : i32 to index
        %get3A_90 = arith.constant 0 : index
        %get3A_91 = tpu.vector_load %arg15[%get3A_89, %get3A_90] {strides = array<i32>} : memref<16x128xf32, #tpu.memory_space<vmem>>, vector<1x16xf32>,
        %get3A_92 = vector.shape_cast %get3A_91 : vector<1x16xf32> to vector<16xf32>
        %swap3A = arith.constant 0 : i32
        %swap3A_93 = arith.index_cast %swap3A : i32 to index
        %swap3A_94 = arith.constant 0 : index
        %swap3A_95 = tpu.vector_load %arg13[%swap3A_93, %swap3A_94] {strides = array<i32>} : memref<128x128xf32, #tpu.memory_space<vmem>>, vector<1x16xf32>,
        %swap3A_96 = vector.shape_cast %swap3A_95 : vector<1x16xf32> to vector<16xf32>
        %swap3A_97 = vector.shape_cast %get3A_92 : vector<16xf32> to vector<1x16xf32>
        tpu.vector_store %arg13[%swap3A_93, %swap3A_94], %swap3A_97 {strides = array<i32>} : memref<128x128xf32, #tpu.memory_space<vmem>>, vector<1x16xf32>,
        %get3A_98 = arith.constant 0 : i32
        %get3A_99 = arith.index_cast %get3A_98 : i32 to index
        %get3A_100 = arith.constant 16 : index
        %get3A_101 = tpu.vector_load %arg15[%get3A_99, %get3A_100] {strides = array<i32>} : memref<16x128xf32, #tpu.memory_space<vmem>>, vector<1x16xf32>,
        %get3A_102 = vector.shape_cast %get3A_101 : vector<1x16xf32> to vector<16xf32>
        %swap3A_103 = arith.constant 1 : i32
        %swap3A_104 = arith.index_cast %swap3A_103 : i32 to index
        %swap3A_105 = arith.constant 0 : index
        %swap3A_106 = tpu.vector_load %arg13[%swap3A_104, %swap3A_105] {strides = array<i32>} : memref<128x128xf32, #tpu.memory_space<vmem>>, vector<1x16xf32>,
        %swap3A_107 = vector.shape_cast %swap3A_106 : vector<1x16xf32> to vector<16xf32>
        %swap3A_108 = vector.shape_cast %get3A_102 : vector<16xf32> to vector<1x16xf32>
        tpu.vector_store %arg13[%swap3A_104, %swap3A_105], %swap3A_108 {strides = array<i32>} : memref<128x128xf32, #tpu.memory_space<vmem>>, vector<1x16xf32>,
        %get3A_109 = arith.constant 0 : i32
        %get3A_110 = arith.index_cast %get3A_109 : i32 to index
        %get3A_111 = arith.constant 32 : index
        %get3A_112 = tpu.vector_load %arg15[%get3A_110, %get3A_111] {strides = array<i32>} : memref<16x128xf32, #tpu.memory_space<vmem>>, vector<1x16xf32>,
        %get3A_113 = vector.shape_cast %get3A_112 : vector<1x16xf32> to vector<16xf32>
        %swap3A_114 = arith.constant 2 : i32
        %swap3A_115 = arith.index_cast %swap3A_114 : i32 to index
        %swap3A_116 = arith.constant 0 : index
        %swap3A_117 = tpu.vector_load %arg13[%swap3A_115, %swap3A_116] {strides = array<i32>} : memref<128x128xf32, #tpu.memory_space<vmem>>, vector<1x16xf32>,
        %swap3A_118 = vector.shape_cast %swap3A_117 : vector<1x16xf32> to vector<16xf32>
        %swap3A_119 = vector.shape_cast %get3A_113 : vector<16xf32> to vector<1x16xf32>
        tpu.vector_store %arg13[%swap3A_115, %swap3A_116], %swap3A_119 {strides = array<i32>} : memref<128x128xf32, #tpu.memory_space<vmem>>, vector<1x16xf32>,
        %get3A_120 = arith.constant 0 : i32
        %get3A_121 = arith.index_cast %get3A_120 : i32 to index
        %get3A_122 = arith.constant 48 : index
        %get3A_123 = tpu.vector_load %arg15[%get3A_121, %get3A_122] {strides = array<i32>} : memref<16x128xf32, #tpu.memory_space<vmem>>, vector<1x16xf32>,
        %get3A_124 = vector.shape_cast %get3A_123 : vector<1x16xf32> to vector<16xf32>
        %swap3A_125 = arith.constant 3 : i32
        %swap3A_126 = arith.index_cast %swap3A_125 : i32 to index
        %swap3A_127 = arith.constant 0 : index
        %swap3A_128 = tpu.vector_load %arg13[%swap3A_126, %swap3A_127] {strides = array<i32>} : memref<128x128xf32, #tpu.memory_space<vmem>>, vector<1x16xf32>,
        %swap3A_129 = vector.shape_cast %swap3A_128 : vector<1x16xf32> to vector<16xf32>
        %swap3A_130 = vector.shape_cast %get3A_124 : vector<16xf32> to vector<1x16xf32>
        tpu.vector_store %arg13[%swap3A_126, %swap3A_127], %swap3A_130 {strides = array<i32>} : memref<128x128xf32, #tpu.memory_space<vmem>>, vector<1x16xf32>,
        %get3A_131 = arith.constant 0 : i32
        %get3A_132 = arith.index_cast %get3A_131 : i32 to index
        %get3A_133 = arith.constant 64 : index
        %get3A_134 = tpu.vector_load %arg15[%get3A_132, %get3A_133] {strides = array<i32>} : memref<16x128xf32, #tpu.memory_space<vmem>>, vector<1x16xf32>,
        %get3A_135 = vector.shape_cast %get3A_134 : vector<1x16xf32> to vector<16xf32>
        %swap3A_136 = arith.constant 4 : i32
        %swap3A_137 = arith.index_cast %swap3A_136 : i32 to index
        %swap3A_138 = arith.constant 0 : index
        %swap3A_139 = tpu.vector_load %arg13[%swap3A_137, %swap3A_138] {strides = array<i32>} : memref<128x128xf32, #tpu.memory_space<vmem>>, vector<1x16xf32>,
        %swap3A_140 = vector.shape_cast %swap3A_139 : vector<1x16xf32> to vector<16xf32>
        %swap3A_141 = vector.shape_cast %get3A_135 : vector<16xf32> to vector<1x16xf32>
        tpu.vector_store %arg13[%swap3A_137, %swap3A_138], %swap3A_141 {strides = array<i32>} : memref<128x128xf32, #tpu.memory_space<vmem>>, vector<1x16xf32>,
        %get3A_142 = arith.constant 0 : i32
        %get3A_143 = arith.index_cast %get3A_142 : i32 to index
        %get3A_144 = arith.constant 80 : index
        %get3A_145 = tpu.vector_load %arg15[%get3A_143, %get3A_144] {strides = array<i32>} : memref<16x128xf32, #tpu.memory_space<vmem>>, vector<1x16xf32>,
        %get3A_146 = vector.shape_cast %get3A_145 : vector<1x16xf32> to vector<16xf32>
        %swap3A_147 = arith.constant 5 : i32
        %swap3A_148 = arith.index_cast %swap3A_147 : i32 to index
        %swap3A_149 = arith.constant 0 : index
        %swap3A_150 = tpu.vector_load %arg13[%swap3A_148, %swap3A_149] {strides = array<i32>} : memref<128x128xf32, #tpu.memory_space<vmem>>, vector<1x16xf32>,
        %swap3A_151 = vector.shape_cast %swap3A_150 : vector<1x16xf32> to vector<16xf32>
        %swap3A_152 = vector.shape_cast %get3A_146 : vector<16xf32> to vector<1x16xf32>
        tpu.vector_store %arg13[%swap3A_148, %swap3A_149], %swap3A_152 {strides = array<i32>} : memref<128x128xf32, #tpu.memory_space<vmem>>, vector<1x16xf32>,
        %get3A_153 = arith.constant 0 : i32
        %get3A_154 = arith.index_cast %get3A_153 : i32 to index
        %get3A_155 = arith.constant 96 : index
        %get3A_156 = tpu.vector_load %arg15[%get3A_154, %get3A_155] {strides = array<i32>} : memref<16x128xf32, #tpu.memory_space<vmem>>, vector<1x16xf32>,
        %get3A_157 = vector.shape_cast %get3A_156 : vector<1x16xf32> to vector<16xf32>
        %swap3A_158 = arith.constant 6 : i32
        %swap3A_159 = arith.index_cast %swap3A_158 : i32 to index
        %swap3A_160 = arith.constant 0 : index
        %swap3A_161 = tpu.vector_load %arg13[%swap3A_159, %swap3A_160] {strides = array<i32>} : memref<128x128xf32, #tpu.memory_space<vmem>>, vector<1x16xf32>,
        %swap3A_162 = vector.shape_cast %swap3A_161 : vector<1x16xf32> to vector<16xf32>
        %swap3A_163 = vector.shape_cast %get3A_157 : vector<16xf32> to vector<1x16xf32>
        tpu.vector_store %arg13[%swap3A_159, %swap3A_160], %swap3A_163 {strides = array<i32>} : memref<128x128xf32, #tpu.memory_space<vmem>>, vector<1x16xf32>,
        %get3A_164 = arith.constant 0 : i32
        %get3A_165 = arith.index_cast %get3A_164 : i32 to index
        %get3A_166 = arith.constant 112 : index
        %get3A_167 = tpu.vector_load %arg15[%get3A_165, %get3A_166] {strides = array<i32>} : memref<16x128xf32, #tpu.memory_space<vmem>>, vector<1x16xf32>,
        %get3A_168 = vector.shape_cast %get3A_167 : vector<1x16xf32> to vector<16xf32>
        %swap3A_169 = arith.constant 7 : i32
        %swap3A_170 = arith.index_cast %swap3A_169 : i32 to index
        %swap3A_171 = arith.constant 0 : index
        %swap3A_172 = tpu.vector_load %arg13[%swap3A_170, %swap3A_171] {strides = array<i32>} : memref<128x128xf32, #tpu.memory_space<vmem>>, vector<1x16xf32>,
        %swap3A_173 = vector.shape_cast %swap3A_172 : vector<1x16xf32> to vector<16xf32>
        %swap3A_174 = vector.shape_cast %get3A_168 : vector<16xf32> to vector<1x16xf32>
        tpu.vector_store %arg13[%swap3A_170, %swap3A_171], %swap3A_174 {strides = array<i32>} : memref<128x128xf32, #tpu.memory_space<vmem>>, vector<1x16xf32>,
        %get3A_175 = arith.constant 1 : i32
        %get3A_176 = arith.index_cast %get3A_175 : i32 to index
        %get3A_177 = arith.constant 0 : index
        %get3A_178 = tpu.vector_load %arg15[%get3A_176, %get3A_177] {strides = array<i32>} : memref<16x128xf32, #tpu.memory_space<vmem>>, vector<1x16xf32>,
        %get3A_179 = vector.shape_cast %get3A_178 : vector<1x16xf32> to vector<16xf32>
        %swap3A_180 = arith.constant 8 : i32
        %swap3A_181 = arith.index_cast %swap3A_180 : i32 to index
        %swap3A_182 = arith.constant 0 : index
        %swap3A_183 = tpu.vector_load %arg13[%swap3A_181, %swap3A_182] {strides = array<i32>} : memref<128x128xf32, #tpu.memory_space<vmem>>, vector<1x16xf32>,
        %swap3A_184 = vector.shape_cast %swap3A_183 : vector<1x16xf32> to vector<16xf32>
        %swap3A_185 = vector.shape_cast %get3A_179 : vector<16xf32> to vector<1x16xf32>
        tpu.vector_store %arg13[%swap3A_181, %swap3A_182], %swap3A_185 {strides = array<i32>} : memref<128x128xf32, #tpu.memory_space<vmem>>, vector<1x16xf32>,
        %get3A_186 = arith.constant 1 : i32
        %get3A_187 = arith.index_cast %get3A_186 : i32 to index
        %get3A_188 = arith.constant 16 : index
        %get3A_189 = tpu.vector_load %arg15[%get3A_187, %get3A_188] {strides = array<i32>} : memref<16x128xf32, #tpu.memory_space<vmem>>, vector<1x16xf32>,
        %get3A_190 = vector.shape_cast %get3A_189 : vector<1x16xf32> to vector<16xf32>
        %swap3A_191 = arith.constant 9 : i32
        %swap3A_192 = arith.index_cast %swap3A_191 : i32 to index
        %swap3A_193 = arith.constant 0 : index
        %swap3A_194 = tpu.vector_load %arg13[%swap3A_192, %swap3A_193] {strides = array<i32>} : memref<128x128xf32, #tpu.memory_space<vmem>>, vector<1x16xf32>,
        %swap3A_195 = vector.shape_cast %swap3A_194 : vector<1x16xf32> to vector<16xf32>
        %swap3A_196 = vector.shape_cast %get3A_190 : vector<16xf32> to vector<1x16xf32>
        tpu.vector_store %arg13[%swap3A_192, %swap3A_193], %swap3A_196 {strides = array<i32>} : memref<128x128xf32, #tpu.memory_space<vmem>>, vector<1x16xf32>,
        %get3A_197 = arith.constant 1 : i32
        %get3A_198 = arith.index_cast %get3A_197 : i32 to index
        %get3A_199 = arith.constant 32 : index
        %get3A_200 = tpu.vector_load %arg15[%get3A_198, %get3A_199] {strides = array<i32>} : memref<16x128xf32, #tpu.memory_space<vmem>>, vector<1x16xf32>,
        %get3A_201 = vector.shape_cast %get3A_200 : vector<1x16xf32> to vector<16xf32>
        %swap3A_202 = arith.constant 10 : i32
        %swap3A_203 = arith.index_cast %swap3A_202 : i32 to index
        %swap3A_204 = arith.constant 0 : index
        %swap3A_205 = tpu.vector_load %arg13[%swap3A_203, %swap3A_204] {strides = array<i32>} : memref<128x128xf32, #tpu.memory_space<vmem>>, vector<1x16xf32>,
        %swap3A_206 = vector.shape_cast %swap3A_205 : vector<1x16xf32> to vector<16xf32>
        %swap3A_207 = vector.shape_cast %get3A_201 : vector<16xf32> to vector<1x16xf32>
        tpu.vector_store %arg13[%swap3A_203, %swap3A_204], %swap3A_207 {strides = array<i32>} : memref<128x128xf32, #tpu.memory_space<vmem>>, vector<1x16xf32>,
        %get3A_208 = arith.constant 1 : i32
        %get3A_209 = arith.index_cast %get3A_208 : i32 to index
        %get3A_210 = arith.constant 48 : index
        %get3A_211 = tpu.vector_load %arg15[%get3A_209, %get3A_210] {strides = array<i32>} : memref<16x128xf32, #tpu.memory_space<vmem>>, vector<1x16xf32>,
        %get3A_212 = vector.shape_cast %get3A_211 : vector<1x16xf32> to vector<16xf32>
        %swap3A_213 = arith.constant 11 : i32
        %swap3A_214 = arith.index_cast %swap3A_213 : i32 to index
        %swap3A_215 = arith.constant 0 : index
        %swap3A_216 = tpu.vector_load %arg13[%swap3A_214, %swap3A_215] {strides = array<i32>} : memref<128x128xf32, #tpu.memory_space<vmem>>, vector<1x16xf32>,
        %swap3A_217 = vector.shape_cast %swap3A_216 : vector<1x16xf32> to vector<16xf32>
        %swap3A_218 = vector.shape_cast %get3A_212 : vector<16xf32> to vector<1x16xf32>
        tpu.vector_store %arg13[%swap3A_214, %swap3A_215], %swap3A_218 {strides = array<i32>} : memref<128x128xf32, #tpu.memory_space<vmem>>, vector<1x16xf32>,
        %get3A_219 = arith.constant 1 : i32
        %get3A_220 = arith.index_cast %get3A_219 : i32 to index
        %get3A_221 = arith.constant 64 : index
        %get3A_222 = tpu.vector_load %arg15[%get3A_220, %get3A_221] {strides = array<i32>} : memref<16x128xf32, #tpu.memory_space<vmem>>, vector<1x16xf32>,
        %get3A_223 = vector.shape_cast %get3A_222 : vector<1x16xf32> to vector<16xf32>
        %swap3A_224 = arith.constant 12 : i32
        %swap3A_225 = arith.index_cast %swap3A_224 : i32 to index
        %swap3A_226 = arith.constant 0 : index
        %swap3A_227 = tpu.vector_load %arg13[%swap3A_225, %swap3A_226] {strides = array<i32>} : memref<128x128xf32, #tpu.memory_space<vmem>>, vector<1x16xf32>,
        %swap3A_228 = vector.shape_cast %swap3A_227 : vector<1x16xf32> to vector<16xf32>
        %swap3A_229 = vector.shape_cast %get3A_223 : vector<16xf32> to vector<1x16xf32>
        tpu.vector_store %arg13[%swap3A_225, %swap3A_226], %swap3A_229 {strides = array<i32>} : memref<128x128xf32, #tpu.memory_space<vmem>>, vector<1x16xf32>,
        %get3A_230 = arith.constant 1 : i32
        %get3A_231 = arith.index_cast %get3A_230 : i32 to index
        %get3A_232 = arith.constant 80 : index
        %get3A_233 = tpu.vector_load %arg15[%get3A_231, %get3A_232] {strides = array<i32>} : memref<16x128xf32, #tpu.memory_space<vmem>>, vector<1x16xf32>,
        %get3A_234 = vector.shape_cast %get3A_233 : vector<1x16xf32> to vector<16xf32>
        %swap3A_235 = arith.constant 13 : i32
        %swap3A_236 = arith.index_cast %swap3A_235 : i32 to index
        %swap3A_237 = arith.constant 0 : index
        %swap3A_238 = tpu.vector_load %arg13[%swap3A_236, %swap3A_237] {strides = array<i32>} : memref<128x128xf32, #tpu.memory_space<vmem>>, vector<1x16xf32>,
        %swap3A_239 = vector.shape_cast %swap3A_238 : vector<1x16xf32> to vector<16xf32>
        %swap3A_240 = vector.shape_cast %get3A_234 : vector<16xf32> to vector<1x16xf32>
        tpu.vector_store %arg13[%swap3A_236, %swap3A_237], %swap3A_240 {strides = array<i32>} : memref<128x128xf32, #tpu.memory_space<vmem>>, vector<1x16xf32>,
        %get3A_241 = arith.constant 1 : i32
        %get3A_242 = arith.index_cast %get3A_241 : i32 to index
        %get3A_243 = arith.constant 96 : index
        %get3A_244 = tpu.vector_load %arg15[%get3A_242, %get3A_243] {strides = array<i32>} : memref<16x128xf32, #tpu.memory_space<vmem>>, vector<1x16xf32>,
        %get3A_245 = vector.shape_cast %get3A_244 : vector<1x16xf32> to vector<16xf32>
        %swap3A_246 = arith.constant 14 : i32
        %swap3A_247 = arith.index_cast %swap3A_246 : i32 to index
        %swap3A_248 = arith.constant 0 : index
        %swap3A_249 = tpu.vector_load %arg13[%swap3A_247, %swap3A_248] {strides = array<i32>} : memref<128x128xf32, #tpu.memory_space<vmem>>, vector<1x16xf32>,
        %swap3A_250 = vector.shape_cast %swap3A_249 : vector<1x16xf32> to vector<16xf32>
        %swap3A_251 = vector.shape_cast %get3A_245 : vector<16xf32> to vector<1x16xf32>
        tpu.vector_store %arg13[%swap3A_247, %swap3A_248], %swap3A_251 {strides = array<i32>} : memref<128x128xf32, #tpu.memory_space<vmem>>, vector<1x16xf32>,
        %get3A_252 = arith.constant 1 : i32
        %get3A_253 = arith.index_cast %get3A_252 : i32 to index
        %get3A_254 = arith.constant 112 : index
        %get3A_255 = tpu.vector_load %arg15[%get3A_253, %get3A_254] {strides = array<i32>} : memref<16x128xf32, #tpu.memory_space<vmem>>, vector<1x16xf32>,
        %get3A_256 = vector.shape_cast %get3A_255 : vector<1x16xf32> to vector<16xf32>
        %swap3A_257 = arith.constant 15 : i32
        %swap3A_258 = arith.index_cast %swap3A_257 : i32 to index
        %swap3A_259 = arith.constant 0 : index
        %swap3A_260 = tpu.vector_load %arg13[%swap3A_258, %swap3A_259] {strides = array<i32>} : memref<128x128xf32, #tpu.memory_space<vmem>>, vector<1x16xf32>,
        %swap3A_261 = vector.shape_cast %swap3A_260 : vector<1x16xf32> to vector<16xf32>
        %swap3A_262 = vector.shape_cast %get3A_256 : vector<16xf32> to vector<1x16xf32>
        tpu.vector_store %arg13[%swap3A_258, %swap3A_259], %swap3A_262 {strides = array<i32>} : memref<128x128xf32, #tpu.memory_space<vmem>>, vector<1x16xf32>,
        %get3A_263 = arith.constant 2 : i32
        %get3A_264 = arith.index_cast %get3A_263 : i32 to index
        %get3A_265 = arith.constant 0 : index
        %get3A_266 = tpu.vector_load %arg15[%get3A_264, %get3A_265] {strides = array<i32>} : memref<16x128xf32, #tpu.memory_space<vmem>>, vector<1x16xf32>,
        %get3A_267 = vector.shape_cast %get3A_266 : vector<1x16xf32> to vector<16xf32>
        %swap3A_268 = arith.constant 16 : i32
        %swap3A_269 = arith.index_cast %swap3A_268 : i32 to index
        %swap3A_270 = arith.constant 0 : index
        %swap3A_271 = tpu.vector_load %arg13[%swap3A_269, %swap3A_270] {strides = array<i32>} : memref<128x128xf32, #tpu.memory_space<vmem>>, vector<1x16xf32>,
        %swap3A_272 = vector.shape_cast %swap3A_271 : vector<1x16xf32> to vector<16xf32>
        %swap3A_273 = vector.shape_cast %get3A_267 : vector<16xf32> to vector<1x16xf32>
        tpu.vector_store %arg13[%swap3A_269, %swap3A_270], %swap3A_273 {strides = array<i32>} : memref<128x128xf32, #tpu.memory_space<vmem>>, vector<1x16xf32>,
        %get3A_274 = arith.constant 2 : i32
        %get3A_275 = arith.index_cast %get3A_274 : i32 to index
        %get3A_276 = arith.constant 16 : index
        %get3A_277 = tpu.vector_load %arg15[%get3A_275, %get3A_276] {strides = array<i32>} : memref<16x128xf32, #tpu.memory_space<vmem>>, vector<1x16xf32>,
        %get3A_278 = vector.shape_cast %get3A_277 : vector<1x16xf32> to vector<16xf32>
        %swap3A_279 = arith.constant 17 : i32
        %swap3A_280 = arith.index_cast %swap3A_279 : i32 to index
        %swap3A_281 = arith.constant 0 : index
        %swap3A_282 = tpu.vector_load %arg13[%swap3A_280, %swap3A_281] {strides = array<i32>} : memref<128x128xf32, #tpu.memory_space<vmem>>, vector<1x16xf32>,
        %swap3A_283 = vector.shape_cast %swap3A_282 : vector<1x16xf32> to vector<16xf32>
        %swap3A_284 = vector.shape_cast %get3A_278 : vector<16xf32> to vector<1x16xf32>
        tpu.vector_store %arg13[%swap3A_280, %swap3A_281], %swap3A_284 {strides = array<i32>} : memref<128x128xf32, #tpu.memory_space<vmem>>, vector<1x16xf32>,
        %get3A_285 = arith.constant 2 : i32
        %get3A_286 = arith.index_cast %get3A_285 : i32 to index
        %get3A_287 = arith.constant 32 : index
        %get3A_288 = tpu.vector_load %arg15[%get3A_286, %get3A_287] {strides = array<i32>} : memref<16x128xf32, #tpu.memory_space<vmem>>, vector<1x16xf32>,
        %get3A_289 = vector.shape_cast %get3A_288 : vector<1x16xf32> to vector<16xf32>
        %swap3A_290 = arith.constant 18 : i32
        %swap3A_291 = arith.index_cast %swap3A_290 : i32 to index
        %swap3A_292 = arith.constant 0 : index
        %swap3A_293 = tpu.vector_load %arg13[%swap3A_291, %swap3A_292] {strides = array<i32>} : memref<128x128xf32, #tpu.memory_space<vmem>>, vector<1x16xf32>,
        %swap3A_294 = vector.shape_cast %swap3A_293 : vector<1x16xf32> to vector<16xf32>
        %swap3A_295 = vector.shape_cast %get3A_289 : vector<16xf32> to vector<1x16xf32>
        tpu.vector_store %arg13[%swap3A_291, %swap3A_292], %swap3A_295 {strides = array<i32>} : memref<128x128xf32, #tpu.memory_space<vmem>>, vector<1x16xf32>,
        %get3A_296 = arith.constant 2 : i32
        %get3A_297 = arith.index_cast %get3A_296 : i32 to index
        %get3A_298 = arith.constant 48 : index
        %get3A_299 = tpu.vector_load %arg15[%get3A_297, %get3A_298] {strides = array<i32>} : memref<16x128xf32, #tpu.memory_space<vmem>>, vector<1x16xf32>,
        %get3A_300 = vector.shape_cast %get3A_299 : vector<1x16xf32> to vector<16xf32>
        %swap3A_301 = arith.constant 19 : i32
        %swap3A_302 = arith.index_cast %swap3A_301 : i32 to index
        %swap3A_303 = arith.constant 0 : index
        %swap3A_304 = tpu.vector_load %arg13[%swap3A_302, %swap3A_303] {strides = array<i32>} : memref<128x128xf32, #tpu.memory_space<vmem>>, vector<1x16xf32>,
        %swap3A_305 = vector.shape_cast %swap3A_304 : vector<1x16xf32> to vector<16xf32>
        %swap3A_306 = vector.shape_cast %get3A_300 : vector<16xf32> to vector<1x16xf32>
        tpu.vector_store %arg13[%swap3A_302, %swap3A_303], %swap3A_306 {strides = array<i32>} : memref<128x128xf32, #tpu.memory_space<vmem>>, vector<1x16xf32>,
        %get3A_307 = arith.constant 2 : i32
        %get3A_308 = arith.index_cast %get3A_307 : i32 to index
        %get3A_309 = arith.constant 64 : index
        %get3A_310 = tpu.vector_load %arg15[%get3A_308, %get3A_309] {strides = array<i32>} : memref<16x128xf32, #tpu.memory_space<vmem>>, vector<1x16xf32>,
        %get3A_311 = vector.shape_cast %get3A_310 : vector<1x16xf32> to vector<16xf32>
        %swap3A_312 = arith.constant 20 : i32
        %swap3A_313 = arith.index_cast %swap3A_312 : i32 to index
        %swap3A_314 = arith.constant 0 : index
        %swap3A_315 = tpu.vector_load %arg13[%swap3A_313, %swap3A_314] {strides = array<i32>} : memref<128x128xf32, #tpu.memory_space<vmem>>, vector<1x16xf32>,
        %swap3A_316 = vector.shape_cast %swap3A_315 : vector<1x16xf32> to vector<16xf32>
        %swap3A_317 = vector.shape_cast %get3A_311 : vector<16xf32> to vector<1x16xf32>
        tpu.vector_store %arg13[%swap3A_313, %swap3A_314], %swap3A_317 {strides = array<i32>} : memref<128x128xf32, #tpu.memory_space<vmem>>, vector<1x16xf32>,
        %get3A_318 = arith.constant 2 : i32
        %get3A_319 = arith.index_cast %get3A_318 : i32 to index
        %get3A_320 = arith.constant 80 : index
        %get3A_321 = tpu.vector_load %arg15[%get3A_319, %get3A_320] {strides = array<i32>} : memref<16x128xf32, #tpu.memory_space<vmem>>, vector<1x16xf32>,
        %get3A_322 = vector.shape_cast %get3A_321 : vector<1x16xf32> to vector<16xf32>
        %swap3A_323 = arith.constant 21 : i32
        %swap3A_324 = arith.index_cast %swap3A_323 : i32 to index
        %swap3A_325 = arith.constant 0 : index
        %swap3A_326 = tpu.vector_load %arg13[%swap3A_324, %swap3A_325] {strides = array<i32>} : memref<128x128xf32, #tpu.memory_space<vmem>>, vector<1x16xf32>,
        %swap3A_327 = vector.shape_cast %swap3A_326 : vector<1x16xf32> to vector<16xf32>
        %swap3A_328 = vector.shape_cast %get3A_322 : vector<16xf32> to vector<1x16xf32>
        tpu.vector_store %arg13[%swap3A_324, %swap3A_325], %swap3A_328 {strides = array<i32>} : memref<128x128xf32, #tpu.memory_space<vmem>>, vector<1x16xf32>,
        %get3A_329 = arith.constant 2 : i32
        %get3A_330 = arith.index_cast %get3A_329 : i32 to index
        %get3A_331 = arith.constant 96 : index
        %get3A_332 = tpu.vector_load %arg15[%get3A_330, %get3A_331] {strides = array<i32>} : memref<16x128xf32, #tpu.memory_space<vmem>>, vector<1x16xf32>,
        %get3A_333 = vector.shape_cast %get3A_332 : vector<1x16xf32> to vector<16xf32>
        %swap3A_334 = arith.constant 22 : i32
        %swap3A_335 = arith.index_cast %swap3A_334 : i32 to index
        %swap3A_336 = arith.constant 0 : index
        %swap3A_337 = tpu.vector_load %arg13[%swap3A_335, %swap3A_336] {strides = array<i32>} : memref<128x128xf32, #tpu.memory_space<vmem>>, vector<1x16xf32>,
        %swap3A_338 = vector.shape_cast %swap3A_337 : vector<1x16xf32> to vector<16xf32>
        %swap3A_339 = vector.shape_cast %get3A_333 : vector<16xf32> to vector<1x16xf32>
        tpu.vector_store %arg13[%swap3A_335, %swap3A_336], %swap3A_339 {strides = array<i32>} : memref<128x128xf32, #tpu.memory_space<vmem>>, vector<1x16xf32>,
        %get3A_340 = arith.constant 2 : i32
        %get3A_341 = arith.index_cast %get3A_340 : i32 to index
        %get3A_342 = arith.constant 112 : index
        %get3A_343 = tpu.vector_load %arg15[%get3A_341, %get3A_342] {strides = array<i32>} : memref<16x128xf32, #tpu.memory_space<vmem>>, vector<1x16xf32>,
        %get3A_344 = vector.shape_cast %get3A_343 : vector<1x16xf32> to vector<16xf32>
        %swap3A_345 = arith.constant 23 : i32
        %swap3A_346 = arith.index_cast %swap3A_345 : i32 to index
        %swap3A_347 = arith.constant 0 : index
        %swap3A_348 = tpu.vector_load %arg13[%swap3A_346, %swap3A_347] {strides = array<i32>} : memref<128x128xf32, #tpu.memory_space<vmem>>, vector<1x16xf32>,
        %swap3A_349 = vector.shape_cast %swap3A_348 : vector<1x16xf32> to vector<16xf32>
        %swap3A_350 = vector.shape_cast %get3A_344 : vector<16xf32> to vector<1x16xf32>
        tpu.vector_store %arg13[%swap3A_346, %swap3A_347], %swap3A_350 {strides = array<i32>} : memref<128x128xf32, #tpu.memory_space<vmem>>, vector<1x16xf32>,
        %get3A_351 = arith.constant 3 : i32
        %get3A_352 = arith.index_cast %get3A_351 : i32 to index
        %get3A_353 = arith.constant 0 : index
        %get3A_354 = tpu.vector_load %arg15[%get3A_352, %get3A_353] {strides = array<i32>} : memref<16x128xf32, #tpu.memory_space<vmem>>, vector<1x16xf32>,
        %get3A_355 = vector.shape_cast %get3A_354 : vector<1x16xf32> to vector<16xf32>
        %swap3A_356 = arith.constant 24 : i32
        %swap3A_357 = arith.index_cast %swap3A_356 : i32 to index
        %swap3A_358 = arith.constant 0 : index
        %swap3A_359 = tpu.vector_load %arg13[%swap3A_357, %swap3A_358] {strides = array<i32>} : memref<128x128xf32, #tpu.memory_space<vmem>>, vector<1x16xf32>,
        %swap3A_360 = vector.shape_cast %swap3A_359 : vector<1x16xf32> to vector<16xf32>
        %swap3A_361 = vector.shape_cast %get3A_355 : vector<16xf32> to vector<1x16xf32>
        tpu.vector_store %arg13[%swap3A_357, %swap3A_358], %swap3A_361 {strides = array<i32>} : memref<128x128xf32, #tpu.memory_space<vmem>>, vector<1x16xf32>,
        %get3A_362 = arith.constant 3 : i32
        %get3A_363 = arith.index_cast %get3A_362 : i32 to index
        %get3A_364 = arith.constant 16 : index
        %get3A_365 = tpu.vector_load %arg15[%get3A_363, %get3A_364] {strides = array<i32>} : memref<16x128xf32, #tpu.memory_space<vmem>>, vector<1x16xf32>,
        %get3A_366 = vector.shape_cast %get3A_365 : vector<1x16xf32> to vector<16xf32>
        %swap3A_367 = arith.constant 25 : i32
        %swap3A_368 = arith.index_cast %swap3A_367 : i32 to index
        %swap3A_369 = arith.constant 0 : index
        %swap3A_370 = tpu.vector_load %arg13[%swap3A_368, %swap3A_369] {strides = array<i32>} : memref<128x128xf32, #tpu.memory_space<vmem>>, vector<1x16xf32>,
        %swap3A_371 = vector.shape_cast %swap3A_370 : vector<1x16xf32> to vector<16xf32>
        %swap3A_372 = vector.shape_cast %get3A_366 : vector<16xf32> to vector<1x16xf32>
        tpu.vector_store %arg13[%swap3A_368, %swap3A_369], %swap3A_372 {strides = array<i32>} : memref<128x128xf32, #tpu.memory_space<vmem>>, vector<1x16xf32>,
        %get3A_373 = arith.constant 3 : i32
        %get3A_374 = arith.index_cast %get3A_373 : i32 to index
        %get3A_375 = arith.constant 32 : index
        %get3A_376 = tpu.vector_load %arg15[%get3A_374, %get3A_375] {strides = array<i32>} : memref<16x128xf32, #tpu.memory_space<vmem>>, vector<1x16xf32>,
        %get3A_377 = vector.shape_cast %get3A_376 : vector<1x16xf32> to vector<16xf32>
        %swap3A_378 = arith.constant 26 : i32
        %swap3A_379 = arith.index_cast %swap3A_378 : i32 to index
        %swap3A_380 = arith.constant 0 : index
        %swap3A_381 = tpu.vector_load %arg13[%swap3A_379, %swap3A_380] {strides = array<i32>} : memref<128x128xf32, #tpu.memory_space<vmem>>, vector<1x16xf32>,
        %swap3A_382 = vector.shape_cast %swap3A_381 : vector<1x16xf32> to vector<16xf32>
        %swap3A_383 = vector.shape_cast %get3A_377 : vector<16xf32> to vector<1x16xf32>
        tpu.vector_store %arg13[%swap3A_379, %swap3A_380], %swap3A_383 {strides = array<i32>} : memref<128x128xf32, #tpu.memory_space<vmem>>, vector<1x16xf32>,
        %get3A_384 = arith.constant 3 : i32
        %get3A_385 = arith.index_cast %get3A_384 : i32 to index
        %get3A_386 = arith.constant 48 : index
        %get3A_387 = tpu.vector_load %arg15[%get3A_385, %get3A_386] {strides = array<i32>} : memref<16x128xf32, #tpu.memory_space<vmem>>, vector<1x16xf32>,
        %get3A_388 = vector.shape_cast %get3A_387 : vector<1x16xf32> to vector<16xf32>
        %swap3A_389 = arith.constant 27 : i32
        %swap3A_390 = arith.index_cast %swap3A_389 : i32 to index
        %swap3A_391 = arith.constant 0 : index
        %swap3A_392 = tpu.vector_load %arg13[%swap3A_390, %swap3A_391] {strides = array<i32>} : memref<128x128xf32, #tpu.memory_space<vmem>>, vector<1x16xf32>,
        %swap3A_393 = vector.shape_cast %swap3A_392 : vector<1x16xf32> to vector<16xf32>
        %swap3A_394 = vector.shape_cast %get3A_388 : vector<16xf32> to vector<1x16xf32>
        tpu.vector_store %arg13[%swap3A_390, %swap3A_391], %swap3A_394 {strides = array<i32>} : memref<128x128xf32, #tpu.memory_space<vmem>>, vector<1x16xf32>,
        %get3A_395 = arith.constant 3 : i32
        %get3A_396 = arith.index_cast %get3A_395 : i32 to index
        %get3A_397 = arith.constant 64 : index
        %get3A_398 = tpu.vector_load %arg15[%get3A_396, %get3A_397] {strides = array<i32>} : memref<16x128xf32, #tpu.memory_space<vmem>>, vector<1x16xf32>,
        %get3A_399 = vector.shape_cast %get3A_398 : vector<1x16xf32> to vector<16xf32>
        %swap3A_400 = arith.constant 28 : i32
        %swap3A_401 = arith.index_cast %swap3A_400 : i32 to index
        %swap3A_402 = arith.constant 0 : index
        %swap3A_403 = tpu.vector_load %arg13[%swap3A_401, %swap3A_402] {strides = array<i32>} : memref<128x128xf32, #tpu.memory_space<vmem>>, vector<1x16xf32>,
        %swap3A_404 = vector.shape_cast %swap3A_403 : vector<1x16xf32> to vector<16xf32>
        %swap3A_405 = vector.shape_cast %get3A_399 : vector<16xf32> to vector<1x16xf32>
        tpu.vector_store %arg13[%swap3A_401, %swap3A_402], %swap3A_405 {strides = array<i32>} : memref<128x128xf32, #tpu.memory_space<vmem>>, vector<1x16xf32>,
        %get3A_406 = arith.constant 3 : i32
        %get3A_407 = arith.index_cast %get3A_406 : i32 to index
        %get3A_408 = arith.constant 80 : index
        %get3A_409 = tpu.vector_load %arg15[%get3A_407, %get3A_408] {strides = array<i32>} : memref<16x128xf32, #tpu.memory_space<vmem>>, vector<1x16xf32>,
        %get3A_410 = vector.shape_cast %get3A_409 : vector<1x16xf32> to vector<16xf32>
        %swap3A_411 = arith.constant 29 : i32
        %swap3A_412 = arith.index_cast %swap3A_411 : i32 to index
        %swap3A_413 = arith.constant 0 : index
        %swap3A_414 = tpu.vector_load %arg13[%swap3A_412, %swap3A_413] {strides = array<i32>} : memref<128x128xf32, #tpu.memory_space<vmem>>, vector<1x16xf32>,
        %swap3A_415 = vector.shape_cast %swap3A_414 : vector<1x16xf32> to vector<16xf32>
        %swap3A_416 = vector.shape_cast %get3A_410 : vector<16xf32> to vector<1x16xf32>
        tpu.vector_store %arg13[%swap3A_412, %swap3A_413], %swap3A_416 {strides = array<i32>} : memref<128x128xf32, #tpu.memory_space<vmem>>, vector<1x16xf32>,
        %get3A_417 = arith.constant 3 : i32
        %get3A_418 = arith.index_cast %get3A_417 : i32 to index
        %get3A_419 = arith.constant 96 : index
        %get3A_420 = tpu.vector_load %arg15[%get3A_418, %get3A_419] {strides = array<i32>} : memref<16x128xf32, #tpu.memory_space<vmem>>, vector<1x16xf32>,
        %get3A_421 = vector.shape_cast %get3A_420 : vector<1x16xf32> to vector<16xf32>
        %swap3A_422 = arith.constant 30 : i32
        %swap3A_423 = arith.index_cast %swap3A_422 : i32 to index
        %swap3A_424 = arith.constant 0 : index
        %swap3A_425 = tpu.vector_load %arg13[%swap3A_423, %swap3A_424] {strides = array<i32>} : memref<128x128xf32, #tpu.memory_space<vmem>>, vector<1x16xf32>,
        %swap3A_426 = vector.shape_cast %swap3A_425 : vector<1x16xf32> to vector<16xf32>
        %swap3A_427 = vector.shape_cast %get3A_421 : vector<16xf32> to vector<1x16xf32>
        tpu.vector_store %arg13[%swap3A_423, %swap3A_424], %swap3A_427 {strides = array<i32>} : memref<128x128xf32, #tpu.memory_space<vmem>>, vector<1x16xf32>,
        %get3A_428 = arith.constant 3 : i32
        %get3A_429 = arith.index_cast %get3A_428 : i32 to index
        %get3A_430 = arith.constant 112 : index
        %get3A_431 = tpu.vector_load %arg15[%get3A_429, %get3A_430] {strides = array<i32>} : memref<16x128xf32, #tpu.memory_space<vmem>>, vector<1x16xf32>,
        %get3A_432 = vector.shape_cast %get3A_431 : vector<1x16xf32> to vector<16xf32>
        %swap3A_433 = arith.constant 31 : i32
        %swap3A_434 = arith.index_cast %swap3A_433 : i32 to index
        %swap3A_435 = arith.constant 0 : index
        %swap3A_436 = tpu.vector_load %arg13[%swap3A_434, %swap3A_435] {strides = array<i32>} : memref<128x128xf32, #tpu.memory_space<vmem>>, vector<1x16xf32>,
        %swap3A_437 = vector.shape_cast %swap3A_436 : vector<1x16xf32> to vector<16xf32>
        %swap3A_438 = vector.shape_cast %get3A_432 : vector<16xf32> to vector<1x16xf32>
        tpu.vector_store %arg13[%swap3A_434, %swap3A_435], %swap3A_438 {strides = array<i32>} : memref<128x128xf32, #tpu.memory_space<vmem>>, vector<1x16xf32>,
        %get3A_439 = arith.constant 4 : i32
        %get3A_440 = arith.index_cast %get3A_439 : i32 to index
        %get3A_441 = arith.constant 0 : index
        %get3A_442 = tpu.vector_load %arg15[%get3A_440, %get3A_441] {strides = array<i32>} : memref<16x128xf32, #tpu.memory_space<vmem>>, vector<1x16xf32>,
        %get3A_443 = vector.shape_cast %get3A_442 : vector<1x16xf32> to vector<16xf32>
        %swap3A_444 = arith.constant 32 : i32
        %swap3A_445 = arith.index_cast %swap3A_444 : i32 to index
        %swap3A_446 = arith.constant 0 : index
        %swap3A_447 = tpu.vector_load %arg13[%swap3A_445, %swap3A_446] {strides = array<i32>} : memref<128x128xf32, #tpu.memory_space<vmem>>, vector<1x16xf32>,
        %swap3A_448 = vector.shape_cast %swap3A_447 : vector<1x16xf32> to vector<16xf32>
        %swap3A_449 = vector.shape_cast %get3A_443 : vector<16xf32> to vector<1x16xf32>
        tpu.vector_store %arg13[%swap3A_445, %swap3A_446], %swap3A_449 {strides = array<i32>} : memref<128x128xf32, #tpu.memory_space<vmem>>, vector<1x16xf32>,
        %get3A_450 = arith.constant 4 : i32
        %get3A_451 = arith.index_cast %get3A_450 : i32 to index
        %get3A_452 = arith.constant 16 : index
        %get3A_453 = tpu.vector_load %arg15[%get3A_451, %get3A_452] {strides = array<i32>} : memref<16x128xf32, #tpu.memory_space<vmem>>, vector<1x16xf32>,
        %get3A_454 = vector.shape_cast %get3A_453 : vector<1x16xf32> to vector<16xf32>
        %swap3A_455 = arith.constant 33 : i32
        %swap3A_456 = arith.index_cast %swap3A_455 : i32 to index
        %swap3A_457 = arith.constant 0 : index
        %swap3A_458 = tpu.vector_load %arg13[%swap3A_456, %swap3A_457] {strides = array<i32>} : memref<128x128xf32, #tpu.memory_space<vmem>>, vector<1x16xf32>,
        %swap3A_459 = vector.shape_cast %swap3A_458 : vector<1x16xf32> to vector<16xf32>
        %swap3A_460 = vector.shape_cast %get3A_454 : vector<16xf32> to vector<1x16xf32>
        tpu.vector_store %arg13[%swap3A_456, %swap3A_457], %swap3A_460 {strides = array<i32>} : memref<128x128xf32, #tpu.memory_space<vmem>>, vector<1x16xf32>,
        %get3A_461 = arith.constant 4 : i32
        %get3A_462 = arith.index_cast %get3A_461 : i32 to index
        %get3A_463 = arith.constant 32 : index
        %get3A_464 = tpu.vector_load %arg15[%get3A_462, %get3A_463] {strides = array<i32>} : memref<16x128xf32, #tpu.memory_space<vmem>>, vector<1x16xf32>,
        %get3A_465 = vector.shape_cast %get3A_464 : vector<1x16xf32> to vector<16xf32>
        %swap3A_466 = arith.constant 34 : i32
        %swap3A_467 = arith.index_cast %swap3A_466 : i32 to index
        %swap3A_468 = arith.constant 0 : index
        %swap3A_469 = tpu.vector_load %arg13[%swap3A_467, %swap3A_468] {strides = array<i32>} : memref<128x128xf32, #tpu.memory_space<vmem>>, vector<1x16xf32>,
        %swap3A_470 = vector.shape_cast %swap3A_469 : vector<1x16xf32> to vector<16xf32>
        %swap3A_471 = vector.shape_cast %get3A_465 : vector<16xf32> to vector<1x16xf32>
        tpu.vector_store %arg13[%swap3A_467, %swap3A_468], %swap3A_471 {strides = array<i32>} : memref<128x128xf32, #tpu.memory_space<vmem>>, vector<1x16xf32>,
        %get3A_472 = arith.constant 4 : i32
        %get3A_473 = arith.index_cast %get3A_472 : i32 to index
        %get3A_474 = arith.constant 48 : index
        %get3A_475 = tpu.vector_load %arg15[%get3A_473, %get3A_474] {strides = array<i32>} : memref<16x128xf32, #tpu.memory_space<vmem>>, vector<1x16xf32>,
        %get3A_476 = vector.shape_cast %get3A_475 : vector<1x16xf32> to vector<16xf32>
        %swap3A_477 = arith.constant 35 : i32
        %swap3A_478 = arith.index_cast %swap3A_477 : i32 to index
        %swap3A_479 = arith.constant 0 : index
        %swap3A_480 = tpu.vector_load %arg13[%swap3A_478, %swap3A_479] {strides = array<i32>} : memref<128x128xf32, #tpu.memory_space<vmem>>, vector<1x16xf32>,
        %swap3A_481 = vector.shape_cast %swap3A_480 : vector<1x16xf32> to vector<16xf32>
        %swap3A_482 = vector.shape_cast %get3A_476 : vector<16xf32> to vector<1x16xf32>
        tpu.vector_store %arg13[%swap3A_478, %swap3A_479], %swap3A_482 {strides = array<i32>} : memref<128x128xf32, #tpu.memory_space<vmem>>, vector<1x16xf32>,
        %get3A_483 = arith.constant 4 : i32
        %get3A_484 = arith.index_cast %get3A_483 : i32 to index
        %get3A_485 = arith.constant 64 : index
        %get3A_486 = tpu.vector_load %arg15[%get3A_484, %get3A_485] {strides = array<i32>} : memref<16x128xf32, #tpu.memory_space<vmem>>, vector<1x16xf32>,
        %get3A_487 = vector.shape_cast %get3A_486 : vector<1x16xf32> to vector<16xf32>
        %swap3A_488 = arith.constant 36 : i32
        %swap3A_489 = arith.index_cast %swap3A_488 : i32 to index
        %swap3A_490 = arith.constant 0 : index
        %swap3A_491 = tpu.vector_load %arg13[%swap3A_489, %swap3A_490] {strides = array<i32>} : memref<128x128xf32, #tpu.memory_space<vmem>>, vector<1x16xf32>,
        %swap3A_492 = vector.shape_cast %swap3A_491 : vector<1x16xf32> to vector<16xf32>
        %swap3A_493 = vector.shape_cast %get3A_487 : vector<16xf32> to vector<1x16xf32>
        tpu.vector_store %arg13[%swap3A_489, %swap3A_490], %swap3A_493 {strides = array<i32>} : memref<128x128xf32, #tpu.memory_space<vmem>>, vector<1x16xf32>,
        %get3A_494 = arith.constant 4 : i32
        %get3A_495 = arith.index_cast %get3A_494 : i32 to index
        %get3A_496 = arith.constant 80 : index
        %get3A_497 = tpu.vector_load %arg15[%get3A_495, %get3A_496] {strides = array<i32>} : memref<16x128xf32, #tpu.memory_space<vmem>>, vector<1x16xf32>,
        %get3A_498 = vector.shape_cast %get3A_497 : vector<1x16xf32> to vector<16xf32>
        %swap3A_499 = arith.constant 37 : i32
        %swap3A_500 = arith.index_cast %swap3A_499 : i32 to index
        %swap3A_501 = arith.constant 0 : index
        %swap3A_502 = tpu.vector_load %arg13[%swap3A_500, %swap3A_501] {strides = array<i32>} : memref<128x128xf32, #tpu.memory_space<vmem>>, vector<1x16xf32>,
        %swap3A_503 = vector.shape_cast %swap3A_502 : vector<1x16xf32> to vector<16xf32>
        %swap3A_504 = vector.shape_cast %get3A_498 : vector<16xf32> to vector<1x16xf32>
        tpu.vector_store %arg13[%swap3A_500, %swap3A_501], %swap3A_504 {strides = array<i32>} : memref<128x128xf32, #tpu.memory_space<vmem>>, vector<1x16xf32>,
        %get3A_505 = arith.constant 4 : i32
        %get3A_506 = arith.index_cast %get3A_505 : i32 to index
        %get3A_507 = arith.constant 96 : index
        %get3A_508 = tpu.vector_load %arg15[%get3A_506, %get3A_507] {strides = array<i32>} : memref<16x128xf32, #tpu.memory_space<vmem>>, vector<1x16xf32>,
        %get3A_509 = vector.shape_cast %get3A_508 : vector<1x16xf32> to vector<16xf32>
        %swap3A_510 = arith.constant 38 : i32
        %swap3A_511 = arith.index_cast %swap3A_510 : i32 to index
        %swap3A_512 = arith.constant 0 : index
        %swap3A_513 = tpu.vector_load %arg13[%swap3A_511, %swap3A_512] {strides = array<i32>} : memref<128x128xf32, #tpu.memory_space<vmem>>, vector<1x16xf32>,
        %swap3A_514 = vector.shape_cast %swap3A_513 : vector<1x16xf32> to vector<16xf32>
        %swap3A_515 = vector.shape_cast %get3A_509 : vector<16xf32> to vector<1x16xf32>
        tpu.vector_store %arg13[%swap3A_511, %swap3A_512], %swap3A_515 {strides = array<i32>} : memref<128x128xf32, #tpu.memory_space<vmem>>, vector<1x16xf32>,
        %get3A_516 = arith.constant 4 : i32
        %get3A_517 = arith.index_cast %get3A_516 : i32 to index
        %get3A_518 = arith.constant 112 : index
        %get3A_519 = tpu.vector_load %arg15[%get3A_517, %get3A_518] {strides = array<i32>} : memref<16x128xf32, #tpu.memory_space<vmem>>, vector<1x16xf32>,
        %get3A_520 = vector.shape_cast %get3A_519 : vector<1x16xf32> to vector<16xf32>
        %swap3A_521 = arith.constant 39 : i32
        %swap3A_522 = arith.index_cast %swap3A_521 : i32 to index
        %swap3A_523 = arith.constant 0 : index
        %swap3A_524 = tpu.vector_load %arg13[%swap3A_522, %swap3A_523] {strides = array<i32>} : memref<128x128xf32, #tpu.memory_space<vmem>>, vector<1x16xf32>,
        %swap3A_525 = vector.shape_cast %swap3A_524 : vector<1x16xf32> to vector<16xf32>
        %swap3A_526 = vector.shape_cast %get3A_520 : vector<16xf32> to vector<1x16xf32>
        tpu.vector_store %arg13[%swap3A_522, %swap3A_523], %swap3A_526 {strides = array<i32>} : memref<128x128xf32, #tpu.memory_space<vmem>>, vector<1x16xf32>,
        %get3A_527 = arith.constant 5 : i32
        %get3A_528 = arith.index_cast %get3A_527 : i32 to index
        %get3A_529 = arith.constant 0 : index
        %get3A_530 = tpu.vector_load %arg15[%get3A_528, %get3A_529] {strides = array<i32>} : memref<16x128xf32, #tpu.memory_space<vmem>>, vector<1x16xf32>,
        %get3A_531 = vector.shape_cast %get3A_530 : vector<1x16xf32> to vector<16xf32>
        %swap3A_532 = arith.constant 40 : i32
        %swap3A_533 = arith.index_cast %swap3A_532 : i32 to index
        %swap3A_534 = arith.constant 0 : index
        %swap3A_535 = tpu.vector_load %arg13[%swap3A_533, %swap3A_534] {strides = array<i32>} : memref<128x128xf32, #tpu.memory_space<vmem>>, vector<1x16xf32>,
        %swap3A_536 = vector.shape_cast %swap3A_535 : vector<1x16xf32> to vector<16xf32>
        %swap3A_537 = vector.shape_cast %get3A_531 : vector<16xf32> to vector<1x16xf32>
        tpu.vector_store %arg13[%swap3A_533, %swap3A_534], %swap3A_537 {strides = array<i32>} : memref<128x128xf32, #tpu.memory_space<vmem>>, vector<1x16xf32>,
        %get3A_538 = arith.constant 5 : i32
        %get3A_539 = arith.index_cast %get3A_538 : i32 to index
        %get3A_540 = arith.constant 16 : index
        %get3A_541 = tpu.vector_load %arg15[%get3A_539, %get3A_540] {strides = array<i32>} : memref<16x128xf32, #tpu.memory_space<vmem>>, vector<1x16xf32>,
        %get3A_542 = vector.shape_cast %get3A_541 : vector<1x16xf32> to vector<16xf32>
        %swap3A_543 = arith.constant 41 : i32
        %swap3A_544 = arith.index_cast %swap3A_543 : i32 to index
        %swap3A_545 = arith.constant 0 : index
        %swap3A_546 = tpu.vector_load %arg13[%swap3A_544, %swap3A_545] {strides = array<i32>} : memref<128x128xf32, #tpu.memory_space<vmem>>, vector<1x16xf32>,
        %swap3A_547 = vector.shape_cast %swap3A_546 : vector<1x16xf32> to vector<16xf32>
        %swap3A_548 = vector.shape_cast %get3A_542 : vector<16xf32> to vector<1x16xf32>
        tpu.vector_store %arg13[%swap3A_544, %swap3A_545], %swap3A_548 {strides = array<i32>} : memref<128x128xf32, #tpu.memory_space<vmem>>, vector<1x16xf32>,
        %get3A_549 = arith.constant 5 : i32
        %get3A_550 = arith.index_cast %get3A_549 : i32 to index
        %get3A_551 = arith.constant 32 : index
        %get3A_552 = tpu.vector_load %arg15[%get3A_550, %get3A_551] {strides = array<i32>} : memref<16x128xf32, #tpu.memory_space<vmem>>, vector<1x16xf32>,
        %get3A_553 = vector.shape_cast %get3A_552 : vector<1x16xf32> to vector<16xf32>
        %swap3A_554 = arith.constant 42 : i32
        %swap3A_555 = arith.index_cast %swap3A_554 : i32 to index
        %swap3A_556 = arith.constant 0 : index
        %swap3A_557 = tpu.vector_load %arg13[%swap3A_555, %swap3A_556] {strides = array<i32>} : memref<128x128xf32, #tpu.memory_space<vmem>>, vector<1x16xf32>,
        %swap3A_558 = vector.shape_cast %swap3A_557 : vector<1x16xf32> to vector<16xf32>
        %swap3A_559 = vector.shape_cast %get3A_553 : vector<16xf32> to vector<1x16xf32>
        tpu.vector_store %arg13[%swap3A_555, %swap3A_556], %swap3A_559 {strides = array<i32>} : memref<128x128xf32, #tpu.memory_space<vmem>>, vector<1x16xf32>,
        %get3A_560 = arith.constant 5 : i32
        %get3A_561 = arith.index_cast %get3A_560 : i32 to index
        %get3A_562 = arith.constant 48 : index
        %get3A_563 = tpu.vector_load %arg15[%get3A_561, %get3A_562] {strides = array<i32>} : memref<16x128xf32, #tpu.memory_space<vmem>>, vector<1x16xf32>,
        %get3A_564 = vector.shape_cast %get3A_563 : vector<1x16xf32> to vector<16xf32>
        %swap3A_565 = arith.constant 43 : i32
        %swap3A_566 = arith.index_cast %swap3A_565 : i32 to index
        %swap3A_567 = arith.constant 0 : index
        %swap3A_568 = tpu.vector_load %arg13[%swap3A_566, %swap3A_567] {strides = array<i32>} : memref<128x128xf32, #tpu.memory_space<vmem>>, vector<1x16xf32>,
        %swap3A_569 = vector.shape_cast %swap3A_568 : vector<1x16xf32> to vector<16xf32>
        %swap3A_570 = vector.shape_cast %get3A_564 : vector<16xf32> to vector<1x16xf32>
        tpu.vector_store %arg13[%swap3A_566, %swap3A_567], %swap3A_570 {strides = array<i32>} : memref<128x128xf32, #tpu.memory_space<vmem>>, vector<1x16xf32>,
        %get3A_571 = arith.constant 5 : i32
        %get3A_572 = arith.index_cast %get3A_571 : i32 to index
        %get3A_573 = arith.constant 64 : index
        %get3A_574 = tpu.vector_load %arg15[%get3A_572, %get3A_573] {strides = array<i32>} : memref<16x128xf32, #tpu.memory_space<vmem>>, vector<1x16xf32>,
        %get3A_575 = vector.shape_cast %get3A_574 : vector<1x16xf32> to vector<16xf32>
        %swap3A_576 = arith.constant 44 : i32
        %swap3A_577 = arith.index_cast %swap3A_576 : i32 to index
        %swap3A_578 = arith.constant 0 : index
        %swap3A_579 = tpu.vector_load %arg13[%swap3A_577, %swap3A_578] {strides = array<i32>} : memref<128x128xf32, #tpu.memory_space<vmem>>, vector<1x16xf32>,
        %swap3A_580 = vector.shape_cast %swap3A_579 : vector<1x16xf32> to vector<16xf32>
        %swap3A_581 = vector.shape_cast %get3A_575 : vector<16xf32> to vector<1x16xf32>
        tpu.vector_store %arg13[%swap3A_577, %swap3A_578], %swap3A_581 {strides = array<i32>} : memref<128x128xf32, #tpu.memory_space<vmem>>, vector<1x16xf32>,
        %get3A_582 = arith.constant 5 : i32
        %get3A_583 = arith.index_cast %get3A_582 : i32 to index
        %get3A_584 = arith.constant 80 : index
        %get3A_585 = tpu.vector_load %arg15[%get3A_583, %get3A_584] {strides = array<i32>} : memref<16x128xf32, #tpu.memory_space<vmem>>, vector<1x16xf32>,
        %get3A_586 = vector.shape_cast %get3A_585 : vector<1x16xf32> to vector<16xf32>
        %swap3A_587 = arith.constant 45 : i32
        %swap3A_588 = arith.index_cast %swap3A_587 : i32 to index
        %swap3A_589 = arith.constant 0 : index
        %swap3A_590 = tpu.vector_load %arg13[%swap3A_588, %swap3A_589] {strides = array<i32>} : memref<128x128xf32, #tpu.memory_space<vmem>>, vector<1x16xf32>,
        %swap3A_591 = vector.shape_cast %swap3A_590 : vector<1x16xf32> to vector<16xf32>
        %swap3A_592 = vector.shape_cast %get3A_586 : vector<16xf32> to vector<1x16xf32>
        tpu.vector_store %arg13[%swap3A_588, %swap3A_589], %swap3A_592 {strides = array<i32>} : memref<128x128xf32, #tpu.memory_space<vmem>>, vector<1x16xf32>,
        %get3A_593 = arith.constant 5 : i32
        %get3A_594 = arith.index_cast %get3A_593 : i32 to index
        %get3A_595 = arith.constant 96 : index
        %get3A_596 = tpu.vector_load %arg15[%get3A_594, %get3A_595] {strides = array<i32>} : memref<16x128xf32, #tpu.memory_space<vmem>>, vector<1x16xf32>,
        %get3A_597 = vector.shape_cast %get3A_596 : vector<1x16xf32> to vector<16xf32>
        %swap3A_598 = arith.constant 46 : i32
        %swap3A_599 = arith.index_cast %swap3A_598 : i32 to index
        %swap3A_600 = arith.constant 0 : index
        %swap3A_601 = tpu.vector_load %arg13[%swap3A_599, %swap3A_600] {strides = array<i32>} : memref<128x128xf32, #tpu.memory_space<vmem>>, vector<1x16xf32>,
        %swap3A_602 = vector.shape_cast %swap3A_601 : vector<1x16xf32> to vector<16xf32>
        %swap3A_603 = vector.shape_cast %get3A_597 : vector<16xf32> to vector<1x16xf32>
        tpu.vector_store %arg13[%swap3A_599, %swap3A_600], %swap3A_603 {strides = array<i32>} : memref<128x128xf32, #tpu.memory_space<vmem>>, vector<1x16xf32>,
        %get3A_604 = arith.constant 5 : i32
        %get3A_605 = arith.index_cast %get3A_604 : i32 to index
        %get3A_606 = arith.constant 112 : index
        %get3A_607 = tpu.vector_load %arg15[%get3A_605, %get3A_606] {strides = array<i32>} : memref<16x128xf32, #tpu.memory_space<vmem>>, vector<1x16xf32>,
        %get3A_608 = vector.shape_cast %get3A_607 : vector<1x16xf32> to vector<16xf32>
        %swap3A_609 = arith.constant 47 : i32
        %swap3A_610 = arith.index_cast %swap3A_609 : i32 to index
        %swap3A_611 = arith.constant 0 : index
        %swap3A_612 = tpu.vector_load %arg13[%swap3A_610, %swap3A_611] {strides = array<i32>} : memref<128x128xf32, #tpu.memory_space<vmem>>, vector<1x16xf32>,
        %swap3A_613 = vector.shape_cast %swap3A_612 : vector<1x16xf32> to vector<16xf32>
        %swap3A_614 = vector.shape_cast %get3A_608 : vector<16xf32> to vector<1x16xf32>
        tpu.vector_store %arg13[%swap3A_610, %swap3A_611], %swap3A_614 {strides = array<i32>} : memref<128x128xf32, #tpu.memory_space<vmem>>, vector<1x16xf32>,
        %get3A_615 = arith.constant 6 : i32
        %get3A_616 = arith.index_cast %get3A_615 : i32 to index
        %get3A_617 = arith.constant 0 : index
        %get3A_618 = tpu.vector_load %arg15[%get3A_616, %get3A_617] {strides = array<i32>} : memref<16x128xf32, #tpu.memory_space<vmem>>, vector<1x16xf32>,
        %get3A_619 = vector.shape_cast %get3A_618 : vector<1x16xf32> to vector<16xf32>
        %swap3A_620 = arith.constant 48 : i32
        %swap3A_621 = arith.index_cast %swap3A_620 : i32 to index
        %swap3A_622 = arith.constant 0 : index
        %swap3A_623 = tpu.vector_load %arg13[%swap3A_621, %swap3A_622] {strides = array<i32>} : memref<128x128xf32, #tpu.memory_space<vmem>>, vector<1x16xf32>,
        %swap3A_624 = vector.shape_cast %swap3A_623 : vector<1x16xf32> to vector<16xf32>
        %swap3A_625 = vector.shape_cast %get3A_619 : vector<16xf32> to vector<1x16xf32>
        tpu.vector_store %arg13[%swap3A_621, %swap3A_622], %swap3A_625 {strides = array<i32>} : memref<128x128xf32, #tpu.memory_space<vmem>>, vector<1x16xf32>,
        %get3A_626 = arith.constant 6 : i32
        %get3A_627 = arith.index_cast %get3A_626 : i32 to index
        %get3A_628 = arith.constant 16 : index
        %get3A_629 = tpu.vector_load %arg15[%get3A_627, %get3A_628] {strides = array<i32>} : memref<16x128xf32, #tpu.memory_space<vmem>>, vector<1x16xf32>,
        %get3A_630 = vector.shape_cast %get3A_629 : vector<1x16xf32> to vector<16xf32>
        %swap3A_631 = arith.constant 49 : i32
        %swap3A_632 = arith.index_cast %swap3A_631 : i32 to index
        %swap3A_633 = arith.constant 0 : index
        %swap3A_634 = tpu.vector_load %arg13[%swap3A_632, %swap3A_633] {strides = array<i32>} : memref<128x128xf32, #tpu.memory_space<vmem>>, vector<1x16xf32>,
        %swap3A_635 = vector.shape_cast %swap3A_634 : vector<1x16xf32> to vector<16xf32>
        %swap3A_636 = vector.shape_cast %get3A_630 : vector<16xf32> to vector<1x16xf32>
        tpu.vector_store %arg13[%swap3A_632, %swap3A_633], %swap3A_636 {strides = array<i32>} : memref<128x128xf32, #tpu.memory_space<vmem>>, vector<1x16xf32>,
        %get3A_637 = arith.constant 6 : i32
        %get3A_638 = arith.index_cast %get3A_637 : i32 to index
        %get3A_639 = arith.constant 32 : index
        %get3A_640 = tpu.vector_load %arg15[%get3A_638, %get3A_639] {strides = array<i32>} : memref<16x128xf32, #tpu.memory_space<vmem>>, vector<1x16xf32>,
        %get3A_641 = vector.shape_cast %get3A_640 : vector<1x16xf32> to vector<16xf32>
        %swap3A_642 = arith.constant 50 : i32
        %swap3A_643 = arith.index_cast %swap3A_642 : i32 to index
        %swap3A_644 = arith.constant 0 : index
        %swap3A_645 = tpu.vector_load %arg13[%swap3A_643, %swap3A_644] {strides = array<i32>} : memref<128x128xf32, #tpu.memory_space<vmem>>, vector<1x16xf32>,
        %swap3A_646 = vector.shape_cast %swap3A_645 : vector<1x16xf32> to vector<16xf32>
        %swap3A_647 = vector.shape_cast %get3A_641 : vector<16xf32> to vector<1x16xf32>
        tpu.vector_store %arg13[%swap3A_643, %swap3A_644], %swap3A_647 {strides = array<i32>} : memref<128x128xf32, #tpu.memory_space<vmem>>, vector<1x16xf32>,
        %get3A_648 = arith.constant 6 : i32
        %get3A_649 = arith.index_cast %get3A_648 : i32 to index
        %get3A_650 = arith.constant 48 : index
        %get3A_651 = tpu.vector_load %arg15[%get3A_649, %get3A_650] {strides = array<i32>} : memref<16x128xf32, #tpu.memory_space<vmem>>, vector<1x16xf32>,
        %get3A_652 = vector.shape_cast %get3A_651 : vector<1x16xf32> to vector<16xf32>
        %swap3A_653 = arith.constant 51 : i32
        %swap3A_654 = arith.index_cast %swap3A_653 : i32 to index
        %swap3A_655 = arith.constant 0 : index
        %swap3A_656 = tpu.vector_load %arg13[%swap3A_654, %swap3A_655] {strides = array<i32>} : memref<128x128xf32, #tpu.memory_space<vmem>>, vector<1x16xf32>,
        %swap3A_657 = vector.shape_cast %swap3A_656 : vector<1x16xf32> to vector<16xf32>
        %swap3A_658 = vector.shape_cast %get3A_652 : vector<16xf32> to vector<1x16xf32>
        tpu.vector_store %arg13[%swap3A_654, %swap3A_655], %swap3A_658 {strides = array<i32>} : memref<128x128xf32, #tpu.memory_space<vmem>>, vector<1x16xf32>,
        %get3A_659 = arith.constant 6 : i32
        %get3A_660 = arith.index_cast %get3A_659 : i32 to index
        %get3A_661 = arith.constant 64 : index
        %get3A_662 = tpu.vector_load %arg15[%get3A_660, %get3A_661] {strides = array<i32>} : memref<16x128xf32, #tpu.memory_space<vmem>>, vector<1x16xf32>,
        %get3A_663 = vector.shape_cast %get3A_662 : vector<1x16xf32> to vector<16xf32>
        %swap3A_664 = arith.constant 52 : i32
        %swap3A_665 = arith.index_cast %swap3A_664 : i32 to index
        %swap3A_666 = arith.constant 0 : index
        %swap3A_667 = tpu.vector_load %arg13[%swap3A_665, %swap3A_666] {strides = array<i32>} : memref<128x128xf32, #tpu.memory_space<vmem>>, vector<1x16xf32>,
        %swap3A_668 = vector.shape_cast %swap3A_667 : vector<1x16xf32> to vector<16xf32>
        %swap3A_669 = vector.shape_cast %get3A_663 : vector<16xf32> to vector<1x16xf32>
        tpu.vector_store %arg13[%swap3A_665, %swap3A_666], %swap3A_669 {strides = array<i32>} : memref<128x128xf32, #tpu.memory_space<vmem>>, vector<1x16xf32>,
        %get3A_670 = arith.constant 6 : i32
        %get3A_671 = arith.index_cast %get3A_670 : i32 to index
        %get3A_672 = arith.constant 80 : index
        %get3A_673 = tpu.vector_load %arg15[%get3A_671, %get3A_672] {strides = array<i32>} : memref<16x128xf32, #tpu.memory_space<vmem>>, vector<1x16xf32>,
        %get3A_674 = vector.shape_cast %get3A_673 : vector<1x16xf32> to vector<16xf32>
        %swap3A_675 = arith.constant 53 : i32
        %swap3A_676 = arith.index_cast %swap3A_675 : i32 to index
        %swap3A_677 = arith.constant 0 : index
        %swap3A_678 = tpu.vector_load %arg13[%swap3A_676, %swap3A_677] {strides = array<i32>} : memref<128x128xf32, #tpu.memory_space<vmem>>, vector<1x16xf32>,
        %swap3A_679 = vector.shape_cast %swap3A_678 : vector<1x16xf32> to vector<16xf32>
        %swap3A_680 = vector.shape_cast %get3A_674 : vector<16xf32> to vector<1x16xf32>
        tpu.vector_store %arg13[%swap3A_676, %swap3A_677], %swap3A_680 {strides = array<i32>} : memref<128x128xf32, #tpu.memory_space<vmem>>, vector<1x16xf32>,
        %get3A_681 = arith.constant 6 : i32
        %get3A_682 = arith.index_cast %get3A_681 : i32 to index
        %get3A_683 = arith.constant 96 : index
        %get3A_684 = tpu.vector_load %arg15[%get3A_682, %get3A_683] {strides = array<i32>} : memref<16x128xf32, #tpu.memory_space<vmem>>, vector<1x16xf32>,
        %get3A_685 = vector.shape_cast %get3A_684 : vector<1x16xf32> to vector<16xf32>
        %swap3A_686 = arith.constant 54 : i32
        %swap3A_687 = arith.index_cast %swap3A_686 : i32 to index
        %swap3A_688 = arith.constant 0 : index
        %swap3A_689 = tpu.vector_load %arg13[%swap3A_687, %swap3A_688] {strides = array<i32>} : memref<128x128xf32, #tpu.memory_space<vmem>>, vector<1x16xf32>,
        %swap3A_690 = vector.shape_cast %swap3A_689 : vector<1x16xf32> to vector<16xf32>
        %swap3A_691 = vector.shape_cast %get3A_685 : vector<16xf32> to vector<1x16xf32>
        tpu.vector_store %arg13[%swap3A_687, %swap3A_688], %swap3A_691 {strides = array<i32>} : memref<128x128xf32, #tpu.memory_space<vmem>>, vector<1x16xf32>,
        %get3A_692 = arith.constant 6 : i32
        %get3A_693 = arith.index_cast %get3A_692 : i32 to index
        %get3A_694 = arith.constant 112 : index
        %get3A_695 = tpu.vector_load %arg15[%get3A_693, %get3A_694] {strides = array<i32>} : memref<16x128xf32, #tpu.memory_space<vmem>>, vector<1x16xf32>,
        %get3A_696 = vector.shape_cast %get3A_695 : vector<1x16xf32> to vector<16xf32>
        %swap3A_697 = arith.constant 55 : i32
        %swap3A_698 = arith.index_cast %swap3A_697 : i32 to index
        %swap3A_699 = arith.constant 0 : index
        %swap3A_700 = tpu.vector_load %arg13[%swap3A_698, %swap3A_699] {strides = array<i32>} : memref<128x128xf32, #tpu.memory_space<vmem>>, vector<1x16xf32>,
        %swap3A_701 = vector.shape_cast %swap3A_700 : vector<1x16xf32> to vector<16xf32>
        %swap3A_702 = vector.shape_cast %get3A_696 : vector<16xf32> to vector<1x16xf32>
        tpu.vector_store %arg13[%swap3A_698, %swap3A_699], %swap3A_702 {strides = array<i32>} : memref<128x128xf32, #tpu.memory_space<vmem>>, vector<1x16xf32>,
        %get3A_703 = arith.constant 7 : i32
        %get3A_704 = arith.index_cast %get3A_703 : i32 to index
        %get3A_705 = arith.constant 0 : index
        %get3A_706 = tpu.vector_load %arg15[%get3A_704, %get3A_705] {strides = array<i32>} : memref<16x128xf32, #tpu.memory_space<vmem>>, vector<1x16xf32>,
        %get3A_707 = vector.shape_cast %get3A_706 : vector<1x16xf32> to vector<16xf32>
        %swap3A_708 = arith.constant 56 : i32
        %swap3A_709 = arith.index_cast %swap3A_708 : i32 to index
        %swap3A_710 = arith.constant 0 : index
        %swap3A_711 = tpu.vector_load %arg13[%swap3A_709, %swap3A_710] {strides = array<i32>} : memref<128x128xf32, #tpu.memory_space<vmem>>, vector<1x16xf32>,
        %swap3A_712 = vector.shape_cast %swap3A_711 : vector<1x16xf32> to vector<16xf32>
        %swap3A_713 = vector.shape_cast %get3A_707 : vector<16xf32> to vector<1x16xf32>
        tpu.vector_store %arg13[%swap3A_709, %swap3A_710], %swap3A_713 {strides = array<i32>} : memref<128x128xf32, #tpu.memory_space<vmem>>, vector<1x16xf32>,
        %get3A_714 = arith.constant 7 : i32
        %get3A_715 = arith.index_cast %get3A_714 : i32 to index
        %get3A_716 = arith.constant 16 : index
        %get3A_717 = tpu.vector_load %arg15[%get3A_715, %get3A_716] {strides = array<i32>} : memref<16x128xf32, #tpu.memory_space<vmem>>, vector<1x16xf32>,
        %get3A_718 = vector.shape_cast %get3A_717 : vector<1x16xf32> to vector<16xf32>
        %swap3A_719 = arith.constant 57 : i32
        %swap3A_720 = arith.index_cast %swap3A_719 : i32 to index
        %swap3A_721 = arith.constant 0 : index
        %swap3A_722 = tpu.vector_load %arg13[%swap3A_720, %swap3A_721] {strides = array<i32>} : memref<128x128xf32, #tpu.memory_space<vmem>>, vector<1x16xf32>,
        %swap3A_723 = vector.shape_cast %swap3A_722 : vector<1x16xf32> to vector<16xf32>
        %swap3A_724 = vector.shape_cast %get3A_718 : vector<16xf32> to vector<1x16xf32>
        tpu.vector_store %arg13[%swap3A_720, %swap3A_721], %swap3A_724 {strides = array<i32>} : memref<128x128xf32, #tpu.memory_space<vmem>>, vector<1x16xf32>,
        %get3A_725 = arith.constant 7 : i32
        %get3A_726 = arith.index_cast %get3A_725 : i32 to index
        %get3A_727 = arith.constant 32 : index
        %get3A_728 = tpu.vector_load %arg15[%get3A_726, %get3A_727] {strides = array<i32>} : memref<16x128xf32, #tpu.memory_space<vmem>>, vector<1x16xf32>,
        %get3A_729 = vector.shape_cast %get3A_728 : vector<1x16xf32> to vector<16xf32>
        %swap3A_730 = arith.constant 58 : i32
        %swap3A_731 = arith.index_cast %swap3A_730 : i32 to index
        %swap3A_732 = arith.constant 0 : index
        %swap3A_733 = tpu.vector_load %arg13[%swap3A_731, %swap3A_732] {strides = array<i32>} : memref<128x128xf32, #tpu.memory_space<vmem>>, vector<1x16xf32>,
        %swap3A_734 = vector.shape_cast %swap3A_733 : vector<1x16xf32> to vector<16xf32>
        %swap3A_735 = vector.shape_cast %get3A_729 : vector<16xf32> to vector<1x16xf32>
        tpu.vector_store %arg13[%swap3A_731, %swap3A_732], %swap3A_735 {strides = array<i32>} : memref<128x128xf32, #tpu.memory_space<vmem>>, vector<1x16xf32>,
        %get3A_736 = arith.constant 7 : i32
        %get3A_737 = arith.index_cast %get3A_736 : i32 to index
        %get3A_738 = arith.constant 48 : index
        %get3A_739 = tpu.vector_load %arg15[%get3A_737, %get3A_738] {strides = array<i32>} : memref<16x128xf32, #tpu.memory_space<vmem>>, vector<1x16xf32>,
        %get3A_740 = vector.shape_cast %get3A_739 : vector<1x16xf32> to vector<16xf32>
        %swap3A_741 = arith.constant 59 : i32
        %swap3A_742 = arith.index_cast %swap3A_741 : i32 to index
        %swap3A_743 = arith.constant 0 : index
        %swap3A_744 = tpu.vector_load %arg13[%swap3A_742, %swap3A_743] {strides = array<i32>} : memref<128x128xf32, #tpu.memory_space<vmem>>, vector<1x16xf32>,
        %swap3A_745 = vector.shape_cast %swap3A_744 : vector<1x16xf32> to vector<16xf32>
        %swap3A_746 = vector.shape_cast %get3A_740 : vector<16xf32> to vector<1x16xf32>
        tpu.vector_store %arg13[%swap3A_742, %swap3A_743], %swap3A_746 {strides = array<i32>} : memref<128x128xf32, #tpu.memory_space<vmem>>, vector<1x16xf32>,
        %get3A_747 = arith.constant 7 : i32
        %get3A_748 = arith.index_cast %get3A_747 : i32 to index
        %get3A_749 = arith.constant 64 : index
        %get3A_750 = tpu.vector_load %arg15[%get3A_748, %get3A_749] {strides = array<i32>} : memref<16x128xf32, #tpu.memory_space<vmem>>, vector<1x16xf32>,
        %get3A_751 = vector.shape_cast %get3A_750 : vector<1x16xf32> to vector<16xf32>
        %swap3A_752 = arith.constant 60 : i32
        %swap3A_753 = arith.index_cast %swap3A_752 : i32 to index
        %swap3A_754 = arith.constant 0 : index
        %swap3A_755 = tpu.vector_load %arg13[%swap3A_753, %swap3A_754] {strides = array<i32>} : memref<128x128xf32, #tpu.memory_space<vmem>>, vector<1x16xf32>,
        %swap3A_756 = vector.shape_cast %swap3A_755 : vector<1x16xf32> to vector<16xf32>
        %swap3A_757 = vector.shape_cast %get3A_751 : vector<16xf32> to vector<1x16xf32>
        tpu.vector_store %arg13[%swap3A_753, %swap3A_754], %swap3A_757 {strides = array<i32>} : memref<128x128xf32, #tpu.memory_space<vmem>>, vector<1x16xf32>,
        %get3A_758 = arith.constant 7 : i32
        %get3A_759 = arith.index_cast %get3A_758 : i32 to index
        %get3A_760 = arith.constant 80 : index
        %get3A_761 = tpu.vector_load %arg15[%get3A_759, %get3A_760] {strides = array<i32>} : memref<16x128xf32, #tpu.memory_space<vmem>>, vector<1x16xf32>,
        %get3A_762 = vector.shape_cast %get3A_761 : vector<1x16xf32> to vector<16xf32>
        %swap3A_763 = arith.constant 61 : i32
        %swap3A_764 = arith.index_cast %swap3A_763 : i32 to index
        %swap3A_765 = arith.constant 0 : index
        %swap3A_766 = tpu.vector_load %arg13[%swap3A_764, %swap3A_765] {strides = array<i32>} : memref<128x128xf32, #tpu.memory_space<vmem>>, vector<1x16xf32>,
        %swap3A_767 = vector.shape_cast %swap3A_766 : vector<1x16xf32> to vector<16xf32>
        %swap3A_768 = vector.shape_cast %get3A_762 : vector<16xf32> to vector<1x16xf32>
        tpu.vector_store %arg13[%swap3A_764, %swap3A_765], %swap3A_768 {strides = array<i32>} : memref<128x128xf32, #tpu.memory_space<vmem>>, vector<1x16xf32>,
        %get3A_769 = arith.constant 7 : i32
        %get3A_770 = arith.index_cast %get3A_769 : i32 to index
        %get3A_771 = arith.constant 96 : index
        %get3A_772 = tpu.vector_load %arg15[%get3A_770, %get3A_771] {strides = array<i32>} : memref<16x128xf32, #tpu.memory_space<vmem>>, vector<1x16xf32>,
        %get3A_773 = vector.shape_cast %get3A_772 : vector<1x16xf32> to vector<16xf32>
        %swap3A_774 = arith.constant 62 : i32
        %swap3A_775 = arith.index_cast %swap3A_774 : i32 to index
        %swap3A_776 = arith.constant 0 : index
        %swap3A_777 = tpu.vector_load %arg13[%swap3A_775, %swap3A_776] {strides = array<i32>} : memref<128x128xf32, #tpu.memory_space<vmem>>, vector<1x16xf32>,
        %swap3A_778 = vector.shape_cast %swap3A_777 : vector<1x16xf32> to vector<16xf32>
        %swap3A_779 = vector.shape_cast %get3A_773 : vector<16xf32> to vector<1x16xf32>
        tpu.vector_store %arg13[%swap3A_775, %swap3A_776], %swap3A_779 {strides = array<i32>} : memref<128x128xf32, #tpu.memory_space<vmem>>, vector<1x16xf32>,
        %get3A_780 = arith.constant 7 : i32
        %get3A_781 = arith.index_cast %get3A_780 : i32 to index
        %get3A_782 = arith.constant 112 : index
        %get3A_783 = tpu.vector_load %arg15[%get3A_781, %get3A_782] {strides = array<i32>} : memref<16x128xf32, #tpu.memory_space<vmem>>, vector<1x16xf32>,
        %get3A_784 = vector.shape_cast %get3A_783 : vector<1x16xf32> to vector<16xf32>
        %swap3A_785 = arith.constant 63 : i32
        %swap3A_786 = arith.index_cast %swap3A_785 : i32 to index
        %swap3A_787 = arith.constant 0 : index
        %swap3A_788 = tpu.vector_load %arg13[%swap3A_786, %swap3A_787] {strides = array<i32>} : memref<128x128xf32, #tpu.memory_space<vmem>>, vector<1x16xf32>,
        %swap3A_789 = vector.shape_cast %swap3A_788 : vector<1x16xf32> to vector<16xf32>
        %swap3A_790 = vector.shape_cast %get3A_784 : vector<16xf32> to vector<1x16xf32>
        tpu.vector_store %arg13[%swap3A_786, %swap3A_787], %swap3A_790 {strides = array<i32>} : memref<128x128xf32, #tpu.memory_space<vmem>>, vector<1x16xf32>,
        %get3A_791 = arith.constant 8 : i32
        %get3A_792 = arith.index_cast %get3A_791 : i32 to index
        %get3A_793 = arith.constant 0 : index
        %get3A_794 = tpu.vector_load %arg15[%get3A_792, %get3A_793] {strides = array<i32>} : memref<16x128xf32, #tpu.memory_space<vmem>>, vector<1x16xf32>,
        %get3A_795 = vector.shape_cast %get3A_794 : vector<1x16xf32> to vector<16xf32>
        %swap3A_796 = arith.constant 64 : i32
        %swap3A_797 = arith.index_cast %swap3A_796 : i32 to index
        %swap3A_798 = arith.constant 0 : index
        %swap3A_799 = tpu.vector_load %arg13[%swap3A_797, %swap3A_798] {strides = array<i32>} : memref<128x128xf32, #tpu.memory_space<vmem>>, vector<1x16xf32>,
        %swap3A_800 = vector.shape_cast %swap3A_799 : vector<1x16xf32> to vector<16xf32>
        %swap3A_801 = vector.shape_cast %get3A_795 : vector<16xf32> to vector<1x16xf32>
        tpu.vector_store %arg13[%swap3A_797, %swap3A_798], %swap3A_801 {strides = array<i32>} : memref<128x128xf32, #tpu.memory_space<vmem>>, vector<1x16xf32>,
        %get3A_802 = arith.constant 8 : i32
        %get3A_803 = arith.index_cast %get3A_802 : i32 to index
        %get3A_804 = arith.constant 16 : index
        %get3A_805 = tpu.vector_load %arg15[%get3A_803, %get3A_804] {strides = array<i32>} : memref<16x128xf32, #tpu.memory_space<vmem>>, vector<1x16xf32>,
        %get3A_806 = vector.shape_cast %get3A_805 : vector<1x16xf32> to vector<16xf32>
        %swap3A_807 = arith.constant 65 : i32
        %swap3A_808 = arith.index_cast %swap3A_807 : i32 to index
        %swap3A_809 = arith.constant 0 : index
        %swap3A_810 = tpu.vector_load %arg13[%swap3A_808, %swap3A_809] {strides = array<i32>} : memref<128x128xf32, #tpu.memory_space<vmem>>, vector<1x16xf32>,
        %swap3A_811 = vector.shape_cast %swap3A_810 : vector<1x16xf32> to vector<16xf32>
        %swap3A_812 = vector.shape_cast %get3A_806 : vector<16xf32> to vector<1x16xf32>
        tpu.vector_store %arg13[%swap3A_808, %swap3A_809], %swap3A_812 {strides = array<i32>} : memref<128x128xf32, #tpu.memory_space<vmem>>, vector<1x16xf32>,
        %get3A_813 = arith.constant 8 : i32
        %get3A_814 = arith.index_cast %get3A_813 : i32 to index
        %get3A_815 = arith.constant 32 : index
        %get3A_816 = tpu.vector_load %arg15[%get3A_814, %get3A_815] {strides = array<i32>} : memref<16x128xf32, #tpu.memory_space<vmem>>, vector<1x16xf32>,
        %get3A_817 = vector.shape_cast %get3A_816 : vector<1x16xf32> to vector<16xf32>
        %swap3A_818 = arith.constant 66 : i32
        %swap3A_819 = arith.index_cast %swap3A_818 : i32 to index
        %swap3A_820 = arith.constant 0 : index
        %swap3A_821 = tpu.vector_load %arg13[%swap3A_819, %swap3A_820] {strides = array<i32>} : memref<128x128xf32, #tpu.memory_space<vmem>>, vector<1x16xf32>,
        %swap3A_822 = vector.shape_cast %swap3A_821 : vector<1x16xf32> to vector<16xf32>
        %swap3A_823 = vector.shape_cast %get3A_817 : vector<16xf32> to vector<1x16xf32>
        tpu.vector_store %arg13[%swap3A_819, %swap3A_820], %swap3A_823 {strides = array<i32>} : memref<128x128xf32, #tpu.memory_space<vmem>>, vector<1x16xf32>,
        %get3A_824 = arith.constant 8 : i32
        %get3A_825 = arith.index_cast %get3A_824 : i32 to index
        %get3A_826 = arith.constant 48 : index
        %get3A_827 = tpu.vector_load %arg15[%get3A_825, %get3A_826] {strides = array<i32>} : memref<16x128xf32, #tpu.memory_space<vmem>>, vector<1x16xf32>,
        %get3A_828 = vector.shape_cast %get3A_827 : vector<1x16xf32> to vector<16xf32>
        %swap3A_829 = arith.constant 67 : i32
        %swap3A_830 = arith.index_cast %swap3A_829 : i32 to index
        %swap3A_831 = arith.constant 0 : index
        %swap3A_832 = tpu.vector_load %arg13[%swap3A_830, %swap3A_831] {strides = array<i32>} : memref<128x128xf32, #tpu.memory_space<vmem>>, vector<1x16xf32>,
        %swap3A_833 = vector.shape_cast %swap3A_832 : vector<1x16xf32> to vector<16xf32>
        %swap3A_834 = vector.shape_cast %get3A_828 : vector<16xf32> to vector<1x16xf32>
        tpu.vector_store %arg13[%swap3A_830, %swap3A_831], %swap3A_834 {strides = array<i32>} : memref<128x128xf32, #tpu.memory_space<vmem>>, vector<1x16xf32>,
        %get3A_835 = arith.constant 8 : i32
        %get3A_836 = arith.index_cast %get3A_835 : i32 to index
        %get3A_837 = arith.constant 64 : index
        %get3A_838 = tpu.vector_load %arg15[%get3A_836, %get3A_837] {strides = array<i32>} : memref<16x128xf32, #tpu.memory_space<vmem>>, vector<1x16xf32>,
        %get3A_839 = vector.shape_cast %get3A_838 : vector<1x16xf32> to vector<16xf32>
        %swap3A_840 = arith.constant 68 : i32
        %swap3A_841 = arith.index_cast %swap3A_840 : i32 to index
        %swap3A_842 = arith.constant 0 : index
        %swap3A_843 = tpu.vector_load %arg13[%swap3A_841, %swap3A_842] {strides = array<i32>} : memref<128x128xf32, #tpu.memory_space<vmem>>, vector<1x16xf32>,
        %swap3A_844 = vector.shape_cast %swap3A_843 : vector<1x16xf32> to vector<16xf32>
        %swap3A_845 = vector.shape_cast %get3A_839 : vector<16xf32> to vector<1x16xf32>
        tpu.vector_store %arg13[%swap3A_841, %swap3A_842], %swap3A_845 {strides = array<i32>} : memref<128x128xf32, #tpu.memory_space<vmem>>, vector<1x16xf32>,
        %get3A_846 = arith.constant 8 : i32
        %get3A_847 = arith.index_cast %get3A_846 : i32 to index
        %get3A_848 = arith.constant 80 : index
        %get3A_849 = tpu.vector_load %arg15[%get3A_847, %get3A_848] {strides = array<i32>} : memref<16x128xf32, #tpu.memory_space<vmem>>, vector<1x16xf32>,
        %get3A_850 = vector.shape_cast %get3A_849 : vector<1x16xf32> to vector<16xf32>
        %swap3A_851 = arith.constant 69 : i32
        %swap3A_852 = arith.index_cast %swap3A_851 : i32 to index
        %swap3A_853 = arith.constant 0 : index
        %swap3A_854 = tpu.vector_load %arg13[%swap3A_852, %swap3A_853] {strides = array<i32>} : memref<128x128xf32, #tpu.memory_space<vmem>>, vector<1x16xf32>,
        %swap3A_855 = vector.shape_cast %swap3A_854 : vector<1x16xf32> to vector<16xf32>
        %swap3A_856 = vector.shape_cast %get3A_850 : vector<16xf32> to vector<1x16xf32>
        tpu.vector_store %arg13[%swap3A_852, %swap3A_853], %swap3A_856 {strides = array<i32>} : memref<128x128xf32, #tpu.memory_space<vmem>>, vector<1x16xf32>,
        %get3A_857 = arith.constant 8 : i32
        %get3A_858 = arith.index_cast %get3A_857 : i32 to index
        %get3A_859 = arith.constant 96 : index
        %get3A_860 = tpu.vector_load %arg15[%get3A_858, %get3A_859] {strides = array<i32>} : memref<16x128xf32, #tpu.memory_space<vmem>>, vector<1x16xf32>,
        %get3A_861 = vector.shape_cast %get3A_860 : vector<1x16xf32> to vector<16xf32>
        %swap3A_862 = arith.constant 70 : i32
        %swap3A_863 = arith.index_cast %swap3A_862 : i32 to index
        %swap3A_864 = arith.constant 0 : index
        %swap3A_865 = tpu.vector_load %arg13[%swap3A_863, %swap3A_864] {strides = array<i32>} : memref<128x128xf32, #tpu.memory_space<vmem>>, vector<1x16xf32>,
        %swap3A_866 = vector.shape_cast %swap3A_865 : vector<1x16xf32> to vector<16xf32>
        %swap3A_867 = vector.shape_cast %get3A_861 : vector<16xf32> to vector<1x16xf32>
        tpu.vector_store %arg13[%swap3A_863, %swap3A_864], %swap3A_867 {strides = array<i32>} : memref<128x128xf32, #tpu.memory_space<vmem>>, vector<1x16xf32>,
        %get3A_868 = arith.constant 8 : i32
        %get3A_869 = arith.index_cast %get3A_868 : i32 to index
        %get3A_870 = arith.constant 112 : index
        %get3A_871 = tpu.vector_load %arg15[%get3A_869, %get3A_870] {strides = array<i32>} : memref<16x128xf32, #tpu.memory_space<vmem>>, vector<1x16xf32>,
        %get3A_872 = vector.shape_cast %get3A_871 : vector<1x16xf32> to vector<16xf32>
        %swap3A_873 = arith.constant 71 : i32
        %swap3A_874 = arith.index_cast %swap3A_873 : i32 to index
        %swap3A_875 = arith.constant 0 : index
        %swap3A_876 = tpu.vector_load %arg13[%swap3A_874, %swap3A_875] {strides = array<i32>} : memref<128x128xf32, #tpu.memory_space<vmem>>, vector<1x16xf32>,
        %swap3A_877 = vector.shape_cast %swap3A_876 : vector<1x16xf32> to vector<16xf32>
        %swap3A_878 = vector.shape_cast %get3A_872 : vector<16xf32> to vector<1x16xf32>
        tpu.vector_store %arg13[%swap3A_874, %swap3A_875], %swap3A_878 {strides = array<i32>} : memref<128x128xf32, #tpu.memory_space<vmem>>, vector<1x16xf32>,
        %get3A_879 = arith.constant 9 : i32
        %get3A_880 = arith.index_cast %get3A_879 : i32 to index
        %get3A_881 = arith.constant 0 : index
        %get3A_882 = tpu.vector_load %arg15[%get3A_880, %get3A_881] {strides = array<i32>} : memref<16x128xf32, #tpu.memory_space<vmem>>, vector<1x16xf32>,
        %get3A_883 = vector.shape_cast %get3A_882 : vector<1x16xf32> to vector<16xf32>
        %swap3A_884 = arith.constant 72 : i32
        %swap3A_885 = arith.index_cast %swap3A_884 : i32 to index
        %swap3A_886 = arith.constant 0 : index
        %swap3A_887 = tpu.vector_load %arg13[%swap3A_885, %swap3A_886] {strides = array<i32>} : memref<128x128xf32, #tpu.memory_space<vmem>>, vector<1x16xf32>,
        %swap3A_888 = vector.shape_cast %swap3A_887 : vector<1x16xf32> to vector<16xf32>
        %swap3A_889 = vector.shape_cast %get3A_883 : vector<16xf32> to vector<1x16xf32>
        tpu.vector_store %arg13[%swap3A_885, %swap3A_886], %swap3A_889 {strides = array<i32>} : memref<128x128xf32, #tpu.memory_space<vmem>>, vector<1x16xf32>,
        %get3A_890 = arith.constant 9 : i32
        %get3A_891 = arith.index_cast %get3A_890 : i32 to index
        %get3A_892 = arith.constant 16 : index
        %get3A_893 = tpu.vector_load %arg15[%get3A_891, %get3A_892] {strides = array<i32>} : memref<16x128xf32, #tpu.memory_space<vmem>>, vector<1x16xf32>,
        %get3A_894 = vector.shape_cast %get3A_893 : vector<1x16xf32> to vector<16xf32>
        %swap3A_895 = arith.constant 73 : i32
        %swap3A_896 = arith.index_cast %swap3A_895 : i32 to index
        %swap3A_897 = arith.constant 0 : index
        %swap3A_898 = tpu.vector_load %arg13[%swap3A_896, %swap3A_897] {strides = array<i32>} : memref<128x128xf32, #tpu.memory_space<vmem>>, vector<1x16xf32>,
        %swap3A_899 = vector.shape_cast %swap3A_898 : vector<1x16xf32> to vector<16xf32>
        %swap3A_900 = vector.shape_cast %get3A_894 : vector<16xf32> to vector<1x16xf32>
        tpu.vector_store %arg13[%swap3A_896, %swap3A_897], %swap3A_900 {strides = array<i32>} : memref<128x128xf32, #tpu.memory_space<vmem>>, vector<1x16xf32>,
        %get3A_901 = arith.constant 9 : i32
        %get3A_902 = arith.index_cast %get3A_901 : i32 to index
        %get3A_903 = arith.constant 32 : index
        %get3A_904 = tpu.vector_load %arg15[%get3A_902, %get3A_903] {strides = array<i32>} : memref<16x128xf32, #tpu.memory_space<vmem>>, vector<1x16xf32>,
        %get3A_905 = vector.shape_cast %get3A_904 : vector<1x16xf32> to vector<16xf32>
        %swap3A_906 = arith.constant 74 : i32
        %swap3A_907 = arith.index_cast %swap3A_906 : i32 to index
        %swap3A_908 = arith.constant 0 : index
        %swap3A_909 = tpu.vector_load %arg13[%swap3A_907, %swap3A_908] {strides = array<i32>} : memref<128x128xf32, #tpu.memory_space<vmem>>, vector<1x16xf32>,
        %swap3A_910 = vector.shape_cast %swap3A_909 : vector<1x16xf32> to vector<16xf32>
        %swap3A_911 = vector.shape_cast %get3A_905 : vector<16xf32> to vector<1x16xf32>
        tpu.vector_store %arg13[%swap3A_907, %swap3A_908], %swap3A_911 {strides = array<i32>} : memref<128x128xf32, #tpu.memory_space<vmem>>, vector<1x16xf32>,
        %get3A_912 = arith.constant 9 : i32
        %get3A_913 = arith.index_cast %get3A_912 : i32 to index
        %get3A_914 = arith.constant 48 : index
        %get3A_915 = tpu.vector_load %arg15[%get3A_913, %get3A_914] {strides = array<i32>} : memref<16x128xf32, #tpu.memory_space<vmem>>, vector<1x16xf32>,
        %get3A_916 = vector.shape_cast %get3A_915 : vector<1x16xf32> to vector<16xf32>
        %swap3A_917 = arith.constant 75 : i32
        %swap3A_918 = arith.index_cast %swap3A_917 : i32 to index
        %swap3A_919 = arith.constant 0 : index
        %swap3A_920 = tpu.vector_load %arg13[%swap3A_918, %swap3A_919] {strides = array<i32>} : memref<128x128xf32, #tpu.memory_space<vmem>>, vector<1x16xf32>,
        %swap3A_921 = vector.shape_cast %swap3A_920 : vector<1x16xf32> to vector<16xf32>
        %swap3A_922 = vector.shape_cast %get3A_916 : vector<16xf32> to vector<1x16xf32>
        tpu.vector_store %arg13[%swap3A_918, %swap3A_919], %swap3A_922 {strides = array<i32>} : memref<128x128xf32, #tpu.memory_space<vmem>>, vector<1x16xf32>,
        %get3A_923 = arith.constant 9 : i32
        %get3A_924 = arith.index_cast %get3A_923 : i32 to index
        %get3A_925 = arith.constant 64 : index
        %get3A_926 = tpu.vector_load %arg15[%get3A_924, %get3A_925] {strides = array<i32>} : memref<16x128xf32, #tpu.memory_space<vmem>>, vector<1x16xf32>,
        %get3A_927 = vector.shape_cast %get3A_926 : vector<1x16xf32> to vector<16xf32>
        %swap3A_928 = arith.constant 76 : i32
        %swap3A_929 = arith.index_cast %swap3A_928 : i32 to index
        %swap3A_930 = arith.constant 0 : index
        %swap3A_931 = tpu.vector_load %arg13[%swap3A_929, %swap3A_930] {strides = array<i32>} : memref<128x128xf32, #tpu.memory_space<vmem>>, vector<1x16xf32>,
        %swap3A_932 = vector.shape_cast %swap3A_931 : vector<1x16xf32> to vector<16xf32>
        %swap3A_933 = vector.shape_cast %get3A_927 : vector<16xf32> to vector<1x16xf32>
        tpu.vector_store %arg13[%swap3A_929, %swap3A_930], %swap3A_933 {strides = array<i32>} : memref<128x128xf32, #tpu.memory_space<vmem>>, vector<1x16xf32>,
        %get3A_934 = arith.constant 9 : i32
        %get3A_935 = arith.index_cast %get3A_934 : i32 to index
        %get3A_936 = arith.constant 80 : index
        %get3A_937 = tpu.vector_load %arg15[%get3A_935, %get3A_936] {strides = array<i32>} : memref<16x128xf32, #tpu.memory_space<vmem>>, vector<1x16xf32>,
        %get3A_938 = vector.shape_cast %get3A_937 : vector<1x16xf32> to vector<16xf32>
        %swap3A_939 = arith.constant 77 : i32
        %swap3A_940 = arith.index_cast %swap3A_939 : i32 to index
        %swap3A_941 = arith.constant 0 : index
        %swap3A_942 = tpu.vector_load %arg13[%swap3A_940, %swap3A_941] {strides = array<i32>} : memref<128x128xf32, #tpu.memory_space<vmem>>, vector<1x16xf32>,
        %swap3A_943 = vector.shape_cast %swap3A_942 : vector<1x16xf32> to vector<16xf32>
        %swap3A_944 = vector.shape_cast %get3A_938 : vector<16xf32> to vector<1x16xf32>
        tpu.vector_store %arg13[%swap3A_940, %swap3A_941], %swap3A_944 {strides = array<i32>} : memref<128x128xf32, #tpu.memory_space<vmem>>, vector<1x16xf32>,
        %get3A_945 = arith.constant 9 : i32
        %get3A_946 = arith.index_cast %get3A_945 : i32 to index
        %get3A_947 = arith.constant 96 : index
        %get3A_948 = tpu.vector_load %arg15[%get3A_946, %get3A_947] {strides = array<i32>} : memref<16x128xf32, #tpu.memory_space<vmem>>, vector<1x16xf32>,
        %get3A_949 = vector.shape_cast %get3A_948 : vector<1x16xf32> to vector<16xf32>
        %swap3A_950 = arith.constant 78 : i32
        %swap3A_951 = arith.index_cast %swap3A_950 : i32 to index
        %swap3A_952 = arith.constant 0 : index
        %swap3A_953 = tpu.vector_load %arg13[%swap3A_951, %swap3A_952] {strides = array<i32>} : memref<128x128xf32, #tpu.memory_space<vmem>>, vector<1x16xf32>,
        %swap3A_954 = vector.shape_cast %swap3A_953 : vector<1x16xf32> to vector<16xf32>
        %swap3A_955 = vector.shape_cast %get3A_949 : vector<16xf32> to vector<1x16xf32>
        tpu.vector_store %arg13[%swap3A_951, %swap3A_952], %swap3A_955 {strides = array<i32>} : memref<128x128xf32, #tpu.memory_space<vmem>>, vector<1x16xf32>,
        %get3A_956 = arith.constant 9 : i32
        %get3A_957 = arith.index_cast %get3A_956 : i32 to index
        %get3A_958 = arith.constant 112 : index
        %get3A_959 = tpu.vector_load %arg15[%get3A_957, %get3A_958] {strides = array<i32>} : memref<16x128xf32, #tpu.memory_space<vmem>>, vector<1x16xf32>,
        %get3A_960 = vector.shape_cast %get3A_959 : vector<1x16xf32> to vector<16xf32>
        %swap3A_961 = arith.constant 79 : i32
        %swap3A_962 = arith.index_cast %swap3A_961 : i32 to index
        %swap3A_963 = arith.constant 0 : index
        %swap3A_964 = tpu.vector_load %arg13[%swap3A_962, %swap3A_963] {strides = array<i32>} : memref<128x128xf32, #tpu.memory_space<vmem>>, vector<1x16xf32>,
        %swap3A_965 = vector.shape_cast %swap3A_964 : vector<1x16xf32> to vector<16xf32>
        %swap3A_966 = vector.shape_cast %get3A_960 : vector<16xf32> to vector<1x16xf32>
        tpu.vector_store %arg13[%swap3A_962, %swap3A_963], %swap3A_966 {strides = array<i32>} : memref<128x128xf32, #tpu.memory_space<vmem>>, vector<1x16xf32>,
        %get3A_967 = arith.constant 10 : i32
        %get3A_968 = arith.index_cast %get3A_967 : i32 to index
        %get3A_969 = arith.constant 0 : index
        %get3A_970 = tpu.vector_load %arg15[%get3A_968, %get3A_969] {strides = array<i32>} : memref<16x128xf32, #tpu.memory_space<vmem>>, vector<1x16xf32>,
        %get3A_971 = vector.shape_cast %get3A_970 : vector<1x16xf32> to vector<16xf32>
        %swap3A_972 = arith.constant 80 : i32
        %swap3A_973 = arith.index_cast %swap3A_972 : i32 to index
        %swap3A_974 = arith.constant 0 : index
        %swap3A_975 = tpu.vector_load %arg13[%swap3A_973, %swap3A_974] {strides = array<i32>} : memref<128x128xf32, #tpu.memory_space<vmem>>, vector<1x16xf32>,
        %swap3A_976 = vector.shape_cast %swap3A_975 : vector<1x16xf32> to vector<16xf32>
        %swap3A_977 = vector.shape_cast %get3A_971 : vector<16xf32> to vector<1x16xf32>
        tpu.vector_store %arg13[%swap3A_973, %swap3A_974], %swap3A_977 {strides = array<i32>} : memref<128x128xf32, #tpu.memory_space<vmem>>, vector<1x16xf32>,
        %get3A_978 = arith.constant 10 : i32
        %get3A_979 = arith.index_cast %get3A_978 : i32 to index
        %get3A_980 = arith.constant 16 : index
        %get3A_981 = tpu.vector_load %arg15[%get3A_979, %get3A_980] {strides = array<i32>} : memref<16x128xf32, #tpu.memory_space<vmem>>, vector<1x16xf32>,
        %get3A_982 = vector.shape_cast %get3A_981 : vector<1x16xf32> to vector<16xf32>
        %swap3A_983 = arith.constant 81 : i32
        %swap3A_984 = arith.index_cast %swap3A_983 : i32 to index
        %swap3A_985 = arith.constant 0 : index
        %swap3A_986 = tpu.vector_load %arg13[%swap3A_984, %swap3A_985] {strides = array<i32>} : memref<128x128xf32, #tpu.memory_space<vmem>>, vector<1x16xf32>,
        %swap3A_987 = vector.shape_cast %swap3A_986 : vector<1x16xf32> to vector<16xf32>
        %swap3A_988 = vector.shape_cast %get3A_982 : vector<16xf32> to vector<1x16xf32>
        tpu.vector_store %arg13[%swap3A_984, %swap3A_985], %swap3A_988 {strides = array<i32>} : memref<128x128xf32, #tpu.memory_space<vmem>>, vector<1x16xf32>,
        %get3A_989 = arith.constant 10 : i32
        %get3A_990 = arith.index_cast %get3A_989 : i32 to index
        %get3A_991 = arith.constant 32 : index
        %get3A_992 = tpu.vector_load %arg15[%get3A_990, %get3A_991] {strides = array<i32>} : memref<16x128xf32, #tpu.memory_space<vmem>>, vector<1x16xf32>,
        %get3A_993 = vector.shape_cast %get3A_992 : vector<1x16xf32> to vector<16xf32>
        %swap3A_994 = arith.constant 82 : i32
        %swap3A_995 = arith.index_cast %swap3A_994 : i32 to index
        %swap3A_996 = arith.constant 0 : index
        %swap3A_997 = tpu.vector_load %arg13[%swap3A_995, %swap3A_996] {strides = array<i32>} : memref<128x128xf32, #tpu.memory_space<vmem>>, vector<1x16xf32>,
        %swap3A_998 = vector.shape_cast %swap3A_997 : vector<1x16xf32> to vector<16xf32>
        %swap3A_999 = vector.shape_cast %get3A_993 : vector<16xf32> to vector<1x16xf32>
        tpu.vector_store %arg13[%swap3A_995, %swap3A_996], %swap3A_999 {strides = array<i32>} : memref<128x128xf32, #tpu.memory_space<vmem>>, vector<1x16xf32>,
        %get3A_1000 = arith.constant 10 : i32
        %get3A_1001 = arith.index_cast %get3A_1000 : i32 to index
        %get3A_1002 = arith.constant 48 : index
        %get3A_1003 = tpu.vector_load %arg15[%get3A_1001, %get3A_1002] {strides = array<i32>} : memref<16x128xf32, #tpu.memory_space<vmem>>, vector<1x16xf32>,
        %get3A_1004 = vector.shape_cast %get3A_1003 : vector<1x16xf32> to vector<16xf32>
        %swap3A_1005 = arith.constant 83 : i32
        %swap3A_1006 = arith.index_cast %swap3A_1005 : i32 to index
        %swap3A_1007 = arith.constant 0 : index
        %swap3A_1008 = tpu.vector_load %arg13[%swap3A_1006, %swap3A_1007] {strides = array<i32>} : memref<128x128xf32, #tpu.memory_space<vmem>>, vector<1x16xf32>,
        %swap3A_1009 = vector.shape_cast %swap3A_1008 : vector<1x16xf32> to vector<16xf32>
        %swap3A_1010 = vector.shape_cast %get3A_1004 : vector<16xf32> to vector<1x16xf32>
        tpu.vector_store %arg13[%swap3A_1006, %swap3A_1007], %swap3A_1010 {strides = array<i32>} : memref<128x128xf32, #tpu.memory_space<vmem>>, vector<1x16xf32>,
        %get3A_1011 = arith.constant 10 : i32
        %get3A_1012 = arith.index_cast %get3A_1011 : i32 to index
        %get3A_1013 = arith.constant 64 : index
        %get3A_1014 = tpu.vector_load %arg15[%get3A_1012, %get3A_1013] {strides = array<i32>} : memref<16x128xf32, #tpu.memory_space<vmem>>, vector<1x16xf32>,
        %get3A_1015 = vector.shape_cast %get3A_1014 : vector<1x16xf32> to vector<16xf32>
        %swap3A_1016 = arith.constant 84 : i32
        %swap3A_1017 = arith.index_cast %swap3A_1016 : i32 to index
        %swap3A_1018 = arith.constant 0 : index
        %swap3A_1019 = tpu.vector_load %arg13[%swap3A_1017, %swap3A_1018] {strides = array<i32>} : memref<128x128xf32, #tpu.memory_space<vmem>>, vector<1x16xf32>,
        %swap3A_1020 = vector.shape_cast %swap3A_1019 : vector<1x16xf32> to vector<16xf32>
        %swap3A_1021 = vector.shape_cast %get3A_1015 : vector<16xf32> to vector<1x16xf32>
        tpu.vector_store %arg13[%swap3A_1017, %swap3A_1018], %swap3A_1021 {strides = array<i32>} : memref<128x128xf32, #tpu.memory_space<vmem>>, vector<1x16xf32>,
        %get3A_1022 = arith.constant 10 : i32
        %get3A_1023 = arith.index_cast %get3A_1022 : i32 to index
        %get3A_1024 = arith.constant 80 : index
        %get3A_1025 = tpu.vector_load %arg15[%get3A_1023, %get3A_1024] {strides = array<i32>} : memref<16x128xf32, #tpu.memory_space<vmem>>, vector<1x16xf32>,
        %get3A_1026 = vector.shape_cast %get3A_1025 : vector<1x16xf32> to vector<16xf32>
        %swap3A_1027 = arith.constant 85 : i32
        %swap3A_1028 = arith.index_cast %swap3A_1027 : i32 to index
        %swap3A_1029 = arith.constant 0 : index
        %swap3A_1030 = tpu.vector_load %arg13[%swap3A_1028, %swap3A_1029] {strides = array<i32>} : memref<128x128xf32, #tpu.memory_space<vmem>>, vector<1x16xf32>,
        %swap3A_1031 = vector.shape_cast %swap3A_1030 : vector<1x16xf32> to vector<16xf32>
        %swap3A_1032 = vector.shape_cast %get3A_1026 : vector<16xf32> to vector<1x16xf32>
        tpu.vector_store %arg13[%swap3A_1028, %swap3A_1029], %swap3A_1032 {strides = array<i32>} : memref<128x128xf32, #tpu.memory_space<vmem>>, vector<1x16xf32>,
        %get3A_1033 = arith.constant 10 : i32
        %get3A_1034 = arith.index_cast %get3A_1033 : i32 to index
        %get3A_1035 = arith.constant 96 : index
        %get3A_1036 = tpu.vector_load %arg15[%get3A_1034, %get3A_1035] {strides = array<i32>} : memref<16x128xf32, #tpu.memory_space<vmem>>, vector<1x16xf32>,
        %get3A_1037 = vector.shape_cast %get3A_1036 : vector<1x16xf32> to vector<16xf32>
        %swap3A_1038 = arith.constant 86 : i32
        %swap3A_1039 = arith.index_cast %swap3A_1038 : i32 to index
        %swap3A_1040 = arith.constant 0 : index
        %swap3A_1041 = tpu.vector_load %arg13[%swap3A_1039, %swap3A_1040] {strides = array<i32>} : memref<128x128xf32, #tpu.memory_space<vmem>>, vector<1x16xf32>,
        %swap3A_1042 = vector.shape_cast %swap3A_1041 : vector<1x16xf32> to vector<16xf32>
        %swap3A_1043 = vector.shape_cast %get3A_1037 : vector<16xf32> to vector<1x16xf32>
        tpu.vector_store %arg13[%swap3A_1039, %swap3A_1040], %swap3A_1043 {strides = array<i32>} : memref<128x128xf32, #tpu.memory_space<vmem>>, vector<1x16xf32>,
        %get3A_1044 = arith.constant 10 : i32
        %get3A_1045 = arith.index_cast %get3A_1044 : i32 to index
        %get3A_1046 = arith.constant 112 : index
        %get3A_1047 = tpu.vector_load %arg15[%get3A_1045, %get3A_1046] {strides = array<i32>} : memref<16x128xf32, #tpu.memory_space<vmem>>, vector<1x16xf32>,
        %get3A_1048 = vector.shape_cast %get3A_1047 : vector<1x16xf32> to vector<16xf32>
        %swap3A_1049 = arith.constant 87 : i32
        %swap3A_1050 = arith.index_cast %swap3A_1049 : i32 to index
        %swap3A_1051 = arith.constant 0 : index
        %swap3A_1052 = tpu.vector_load %arg13[%swap3A_1050, %swap3A_1051] {strides = array<i32>} : memref<128x128xf32, #tpu.memory_space<vmem>>, vector<1x16xf32>,
        %swap3A_1053 = vector.shape_cast %swap3A_1052 : vector<1x16xf32> to vector<16xf32>
        %swap3A_1054 = vector.shape_cast %get3A_1048 : vector<16xf32> to vector<1x16xf32>
        tpu.vector_store %arg13[%swap3A_1050, %swap3A_1051], %swap3A_1054 {strides = array<i32>} : memref<128x128xf32, #tpu.memory_space<vmem>>, vector<1x16xf32>,
        %get3A_1055 = arith.constant 11 : i32
        %get3A_1056 = arith.index_cast %get3A_1055 : i32 to index
        %get3A_1057 = arith.constant 0 : index
        %get3A_1058 = tpu.vector_load %arg15[%get3A_1056, %get3A_1057] {strides = array<i32>} : memref<16x128xf32, #tpu.memory_space<vmem>>, vector<1x16xf32>,
        %get3A_1059 = vector.shape_cast %get3A_1058 : vector<1x16xf32> to vector<16xf32>
        %swap3A_1060 = arith.constant 88 : i32
        %swap3A_1061 = arith.index_cast %swap3A_1060 : i32 to index
        %swap3A_1062 = arith.constant 0 : index
        %swap3A_1063 = tpu.vector_load %arg13[%swap3A_1061, %swap3A_1062] {strides = array<i32>} : memref<128x128xf32, #tpu.memory_space<vmem>>, vector<1x16xf32>,
        %swap3A_1064 = vector.shape_cast %swap3A_1063 : vector<1x16xf32> to vector<16xf32>
        %swap3A_1065 = vector.shape_cast %get3A_1059 : vector<16xf32> to vector<1x16xf32>
        tpu.vector_store %arg13[%swap3A_1061, %swap3A_1062], %swap3A_1065 {strides = array<i32>} : memref<128x128xf32, #tpu.memory_space<vmem>>, vector<1x16xf32>,
        %get3A_1066 = arith.constant 11 : i32
        %get3A_1067 = arith.index_cast %get3A_1066 : i32 to index
        %get3A_1068 = arith.constant 16 : index
        %get3A_1069 = tpu.vector_load %arg15[%get3A_1067, %get3A_1068] {strides = array<i32>} : memref<16x128xf32, #tpu.memory_space<vmem>>, vector<1x16xf32>,
        %get3A_1070 = vector.shape_cast %get3A_1069 : vector<1x16xf32> to vector<16xf32>
        %swap3A_1071 = arith.constant 89 : i32
        %swap3A_1072 = arith.index_cast %swap3A_1071 : i32 to index
        %swap3A_1073 = arith.constant 0 : index
        %swap3A_1074 = tpu.vector_load %arg13[%swap3A_1072, %swap3A_1073] {strides = array<i32>} : memref<128x128xf32, #tpu.memory_space<vmem>>, vector<1x16xf32>,
        %swap3A_1075 = vector.shape_cast %swap3A_1074 : vector<1x16xf32> to vector<16xf32>
        %swap3A_1076 = vector.shape_cast %get3A_1070 : vector<16xf32> to vector<1x16xf32>
        tpu.vector_store %arg13[%swap3A_1072, %swap3A_1073], %swap3A_1076 {strides = array<i32>} : memref<128x128xf32, #tpu.memory_space<vmem>>, vector<1x16xf32>,
        %get3A_1077 = arith.constant 11 : i32
        %get3A_1078 = arith.index_cast %get3A_1077 : i32 to index
        %get3A_1079 = arith.constant 32 : index
        %get3A_1080 = tpu.vector_load %arg15[%get3A_1078, %get3A_1079] {strides = array<i32>} : memref<16x128xf32, #tpu.memory_space<vmem>>, vector<1x16xf32>,
        %get3A_1081 = vector.shape_cast %get3A_1080 : vector<1x16xf32> to vector<16xf32>
        %swap3A_1082 = arith.constant 90 : i32
        %swap3A_1083 = arith.index_cast %swap3A_1082 : i32 to index
        %swap3A_1084 = arith.constant 0 : index
        %swap3A_1085 = tpu.vector_load %arg13[%swap3A_1083, %swap3A_1084] {strides = array<i32>} : memref<128x128xf32, #tpu.memory_space<vmem>>, vector<1x16xf32>,
        %swap3A_1086 = vector.shape_cast %swap3A_1085 : vector<1x16xf32> to vector<16xf32>
        %swap3A_1087 = vector.shape_cast %get3A_1081 : vector<16xf32> to vector<1x16xf32>
        tpu.vector_store %arg13[%swap3A_1083, %swap3A_1084], %swap3A_1087 {strides = array<i32>} : memref<128x128xf32, #tpu.memory_space<vmem>>, vector<1x16xf32>,
        %get3A_1088 = arith.constant 11 : i32
        %get3A_1089 = arith.index_cast %get3A_1088 : i32 to index
        %get3A_1090 = arith.constant 48 : index
        %get3A_1091 = tpu.vector_load %arg15[%get3A_1089, %get3A_1090] {strides = array<i32>} : memref<16x128xf32, #tpu.memory_space<vmem>>, vector<1x16xf32>,
        %get3A_1092 = vector.shape_cast %get3A_1091 : vector<1x16xf32> to vector<16xf32>
        %swap3A_1093 = arith.constant 91 : i32
        %swap3A_1094 = arith.index_cast %swap3A_1093 : i32 to index
        %swap3A_1095 = arith.constant 0 : index
        %swap3A_1096 = tpu.vector_load %arg13[%swap3A_1094, %swap3A_1095] {strides = array<i32>} : memref<128x128xf32, #tpu.memory_space<vmem>>, vector<1x16xf32>,
        %swap3A_1097 = vector.shape_cast %swap3A_1096 : vector<1x16xf32> to vector<16xf32>
        %swap3A_1098 = vector.shape_cast %get3A_1092 : vector<16xf32> to vector<1x16xf32>
        tpu.vector_store %arg13[%swap3A_1094, %swap3A_1095], %swap3A_1098 {strides = array<i32>} : memref<128x128xf32, #tpu.memory_space<vmem>>, vector<1x16xf32>,
        %get3A_1099 = arith.constant 11 : i32
        %get3A_1100 = arith.index_cast %get3A_1099 : i32 to index
        %get3A_1101 = arith.constant 64 : index
        %get3A_1102 = tpu.vector_load %arg15[%get3A_1100, %get3A_1101] {strides = array<i32>} : memref<16x128xf32, #tpu.memory_space<vmem>>, vector<1x16xf32>,
        %get3A_1103 = vector.shape_cast %get3A_1102 : vector<1x16xf32> to vector<16xf32>
        %swap3A_1104 = arith.constant 92 : i32
        %swap3A_1105 = arith.index_cast %swap3A_1104 : i32 to index
        %swap3A_1106 = arith.constant 0 : index
        %swap3A_1107 = tpu.vector_load %arg13[%swap3A_1105, %swap3A_1106] {strides = array<i32>} : memref<128x128xf32, #tpu.memory_space<vmem>>, vector<1x16xf32>,
        %swap3A_1108 = vector.shape_cast %swap3A_1107 : vector<1x16xf32> to vector<16xf32>
        %swap3A_1109 = vector.shape_cast %get3A_1103 : vector<16xf32> to vector<1x16xf32>
        tpu.vector_store %arg13[%swap3A_1105, %swap3A_1106], %swap3A_1109 {strides = array<i32>} : memref<128x128xf32, #tpu.memory_space<vmem>>, vector<1x16xf32>,
        %get3A_1110 = arith.constant 11 : i32
        %get3A_1111 = arith.index_cast %get3A_1110 : i32 to index
        %get3A_1112 = arith.constant 80 : index
        %get3A_1113 = tpu.vector_load %arg15[%get3A_1111, %get3A_1112] {strides = array<i32>} : memref<16x128xf32, #tpu.memory_space<vmem>>, vector<1x16xf32>,
        %get3A_1114 = vector.shape_cast %get3A_1113 : vector<1x16xf32> to vector<16xf32>
        %swap3A_1115 = arith.constant 93 : i32
        %swap3A_1116 = arith.index_cast %swap3A_1115 : i32 to index
        %swap3A_1117 = arith.constant 0 : index
        %swap3A_1118 = tpu.vector_load %arg13[%swap3A_1116, %swap3A_1117] {strides = array<i32>} : memref<128x128xf32, #tpu.memory_space<vmem>>, vector<1x16xf32>,
        %swap3A_1119 = vector.shape_cast %swap3A_1118 : vector<1x16xf32> to vector<16xf32>
        %swap3A_1120 = vector.shape_cast %get3A_1114 : vector<16xf32> to vector<1x16xf32>
        tpu.vector_store %arg13[%swap3A_1116, %swap3A_1117], %swap3A_1120 {strides = array<i32>} : memref<128x128xf32, #tpu.memory_space<vmem>>, vector<1x16xf32>,
        %get3A_1121 = arith.constant 11 : i32
        %get3A_1122 = arith.index_cast %get3A_1121 : i32 to index
        %get3A_1123 = arith.constant 96 : index
        %get3A_1124 = tpu.vector_load %arg15[%get3A_1122, %get3A_1123] {strides = array<i32>} : memref<16x128xf32, #tpu.memory_space<vmem>>, vector<1x16xf32>,
        %get3A_1125 = vector.shape_cast %get3A_1124 : vector<1x16xf32> to vector<16xf32>
        %swap3A_1126 = arith.constant 94 : i32
        %swap3A_1127 = arith.index_cast %swap3A_1126 : i32 to index
        %swap3A_1128 = arith.constant 0 : index
        %swap3A_1129 = tpu.vector_load %arg13[%swap3A_1127, %swap3A_1128] {strides = array<i32>} : memref<128x128xf32, #tpu.memory_space<vmem>>, vector<1x16xf32>,
        %swap3A_1130 = vector.shape_cast %swap3A_1129 : vector<1x16xf32> to vector<16xf32>
        %swap3A_1131 = vector.shape_cast %get3A_1125 : vector<16xf32> to vector<1x16xf32>
        tpu.vector_store %arg13[%swap3A_1127, %swap3A_1128], %swap3A_1131 {strides = array<i32>} : memref<128x128xf32, #tpu.memory_space<vmem>>, vector<1x16xf32>,
        %get3A_1132 = arith.constant 11 : i32
        %get3A_1133 = arith.index_cast %get3A_1132 : i32 to index
        %get3A_1134 = arith.constant 112 : index
        %get3A_1135 = tpu.vector_load %arg15[%get3A_1133, %get3A_1134] {strides = array<i32>} : memref<16x128xf32, #tpu.memory_space<vmem>>, vector<1x16xf32>,
        %get3A_1136 = vector.shape_cast %get3A_1135 : vector<1x16xf32> to vector<16xf32>
        %swap3A_1137 = arith.constant 95 : i32
        %swap3A_1138 = arith.index_cast %swap3A_1137 : i32 to index
        %swap3A_1139 = arith.constant 0 : index
        %swap3A_1140 = tpu.vector_load %arg13[%swap3A_1138, %swap3A_1139] {strides = array<i32>} : memref<128x128xf32, #tpu.memory_space<vmem>>, vector<1x16xf32>,
        %swap3A_1141 = vector.shape_cast %swap3A_1140 : vector<1x16xf32> to vector<16xf32>
        %swap3A_1142 = vector.shape_cast %get3A_1136 : vector<16xf32> to vector<1x16xf32>
        tpu.vector_store %arg13[%swap3A_1138, %swap3A_1139], %swap3A_1142 {strides = array<i32>} : memref<128x128xf32, #tpu.memory_space<vmem>>, vector<1x16xf32>,
        %get3A_1143 = arith.constant 12 : i32
        %get3A_1144 = arith.index_cast %get3A_1143 : i32 to index
        %get3A_1145 = arith.constant 0 : index
        %get3A_1146 = tpu.vector_load %arg15[%get3A_1144, %get3A_1145] {strides = array<i32>} : memref<16x128xf32, #tpu.memory_space<vmem>>, vector<1x16xf32>,
        %get3A_1147 = vector.shape_cast %get3A_1146 : vector<1x16xf32> to vector<16xf32>
        %swap3A_1148 = arith.constant 96 : i32
        %swap3A_1149 = arith.index_cast %swap3A_1148 : i32 to index
        %swap3A_1150 = arith.constant 0 : index
        %swap3A_1151 = tpu.vector_load %arg13[%swap3A_1149, %swap3A_1150] {strides = array<i32>} : memref<128x128xf32, #tpu.memory_space<vmem>>, vector<1x16xf32>,
        %swap3A_1152 = vector.shape_cast %swap3A_1151 : vector<1x16xf32> to vector<16xf32>
        %swap3A_1153 = vector.shape_cast %get3A_1147 : vector<16xf32> to vector<1x16xf32>
        tpu.vector_store %arg13[%swap3A_1149, %swap3A_1150], %swap3A_1153 {strides = array<i32>} : memref<128x128xf32, #tpu.memory_space<vmem>>, vector<1x16xf32>,
        %get3A_1154 = arith.constant 12 : i32
        %get3A_1155 = arith.index_cast %get3A_1154 : i32 to index
        %get3A_1156 = arith.constant 16 : index
        %get3A_1157 = tpu.vector_load %arg15[%get3A_1155, %get3A_1156] {strides = array<i32>} : memref<16x128xf32, #tpu.memory_space<vmem>>, vector<1x16xf32>,
        %get3A_1158 = vector.shape_cast %get3A_1157 : vector<1x16xf32> to vector<16xf32>
        %swap3A_1159 = arith.constant 97 : i32
        %swap3A_1160 = arith.index_cast %swap3A_1159 : i32 to index
        %swap3A_1161 = arith.constant 0 : index
        %swap3A_1162 = tpu.vector_load %arg13[%swap3A_1160, %swap3A_1161] {strides = array<i32>} : memref<128x128xf32, #tpu.memory_space<vmem>>, vector<1x16xf32>,
        %swap3A_1163 = vector.shape_cast %swap3A_1162 : vector<1x16xf32> to vector<16xf32>
        %swap3A_1164 = vector.shape_cast %get3A_1158 : vector<16xf32> to vector<1x16xf32>
        tpu.vector_store %arg13[%swap3A_1160, %swap3A_1161], %swap3A_1164 {strides = array<i32>} : memref<128x128xf32, #tpu.memory_space<vmem>>, vector<1x16xf32>,
        %get3A_1165 = arith.constant 12 : i32
        %get3A_1166 = arith.index_cast %get3A_1165 : i32 to index
        %get3A_1167 = arith.constant 32 : index
        %get3A_1168 = tpu.vector_load %arg15[%get3A_1166, %get3A_1167] {strides = array<i32>} : memref<16x128xf32, #tpu.memory_space<vmem>>, vector<1x16xf32>,
        %get3A_1169 = vector.shape_cast %get3A_1168 : vector<1x16xf32> to vector<16xf32>
        %swap3A_1170 = arith.constant 98 : i32
        %swap3A_1171 = arith.index_cast %swap3A_1170 : i32 to index
        %swap3A_1172 = arith.constant 0 : index
        %swap3A_1173 = tpu.vector_load %arg13[%swap3A_1171, %swap3A_1172] {strides = array<i32>} : memref<128x128xf32, #tpu.memory_space<vmem>>, vector<1x16xf32>,
        %swap3A_1174 = vector.shape_cast %swap3A_1173 : vector<1x16xf32> to vector<16xf32>
        %swap3A_1175 = vector.shape_cast %get3A_1169 : vector<16xf32> to vector<1x16xf32>
        tpu.vector_store %arg13[%swap3A_1171, %swap3A_1172], %swap3A_1175 {strides = array<i32>} : memref<128x128xf32, #tpu.memory_space<vmem>>, vector<1x16xf32>,
        %get3A_1176 = arith.constant 12 : i32
        %get3A_1177 = arith.index_cast %get3A_1176 : i32 to index
        %get3A_1178 = arith.constant 48 : index
        %get3A_1179 = tpu.vector_load %arg15[%get3A_1177, %get3A_1178] {strides = array<i32>} : memref<16x128xf32, #tpu.memory_space<vmem>>, vector<1x16xf32>,
        %get3A_1180 = vector.shape_cast %get3A_1179 : vector<1x16xf32> to vector<16xf32>
        %swap3A_1181 = arith.constant 99 : i32
        %swap3A_1182 = arith.index_cast %swap3A_1181 : i32 to index
        %swap3A_1183 = arith.constant 0 : index
        %swap3A_1184 = tpu.vector_load %arg13[%swap3A_1182, %swap3A_1183] {strides = array<i32>} : memref<128x128xf32, #tpu.memory_space<vmem>>, vector<1x16xf32>,
        %swap3A_1185 = vector.shape_cast %swap3A_1184 : vector<1x16xf32> to vector<16xf32>
        %swap3A_1186 = vector.shape_cast %get3A_1180 : vector<16xf32> to vector<1x16xf32>
        tpu.vector_store %arg13[%swap3A_1182, %swap3A_1183], %swap3A_1186 {strides = array<i32>} : memref<128x128xf32, #tpu.memory_space<vmem>>, vector<1x16xf32>,
        %get3A_1187 = arith.constant 12 : i32
        %get3A_1188 = arith.index_cast %get3A_1187 : i32 to index
        %get3A_1189 = arith.constant 64 : index
        %get3A_1190 = tpu.vector_load %arg15[%get3A_1188, %get3A_1189] {strides = array<i32>} : memref<16x128xf32, #tpu.memory_space<vmem>>, vector<1x16xf32>,
        %get3A_1191 = vector.shape_cast %get3A_1190 : vector<1x16xf32> to vector<16xf32>
        %swap3A_1192 = arith.constant 100 : i32
        %swap3A_1193 = arith.index_cast %swap3A_1192 : i32 to index
        %swap3A_1194 = arith.constant 0 : index
        %swap3A_1195 = tpu.vector_load %arg13[%swap3A_1193, %swap3A_1194] {strides = array<i32>} : memref<128x128xf32, #tpu.memory_space<vmem>>, vector<1x16xf32>,
        %swap3A_1196 = vector.shape_cast %swap3A_1195 : vector<1x16xf32> to vector<16xf32>
        %swap3A_1197 = vector.shape_cast %get3A_1191 : vector<16xf32> to vector<1x16xf32>
        tpu.vector_store %arg13[%swap3A_1193, %swap3A_1194], %swap3A_1197 {strides = array<i32>} : memref<128x128xf32, #tpu.memory_space<vmem>>, vector<1x16xf32>,
        %get3A_1198 = arith.constant 12 : i32
        %get3A_1199 = arith.index_cast %get3A_1198 : i32 to index
        %get3A_1200 = arith.constant 80 : index
        %get3A_1201 = tpu.vector_load %arg15[%get3A_1199, %get3A_1200] {strides = array<i32>} : memref<16x128xf32, #tpu.memory_space<vmem>>, vector<1x16xf32>,
        %get3A_1202 = vector.shape_cast %get3A_1201 : vector<1x16xf32> to vector<16xf32>
        %swap3A_1203 = arith.constant 101 : i32
        %swap3A_1204 = arith.index_cast %swap3A_1203 : i32 to index
        %swap3A_1205 = arith.constant 0 : index
        %swap3A_1206 = tpu.vector_load %arg13[%swap3A_1204, %swap3A_1205] {strides = array<i32>} : memref<128x128xf32, #tpu.memory_space<vmem>>, vector<1x16xf32>,
        %swap3A_1207 = vector.shape_cast %swap3A_1206 : vector<1x16xf32> to vector<16xf32>
        %swap3A_1208 = vector.shape_cast %get3A_1202 : vector<16xf32> to vector<1x16xf32>
        tpu.vector_store %arg13[%swap3A_1204, %swap3A_1205], %swap3A_1208 {strides = array<i32>} : memref<128x128xf32, #tpu.memory_space<vmem>>, vector<1x16xf32>,
        %get3A_1209 = arith.constant 12 : i32
        %get3A_1210 = arith.index_cast %get3A_1209 : i32 to index
        %get3A_1211 = arith.constant 96 : index
        %get3A_1212 = tpu.vector_load %arg15[%get3A_1210, %get3A_1211] {strides = array<i32>} : memref<16x128xf32, #tpu.memory_space<vmem>>, vector<1x16xf32>,
        %get3A_1213 = vector.shape_cast %get3A_1212 : vector<1x16xf32> to vector<16xf32>
        %swap3A_1214 = arith.constant 102 : i32
        %swap3A_1215 = arith.index_cast %swap3A_1214 : i32 to index
        %swap3A_1216 = arith.constant 0 : index
        %swap3A_1217 = tpu.vector_load %arg13[%swap3A_1215, %swap3A_1216] {strides = array<i32>} : memref<128x128xf32, #tpu.memory_space<vmem>>, vector<1x16xf32>,
        %swap3A_1218 = vector.shape_cast %swap3A_1217 : vector<1x16xf32> to vector<16xf32>
        %swap3A_1219 = vector.shape_cast %get3A_1213 : vector<16xf32> to vector<1x16xf32>
        tpu.vector_store %arg13[%swap3A_1215, %swap3A_1216], %swap3A_1219 {strides = array<i32>} : memref<128x128xf32, #tpu.memory_space<vmem>>, vector<1x16xf32>,
        %get3A_1220 = arith.constant 12 : i32
        %get3A_1221 = arith.index_cast %get3A_1220 : i32 to index
        %get3A_1222 = arith.constant 112 : index
        %get3A_1223 = tpu.vector_load %arg15[%get3A_1221, %get3A_1222] {strides = array<i32>} : memref<16x128xf32, #tpu.memory_space<vmem>>, vector<1x16xf32>,
        %get3A_1224 = vector.shape_cast %get3A_1223 : vector<1x16xf32> to vector<16xf32>
        %swap3A_1225 = arith.constant 103 : i32
        %swap3A_1226 = arith.index_cast %swap3A_1225 : i32 to index
        %swap3A_1227 = arith.constant 0 : index
        %swap3A_1228 = tpu.vector_load %arg13[%swap3A_1226, %swap3A_1227] {strides = array<i32>} : memref<128x128xf32, #tpu.memory_space<vmem>>, vector<1x16xf32>,
        %swap3A_1229 = vector.shape_cast %swap3A_1228 : vector<1x16xf32> to vector<16xf32>
        %swap3A_1230 = vector.shape_cast %get3A_1224 : vector<16xf32> to vector<1x16xf32>
        tpu.vector_store %arg13[%swap3A_1226, %swap3A_1227], %swap3A_1230 {strides = array<i32>} : memref<128x128xf32, #tpu.memory_space<vmem>>, vector<1x16xf32>,
        %get3A_1231 = arith.constant 13 : i32
        %get3A_1232 = arith.index_cast %get3A_1231 : i32 to index
        %get3A_1233 = arith.constant 0 : index
        %get3A_1234 = tpu.vector_load %arg15[%get3A_1232, %get3A_1233] {strides = array<i32>} : memref<16x128xf32, #tpu.memory_space<vmem>>, vector<1x16xf32>,
        %get3A_1235 = vector.shape_cast %get3A_1234 : vector<1x16xf32> to vector<16xf32>
        %swap3A_1236 = arith.constant 104 : i32
        %swap3A_1237 = arith.index_cast %swap3A_1236 : i32 to index
        %swap3A_1238 = arith.constant 0 : index
        %swap3A_1239 = tpu.vector_load %arg13[%swap3A_1237, %swap3A_1238] {strides = array<i32>} : memref<128x128xf32, #tpu.memory_space<vmem>>, vector<1x16xf32>,
        %swap3A_1240 = vector.shape_cast %swap3A_1239 : vector<1x16xf32> to vector<16xf32>
        %swap3A_1241 = vector.shape_cast %get3A_1235 : vector<16xf32> to vector<1x16xf32>
        tpu.vector_store %arg13[%swap3A_1237, %swap3A_1238], %swap3A_1241 {strides = array<i32>} : memref<128x128xf32, #tpu.memory_space<vmem>>, vector<1x16xf32>,
        %get3A_1242 = arith.constant 13 : i32
        %get3A_1243 = arith.index_cast %get3A_1242 : i32 to index
        %get3A_1244 = arith.constant 16 : index
        %get3A_1245 = tpu.vector_load %arg15[%get3A_1243, %get3A_1244] {strides = array<i32>} : memref<16x128xf32, #tpu.memory_space<vmem>>, vector<1x16xf32>,
        %get3A_1246 = vector.shape_cast %get3A_1245 : vector<1x16xf32> to vector<16xf32>
        %swap3A_1247 = arith.constant 105 : i32
        %swap3A_1248 = arith.index_cast %swap3A_1247 : i32 to index
        %swap3A_1249 = arith.constant 0 : index
        %swap3A_1250 = tpu.vector_load %arg13[%swap3A_1248, %swap3A_1249] {strides = array<i32>} : memref<128x128xf32, #tpu.memory_space<vmem>>, vector<1x16xf32>,
        %swap3A_1251 = vector.shape_cast %swap3A_1250 : vector<1x16xf32> to vector<16xf32>
        %swap3A_1252 = vector.shape_cast %get3A_1246 : vector<16xf32> to vector<1x16xf32>
        tpu.vector_store %arg13[%swap3A_1248, %swap3A_1249], %swap3A_1252 {strides = array<i32>} : memref<128x128xf32, #tpu.memory_space<vmem>>, vector<1x16xf32>,
        %get3A_1253 = arith.constant 13 : i32
        %get3A_1254 = arith.index_cast %get3A_1253 : i32 to index
        %get3A_1255 = arith.constant 32 : index
        %get3A_1256 = tpu.vector_load %arg15[%get3A_1254, %get3A_1255] {strides = array<i32>} : memref<16x128xf32, #tpu.memory_space<vmem>>, vector<1x16xf32>,
        %get3A_1257 = vector.shape_cast %get3A_1256 : vector<1x16xf32> to vector<16xf32>
        %swap3A_1258 = arith.constant 106 : i32
        %swap3A_1259 = arith.index_cast %swap3A_1258 : i32 to index
        %swap3A_1260 = arith.constant 0 : index
        %swap3A_1261 = tpu.vector_load %arg13[%swap3A_1259, %swap3A_1260] {strides = array<i32>} : memref<128x128xf32, #tpu.memory_space<vmem>>, vector<1x16xf32>,
        %swap3A_1262 = vector.shape_cast %swap3A_1261 : vector<1x16xf32> to vector<16xf32>
        %swap3A_1263 = vector.shape_cast %get3A_1257 : vector<16xf32> to vector<1x16xf32>
        tpu.vector_store %arg13[%swap3A_1259, %swap3A_1260], %swap3A_1263 {strides = array<i32>} : memref<128x128xf32, #tpu.memory_space<vmem>>, vector<1x16xf32>,
        %get3A_1264 = arith.constant 13 : i32
        %get3A_1265 = arith.index_cast %get3A_1264 : i32 to index
        %get3A_1266 = arith.constant 48 : index
        %get3A_1267 = tpu.vector_load %arg15[%get3A_1265, %get3A_1266] {strides = array<i32>} : memref<16x128xf32, #tpu.memory_space<vmem>>, vector<1x16xf32>,
        %get3A_1268 = vector.shape_cast %get3A_1267 : vector<1x16xf32> to vector<16xf32>
        %swap3A_1269 = arith.constant 107 : i32
        %swap3A_1270 = arith.index_cast %swap3A_1269 : i32 to index
        %swap3A_1271 = arith.constant 0 : index
        %swap3A_1272 = tpu.vector_load %arg13[%swap3A_1270, %swap3A_1271] {strides = array<i32>} : memref<128x128xf32, #tpu.memory_space<vmem>>, vector<1x16xf32>,
        %swap3A_1273 = vector.shape_cast %swap3A_1272 : vector<1x16xf32> to vector<16xf32>
        %swap3A_1274 = vector.shape_cast %get3A_1268 : vector<16xf32> to vector<1x16xf32>
        tpu.vector_store %arg13[%swap3A_1270, %swap3A_1271], %swap3A_1274 {strides = array<i32>} : memref<128x128xf32, #tpu.memory_space<vmem>>, vector<1x16xf32>,
        %get3A_1275 = arith.constant 13 : i32
        %get3A_1276 = arith.index_cast %get3A_1275 : i32 to index
        %get3A_1277 = arith.constant 64 : index
        %get3A_1278 = tpu.vector_load %arg15[%get3A_1276, %get3A_1277] {strides = array<i32>} : memref<16x128xf32, #tpu.memory_space<vmem>>, vector<1x16xf32>,
        %get3A_1279 = vector.shape_cast %get3A_1278 : vector<1x16xf32> to vector<16xf32>
        %swap3A_1280 = arith.constant 108 : i32
        %swap3A_1281 = arith.index_cast %swap3A_1280 : i32 to index
        %swap3A_1282 = arith.constant 0 : index
        %swap3A_1283 = tpu.vector_load %arg13[%swap3A_1281, %swap3A_1282] {strides = array<i32>} : memref<128x128xf32, #tpu.memory_space<vmem>>, vector<1x16xf32>,
        %swap3A_1284 = vector.shape_cast %swap3A_1283 : vector<1x16xf32> to vector<16xf32>
        %swap3A_1285 = vector.shape_cast %get3A_1279 : vector<16xf32> to vector<1x16xf32>
        tpu.vector_store %arg13[%swap3A_1281, %swap3A_1282], %swap3A_1285 {strides = array<i32>} : memref<128x128xf32, #tpu.memory_space<vmem>>, vector<1x16xf32>,
        %get3A_1286 = arith.constant 13 : i32
        %get3A_1287 = arith.index_cast %get3A_1286 : i32 to index
        %get3A_1288 = arith.constant 80 : index
        %get3A_1289 = tpu.vector_load %arg15[%get3A_1287, %get3A_1288] {strides = array<i32>} : memref<16x128xf32, #tpu.memory_space<vmem>>, vector<1x16xf32>,
        %get3A_1290 = vector.shape_cast %get3A_1289 : vector<1x16xf32> to vector<16xf32>
        %swap3A_1291 = arith.constant 109 : i32
        %swap3A_1292 = arith.index_cast %swap3A_1291 : i32 to index
        %swap3A_1293 = arith.constant 0 : index
        %swap3A_1294 = tpu.vector_load %arg13[%swap3A_1292, %swap3A_1293] {strides = array<i32>} : memref<128x128xf32, #tpu.memory_space<vmem>>, vector<1x16xf32>,
        %swap3A_1295 = vector.shape_cast %swap3A_1294 : vector<1x16xf32> to vector<16xf32>
        %swap3A_1296 = vector.shape_cast %get3A_1290 : vector<16xf32> to vector<1x16xf32>
        tpu.vector_store %arg13[%swap3A_1292, %swap3A_1293], %swap3A_1296 {strides = array<i32>} : memref<128x128xf32, #tpu.memory_space<vmem>>, vector<1x16xf32>,
        %get3A_1297 = arith.constant 13 : i32
        %get3A_1298 = arith.index_cast %get3A_1297 : i32 to index
        %get3A_1299 = arith.constant 96 : index
        %get3A_1300 = tpu.vector_load %arg15[%get3A_1298, %get3A_1299] {strides = array<i32>} : memref<16x128xf32, #tpu.memory_space<vmem>>, vector<1x16xf32>,
        %get3A_1301 = vector.shape_cast %get3A_1300 : vector<1x16xf32> to vector<16xf32>
        %swap3A_1302 = arith.constant 110 : i32
        %swap3A_1303 = arith.index_cast %swap3A_1302 : i32 to index
        %swap3A_1304 = arith.constant 0 : index
        %swap3A_1305 = tpu.vector_load %arg13[%swap3A_1303, %swap3A_1304] {strides = array<i32>} : memref<128x128xf32, #tpu.memory_space<vmem>>, vector<1x16xf32>,
        %swap3A_1306 = vector.shape_cast %swap3A_1305 : vector<1x16xf32> to vector<16xf32>
        %swap3A_1307 = vector.shape_cast %get3A_1301 : vector<16xf32> to vector<1x16xf32>
        tpu.vector_store %arg13[%swap3A_1303, %swap3A_1304], %swap3A_1307 {strides = array<i32>} : memref<128x128xf32, #tpu.memory_space<vmem>>, vector<1x16xf32>,
        %get3A_1308 = arith.constant 13 : i32
        %get3A_1309 = arith.index_cast %get3A_1308 : i32 to index
        %get3A_1310 = arith.constant 112 : index
        %get3A_1311 = tpu.vector_load %arg15[%get3A_1309, %get3A_1310] {strides = array<i32>} : memref<16x128xf32, #tpu.memory_space<vmem>>, vector<1x16xf32>,
        %get3A_1312 = vector.shape_cast %get3A_1311 : vector<1x16xf32> to vector<16xf32>
        %swap3A_1313 = arith.constant 111 : i32
        %swap3A_1314 = arith.index_cast %swap3A_1313 : i32 to index
        %swap3A_1315 = arith.constant 0 : index
        %swap3A_1316 = tpu.vector_load %arg13[%swap3A_1314, %swap3A_1315] {strides = array<i32>} : memref<128x128xf32, #tpu.memory_space<vmem>>, vector<1x16xf32>,
        %swap3A_1317 = vector.shape_cast %swap3A_1316 : vector<1x16xf32> to vector<16xf32>
        %swap3A_1318 = vector.shape_cast %get3A_1312 : vector<16xf32> to vector<1x16xf32>
        tpu.vector_store %arg13[%swap3A_1314, %swap3A_1315], %swap3A_1318 {strides = array<i32>} : memref<128x128xf32, #tpu.memory_space<vmem>>, vector<1x16xf32>,
        %get3A_1319 = arith.constant 14 : i32
        %get3A_1320 = arith.index_cast %get3A_1319 : i32 to index
        %get3A_1321 = arith.constant 0 : index
        %get3A_1322 = tpu.vector_load %arg15[%get3A_1320, %get3A_1321] {strides = array<i32>} : memref<16x128xf32, #tpu.memory_space<vmem>>, vector<1x16xf32>,
        %get3A_1323 = vector.shape_cast %get3A_1322 : vector<1x16xf32> to vector<16xf32>
        %swap3A_1324 = arith.constant 112 : i32
        %swap3A_1325 = arith.index_cast %swap3A_1324 : i32 to index
        %swap3A_1326 = arith.constant 0 : index
        %swap3A_1327 = tpu.vector_load %arg13[%swap3A_1325, %swap3A_1326] {strides = array<i32>} : memref<128x128xf32, #tpu.memory_space<vmem>>, vector<1x16xf32>,
        %swap3A_1328 = vector.shape_cast %swap3A_1327 : vector<1x16xf32> to vector<16xf32>
        %swap3A_1329 = vector.shape_cast %get3A_1323 : vector<16xf32> to vector<1x16xf32>
        tpu.vector_store %arg13[%swap3A_1325, %swap3A_1326], %swap3A_1329 {strides = array<i32>} : memref<128x128xf32, #tpu.memory_space<vmem>>, vector<1x16xf32>,
        %get3A_1330 = arith.constant 14 : i32
        %get3A_1331 = arith.index_cast %get3A_1330 : i32 to index
        %get3A_1332 = arith.constant 16 : index
        %get3A_1333 = tpu.vector_load %arg15[%get3A_1331, %get3A_1332] {strides = array<i32>} : memref<16x128xf32, #tpu.memory_space<vmem>>, vector<1x16xf32>,
        %get3A_1334 = vector.shape_cast %get3A_1333 : vector<1x16xf32> to vector<16xf32>
        %swap3A_1335 = arith.constant 113 : i32
        %swap3A_1336 = arith.index_cast %swap3A_1335 : i32 to index
        %swap3A_1337 = arith.constant 0 : index
        %swap3A_1338 = tpu.vector_load %arg13[%swap3A_1336, %swap3A_1337] {strides = array<i32>} : memref<128x128xf32, #tpu.memory_space<vmem>>, vector<1x16xf32>,
        %swap3A_1339 = vector.shape_cast %swap3A_1338 : vector<1x16xf32> to vector<16xf32>
        %swap3A_1340 = vector.shape_cast %get3A_1334 : vector<16xf32> to vector<1x16xf32>
        tpu.vector_store %arg13[%swap3A_1336, %swap3A_1337], %swap3A_1340 {strides = array<i32>} : memref<128x128xf32, #tpu.memory_space<vmem>>, vector<1x16xf32>,
        %get3A_1341 = arith.constant 14 : i32
        %get3A_1342 = arith.index_cast %get3A_1341 : i32 to index
        %get3A_1343 = arith.constant 32 : index
        %get3A_1344 = tpu.vector_load %arg15[%get3A_1342, %get3A_1343] {strides = array<i32>} : memref<16x128xf32, #tpu.memory_space<vmem>>, vector<1x16xf32>,
        %get3A_1345 = vector.shape_cast %get3A_1344 : vector<1x16xf32> to vector<16xf32>
        %swap3A_1346 = arith.constant 114 : i32
        %swap3A_1347 = arith.index_cast %swap3A_1346 : i32 to index
        %swap3A_1348 = arith.constant 0 : index
        %swap3A_1349 = tpu.vector_load %arg13[%swap3A_1347, %swap3A_1348] {strides = array<i32>} : memref<128x128xf32, #tpu.memory_space<vmem>>, vector<1x16xf32>,
        %swap3A_1350 = vector.shape_cast %swap3A_1349 : vector<1x16xf32> to vector<16xf32>
        %swap3A_1351 = vector.shape_cast %get3A_1345 : vector<16xf32> to vector<1x16xf32>
        tpu.vector_store %arg13[%swap3A_1347, %swap3A_1348], %swap3A_1351 {strides = array<i32>} : memref<128x128xf32, #tpu.memory_space<vmem>>, vector<1x16xf32>,
        %get3A_1352 = arith.constant 14 : i32
        %get3A_1353 = arith.index_cast %get3A_1352 : i32 to index
        %get3A_1354 = arith.constant 48 : index
        %get3A_1355 = tpu.vector_load %arg15[%get3A_1353, %get3A_1354] {strides = array<i32>} : memref<16x128xf32, #tpu.memory_space<vmem>>, vector<1x16xf32>,
        %get3A_1356 = vector.shape_cast %get3A_1355 : vector<1x16xf32> to vector<16xf32>
        %swap3A_1357 = arith.constant 115 : i32
        %swap3A_1358 = arith.index_cast %swap3A_1357 : i32 to index
        %swap3A_1359 = arith.constant 0 : index
        %swap3A_1360 = tpu.vector_load %arg13[%swap3A_1358, %swap3A_1359] {strides = array<i32>} : memref<128x128xf32, #tpu.memory_space<vmem>>, vector<1x16xf32>,
        %swap3A_1361 = vector.shape_cast %swap3A_1360 : vector<1x16xf32> to vector<16xf32>
        %swap3A_1362 = vector.shape_cast %get3A_1356 : vector<16xf32> to vector<1x16xf32>
        tpu.vector_store %arg13[%swap3A_1358, %swap3A_1359], %swap3A_1362 {strides = array<i32>} : memref<128x128xf32, #tpu.memory_space<vmem>>, vector<1x16xf32>,
        %get3A_1363 = arith.constant 14 : i32
        %get3A_1364 = arith.index_cast %get3A_1363 : i32 to index
        %get3A_1365 = arith.constant 64 : index
        %get3A_1366 = tpu.vector_load %arg15[%get3A_1364, %get3A_1365] {strides = array<i32>} : memref<16x128xf32, #tpu.memory_space<vmem>>, vector<1x16xf32>,
        %get3A_1367 = vector.shape_cast %get3A_1366 : vector<1x16xf32> to vector<16xf32>
        %swap3A_1368 = arith.constant 116 : i32
        %swap3A_1369 = arith.index_cast %swap3A_1368 : i32 to index
        %swap3A_1370 = arith.constant 0 : index
        %swap3A_1371 = tpu.vector_load %arg13[%swap3A_1369, %swap3A_1370] {strides = array<i32>} : memref<128x128xf32, #tpu.memory_space<vmem>>, vector<1x16xf32>,
        %swap3A_1372 = vector.shape_cast %swap3A_1371 : vector<1x16xf32> to vector<16xf32>
        %swap3A_1373 = vector.shape_cast %get3A_1367 : vector<16xf32> to vector<1x16xf32>
        tpu.vector_store %arg13[%swap3A_1369, %swap3A_1370], %swap3A_1373 {strides = array<i32>} : memref<128x128xf32, #tpu.memory_space<vmem>>, vector<1x16xf32>,
        %get3A_1374 = arith.constant 14 : i32
        %get3A_1375 = arith.index_cast %get3A_1374 : i32 to index
        %get3A_1376 = arith.constant 80 : index
        %get3A_1377 = tpu.vector_load %arg15[%get3A_1375, %get3A_1376] {strides = array<i32>} : memref<16x128xf32, #tpu.memory_space<vmem>>, vector<1x16xf32>,
        %get3A_1378 = vector.shape_cast %get3A_1377 : vector<1x16xf32> to vector<16xf32>
        %swap3A_1379 = arith.constant 117 : i32
        %swap3A_1380 = arith.index_cast %swap3A_1379 : i32 to index
        %swap3A_1381 = arith.constant 0 : index
        %swap3A_1382 = tpu.vector_load %arg13[%swap3A_1380, %swap3A_1381] {strides = array<i32>} : memref<128x128xf32, #tpu.memory_space<vmem>>, vector<1x16xf32>,
        %swap3A_1383 = vector.shape_cast %swap3A_1382 : vector<1x16xf32> to vector<16xf32>
        %swap3A_1384 = vector.shape_cast %get3A_1378 : vector<16xf32> to vector<1x16xf32>
        tpu.vector_store %arg13[%swap3A_1380, %swap3A_1381], %swap3A_1384 {strides = array<i32>} : memref<128x128xf32, #tpu.memory_space<vmem>>, vector<1x16xf32>,
        %get3A_1385 = arith.constant 14 : i32
        %get3A_1386 = arith.index_cast %get3A_1385 : i32 to index
        %get3A_1387 = arith.constant 96 : index
        %get3A_1388 = tpu.vector_load %arg15[%get3A_1386, %get3A_1387] {strides = array<i32>} : memref<16x128xf32, #tpu.memory_space<vmem>>, vector<1x16xf32>,
        %get3A_1389 = vector.shape_cast %get3A_1388 : vector<1x16xf32> to vector<16xf32>
        %swap3A_1390 = arith.constant 118 : i32
        %swap3A_1391 = arith.index_cast %swap3A_1390 : i32 to index
        %swap3A_1392 = arith.constant 0 : index
        %swap3A_1393 = tpu.vector_load %arg13[%swap3A_1391, %swap3A_1392] {strides = array<i32>} : memref<128x128xf32, #tpu.memory_space<vmem>>, vector<1x16xf32>,
        %swap3A_1394 = vector.shape_cast %swap3A_1393 : vector<1x16xf32> to vector<16xf32>
        %swap3A_1395 = vector.shape_cast %get3A_1389 : vector<16xf32> to vector<1x16xf32>
        tpu.vector_store %arg13[%swap3A_1391, %swap3A_1392], %swap3A_1395 {strides = array<i32>} : memref<128x128xf32, #tpu.memory_space<vmem>>, vector<1x16xf32>,
        %get3A_1396 = arith.constant 14 : i32
        %get3A_1397 = arith.index_cast %get3A_1396 : i32 to index
        %get3A_1398 = arith.constant 112 : index
        %get3A_1399 = tpu.vector_load %arg15[%get3A_1397, %get3A_1398] {strides = array<i32>} : memref<16x128xf32, #tpu.memory_space<vmem>>, vector<1x16xf32>,
        %get3A_1400 = vector.shape_cast %get3A_1399 : vector<1x16xf32> to vector<16xf32>
        %swap3A_1401 = arith.constant 119 : i32
        %swap3A_1402 = arith.index_cast %swap3A_1401 : i32 to index
        %swap3A_1403 = arith.constant 0 : index
        %swap3A_1404 = tpu.vector_load %arg13[%swap3A_1402, %swap3A_1403] {strides = array<i32>} : memref<128x128xf32, #tpu.memory_space<vmem>>, vector<1x16xf32>,
        %swap3A_1405 = vector.shape_cast %swap3A_1404 : vector<1x16xf32> to vector<16xf32>
        %swap3A_1406 = vector.shape_cast %get3A_1400 : vector<16xf32> to vector<1x16xf32>
        tpu.vector_store %arg13[%swap3A_1402, %swap3A_1403], %swap3A_1406 {strides = array<i32>} : memref<128x128xf32, #tpu.memory_space<vmem>>, vector<1x16xf32>,
        %get3A_1407 = arith.constant 15 : i32
        %get3A_1408 = arith.index_cast %get3A_1407 : i32 to index
        %get3A_1409 = arith.constant 0 : index
        %get3A_1410 = tpu.vector_load %arg15[%get3A_1408, %get3A_1409] {strides = array<i32>} : memref<16x128xf32, #tpu.memory_space<vmem>>, vector<1x16xf32>,
        %get3A_1411 = vector.shape_cast %get3A_1410 : vector<1x16xf32> to vector<16xf32>
        %swap3A_1412 = arith.constant 120 : i32
        %swap3A_1413 = arith.index_cast %swap3A_1412 : i32 to index
        %swap3A_1414 = arith.constant 0 : index
        %swap3A_1415 = tpu.vector_load %arg13[%swap3A_1413, %swap3A_1414] {strides = array<i32>} : memref<128x128xf32, #tpu.memory_space<vmem>>, vector<1x16xf32>,
        %swap3A_1416 = vector.shape_cast %swap3A_1415 : vector<1x16xf32> to vector<16xf32>
        %swap3A_1417 = vector.shape_cast %get3A_1411 : vector<16xf32> to vector<1x16xf32>
        tpu.vector_store %arg13[%swap3A_1413, %swap3A_1414], %swap3A_1417 {strides = array<i32>} : memref<128x128xf32, #tpu.memory_space<vmem>>, vector<1x16xf32>,
        %get3A_1418 = arith.constant 15 : i32
        %get3A_1419 = arith.index_cast %get3A_1418 : i32 to index
        %get3A_1420 = arith.constant 16 : index
        %get3A_1421 = tpu.vector_load %arg15[%get3A_1419, %get3A_1420] {strides = array<i32>} : memref<16x128xf32, #tpu.memory_space<vmem>>, vector<1x16xf32>,
        %get3A_1422 = vector.shape_cast %get3A_1421 : vector<1x16xf32> to vector<16xf32>
        %swap3A_1423 = arith.constant 121 : i32
        %swap3A_1424 = arith.index_cast %swap3A_1423 : i32 to index
        %swap3A_1425 = arith.constant 0 : index
        %swap3A_1426 = tpu.vector_load %arg13[%swap3A_1424, %swap3A_1425] {strides = array<i32>} : memref<128x128xf32, #tpu.memory_space<vmem>>, vector<1x16xf32>,
        %swap3A_1427 = vector.shape_cast %swap3A_1426 : vector<1x16xf32> to vector<16xf32>
        %swap3A_1428 = vector.shape_cast %get3A_1422 : vector<16xf32> to vector<1x16xf32>
        tpu.vector_store %arg13[%swap3A_1424, %swap3A_1425], %swap3A_1428 {strides = array<i32>} : memref<128x128xf32, #tpu.memory_space<vmem>>, vector<1x16xf32>,
        %get3A_1429 = arith.constant 15 : i32
        %get3A_1430 = arith.index_cast %get3A_1429 : i32 to index
        %get3A_1431 = arith.constant 32 : index
        %get3A_1432 = tpu.vector_load %arg15[%get3A_1430, %get3A_1431] {strides = array<i32>} : memref<16x128xf32, #tpu.memory_space<vmem>>, vector<1x16xf32>,
        %get3A_1433 = vector.shape_cast %get3A_1432 : vector<1x16xf32> to vector<16xf32>
        %swap3A_1434 = arith.constant 122 : i32
        %swap3A_1435 = arith.index_cast %swap3A_1434 : i32 to index
        %swap3A_1436 = arith.constant 0 : index
        %swap3A_1437 = tpu.vector_load %arg13[%swap3A_1435, %swap3A_1436] {strides = array<i32>} : memref<128x128xf32, #tpu.memory_space<vmem>>, vector<1x16xf32>,
        %swap3A_1438 = vector.shape_cast %swap3A_1437 : vector<1x16xf32> to vector<16xf32>
        %swap3A_1439 = vector.shape_cast %get3A_1433 : vector<16xf32> to vector<1x16xf32>
        tpu.vector_store %arg13[%swap3A_1435, %swap3A_1436], %swap3A_1439 {strides = array<i32>} : memref<128x128xf32, #tpu.memory_space<vmem>>, vector<1x16xf32>,
        %get3A_1440 = arith.constant 15 : i32
        %get3A_1441 = arith.index_cast %get3A_1440 : i32 to index
        %get3A_1442 = arith.constant 48 : index
        %get3A_1443 = tpu.vector_load %arg15[%get3A_1441, %get3A_1442] {strides = array<i32>} : memref<16x128xf32, #tpu.memory_space<vmem>>, vector<1x16xf32>,
        %get3A_1444 = vector.shape_cast %get3A_1443 : vector<1x16xf32> to vector<16xf32>
        %swap3A_1445 = arith.constant 123 : i32
        %swap3A_1446 = arith.index_cast %swap3A_1445 : i32 to index
        %swap3A_1447 = arith.constant 0 : index
        %swap3A_1448 = tpu.vector_load %arg13[%swap3A_1446, %swap3A_1447] {strides = array<i32>} : memref<128x128xf32, #tpu.memory_space<vmem>>, vector<1x16xf32>,
        %swap3A_1449 = vector.shape_cast %swap3A_1448 : vector<1x16xf32> to vector<16xf32>
        %swap3A_1450 = vector.shape_cast %get3A_1444 : vector<16xf32> to vector<1x16xf32>
        tpu.vector_store %arg13[%swap3A_1446, %swap3A_1447], %swap3A_1450 {strides = array<i32>} : memref<128x128xf32, #tpu.memory_space<vmem>>, vector<1x16xf32>,
        %get3A_1451 = arith.constant 15 : i32
        %get3A_1452 = arith.index_cast %get3A_1451 : i32 to index
        %get3A_1453 = arith.constant 64 : index
        %get3A_1454 = tpu.vector_load %arg15[%get3A_1452, %get3A_1453] {strides = array<i32>} : memref<16x128xf32, #tpu.memory_space<vmem>>, vector<1x16xf32>,
        %get3A_1455 = vector.shape_cast %get3A_1454 : vector<1x16xf32> to vector<16xf32>
        %swap3A_1456 = arith.constant 124 : i32
        %swap3A_1457 = arith.index_cast %swap3A_1456 : i32 to index
        %swap3A_1458 = arith.constant 0 : index
        %swap3A_1459 = tpu.vector_load %arg13[%swap3A_1457, %swap3A_1458] {strides = array<i32>} : memref<128x128xf32, #tpu.memory_space<vmem>>, vector<1x16xf32>,
        %swap3A_1460 = vector.shape_cast %swap3A_1459 : vector<1x16xf32> to vector<16xf32>
        %swap3A_1461 = vector.shape_cast %get3A_1455 : vector<16xf32> to vector<1x16xf32>
        tpu.vector_store %arg13[%swap3A_1457, %swap3A_1458], %swap3A_1461 {strides = array<i32>} : memref<128x128xf32, #tpu.memory_space<vmem>>, vector<1x16xf32>,
        %get3A_1462 = arith.constant 15 : i32
        %get3A_1463 = arith.index_cast %get3A_1462 : i32 to index
        %get3A_1464 = arith.constant 80 : index
        %get3A_1465 = tpu.vector_load %arg15[%get3A_1463, %get3A_1464] {strides = array<i32>} : memref<16x128xf32, #tpu.memory_space<vmem>>, vector<1x16xf32>,
        %get3A_1466 = vector.shape_cast %get3A_1465 : vector<1x16xf32> to vector<16xf32>
        %swap3A_1467 = arith.constant 125 : i32
        %swap3A_1468 = arith.index_cast %swap3A_1467 : i32 to index
        %swap3A_1469 = arith.constant 0 : index
        %swap3A_1470 = tpu.vector_load %arg13[%swap3A_1468, %swap3A_1469] {strides = array<i32>} : memref<128x128xf32, #tpu.memory_space<vmem>>, vector<1x16xf32>,
        %swap3A_1471 = vector.shape_cast %swap3A_1470 : vector<1x16xf32> to vector<16xf32>
        %swap3A_1472 = vector.shape_cast %get3A_1466 : vector<16xf32> to vector<1x16xf32>
        tpu.vector_store %arg13[%swap3A_1468, %swap3A_1469], %swap3A_1472 {strides = array<i32>} : memref<128x128xf32, #tpu.memory_space<vmem>>, vector<1x16xf32>,
        %get3A_1473 = arith.constant 15 : i32
        %get3A_1474 = arith.index_cast %get3A_1473 : i32 to index
        %get3A_1475 = arith.constant 96 : index
        %get3A_1476 = tpu.vector_load %arg15[%get3A_1474, %get3A_1475] {strides = array<i32>} : memref<16x128xf32, #tpu.memory_space<vmem>>, vector<1x16xf32>,
        %get3A_1477 = vector.shape_cast %get3A_1476 : vector<1x16xf32> to vector<16xf32>
        %swap3A_1478 = arith.constant 126 : i32
        %swap3A_1479 = arith.index_cast %swap3A_1478 : i32 to index
        %swap3A_1480 = arith.constant 0 : index
        %swap3A_1481 = tpu.vector_load %arg13[%swap3A_1479, %swap3A_1480] {strides = array<i32>} : memref<128x128xf32, #tpu.memory_space<vmem>>, vector<1x16xf32>,
        %swap3A_1482 = vector.shape_cast %swap3A_1481 : vector<1x16xf32> to vector<16xf32>
        %swap3A_1483 = vector.shape_cast %get3A_1477 : vector<16xf32> to vector<1x16xf32>
        tpu.vector_store %arg13[%swap3A_1479, %swap3A_1480], %swap3A_1483 {strides = array<i32>} : memref<128x128xf32, #tpu.memory_space<vmem>>, vector<1x16xf32>,
        %get3A_1484 = arith.constant 15 : i32
        %get3A_1485 = arith.index_cast %get3A_1484 : i32 to index
        %get3A_1486 = arith.constant 112 : index
        %get3A_1487 = tpu.vector_load %arg15[%get3A_1485, %get3A_1486] {strides = array<i32>} : memref<16x128xf32, #tpu.memory_space<vmem>>, vector<1x16xf32>,
        %get3A_1488 = vector.shape_cast %get3A_1487 : vector<1x16xf32> to vector<16xf32>
        %swap3A_1489 = arith.constant 127 : i32
        %swap3A_1490 = arith.index_cast %swap3A_1489 : i32 to index
        %swap3A_1491 = arith.constant 0 : index
        %swap3A_1492 = tpu.vector_load %arg13[%swap3A_1490, %swap3A_1491] {strides = array<i32>} : memref<128x128xf32, #tpu.memory_space<vmem>>, vector<1x16xf32>,
        %swap3A_1493 = vector.shape_cast %swap3A_1492 : vector<1x16xf32> to vector<16xf32>
        %swap3A_1494 = vector.shape_cast %get3A_1488 : vector<16xf32> to vector<1x16xf32>
        tpu.vector_store %arg13[%swap3A_1490, %swap3A_1491], %swap3A_1494 {strides = array<i32>} : memref<128x128xf32, #tpu.memory_space<vmem>>, vector<1x16xf32>,
        "tpu.region"() ({
          %run_scoped3A = tpu.sem_alloc : memref<!tpu.dma_semaphore, #tpu.memory_space<semaphore_mem>>
          %dma_start3A = arith.constant 0 : i32
          %dma_start3A_1495 = arith.constant 0 : i32
          %dma_start3A_1496 = tpu.memref_slice %arg8[%dma_start3A, %dma_start3A_1495] : memref<10000x128xf32, #tpu.memory_space<vmem_shared>> -> memref<10000x128xf32, #tpu.memory_space<vmem_shared>>
          tpu.enqueue_indirect_dma source(%arg13 : memref<128x128xf32, #tpu.memory_space<vmem>>) target(%dma_start3A_1496 : memref<10000x128xf32, #tpu.memory_space<vmem_shared>>) offsets(%arg10 : memref<128xi32, #tpu.memory_space<vmem>>) semaphore(%run_scoped3A : memref<!tpu.dma_semaphore, #tpu.memory_space<semaphore_mem>>) {add = true}
          %dma_wait3A = arith.constant 0 : i32
          %dma_wait3A_1497 = arith.constant 0 : i32
          %dma_wait3A_1498 = tpu.memref_slice %arg8[%dma_wait3A, %dma_wait3A_1497] : memref<10000x128xf32, #tpu.memory_space<vmem_shared>> -> memref<10000x128xf32, #tpu.memory_space<vmem_shared>>
          tpu.wait_indirect_dma semaphore(%run_scoped3A : memref<!tpu.dma_semaphore, #tpu.memory_space<semaphore_mem>>) src(%arg13 : memref<128x128xf32, #tpu.memory_space<vmem>>) dst(%dma_wait3A_1498 : memref<10000x128xf32, #tpu.memory_space<vmem_shared>>)
          tpu.yield
        }) : () -> ()
      } else {
      }
    }
    %scan3A_60 = arith.constant 79 : i32
    %barrier3A_61 = arith.constant 0 : index
    tpu.barrier barrier_id(%barrier3A_61)
    %scan3A_62 = arith.constant 0 : i32
    %scan3A_63 = arith.constant 5 : i32
    %scan3A_64 = arith.addi %scan3A_62, %scan3A_63 : i32
    %scan3A_65 = arith.constant 1 : i32
    scf.for %scan3A_72 = %scan3A_62 to %scan3A_64 step %scan3A_65  : i32 {
      %mul3A_73 = arith.constant 1 : i32
      %mul3A_74 = arith.muli %scan3A_72, %mul3A_73 : i32
      %add3A_75 = arith.constant 0 : i32
      %add3A_76 = arith.addi %add3A_75, %mul3A_74 : i32
      %mul3A_77 = arith.constant 16 : i32
      %mul3A_78 = arith.muli %add3A_76, %mul3A_77 : i32
      %add3A_79 = arith.addi %arg1, %mul3A_78 : i32
      %lt3A_80 = arith.constant 78 : i32
      %lt3A_81 = arith.cmpi slt, %add3A_79, %lt3A_80 : i32
      %convert_element_type3A_82 = arith.extui %lt3A_81 : i1 to i32
      %cond3A_83 = arith.constant 0 : i32
      %cond3A_84 = arith.cmpi ne, %convert_element_type3A_82, %cond3A_83 : i32
      scf.if %cond3A_84 {
        %mul3A_85 = arith.constant 128 : i32
        %mul3A_86 = arith.muli %add3A_79, %mul3A_85 : i32
        "tpu.region"() ({
          %run_scoped3A = tpu.sem_alloc : memref<!tpu.dma_semaphore, #tpu.memory_space<semaphore_mem>>
          %dma_start3A = arith.constant 0 : i32
          %dma_start3A_89 = tpu.memref_slice %arg8[%mul3A_86, %dma_start3A] : memref<10000x128xf32, #tpu.memory_space<vmem_shared>> -> memref<128x128xf32, #tpu.memory_space<vmem_shared>>
          %dma_start3A_90 = arith.constant 0 : i32
          %dma_start3A_91 = tpu.memref_slice %arg8[%mul3A_86, %dma_start3A_90] : memref<10000x128xf32, #tpu.memory_space<vmem_shared>> -> memref<128x128xf32, #tpu.memory_space<vmem_shared>>
          tpu.enqueue_dma source(%dma_start3A_91 : memref<128x128xf32, #tpu.memory_space<vmem_shared>>) target(%arg14 : memref<128x128xf32, #tpu.memory_space<vmem>>) target_semaphore(%run_scoped3A : memref<!tpu.dma_semaphore, #tpu.memory_space<semaphore_mem>>)
          %dma_wait3A = arith.constant 0 : i32
          %dma_wait3A_92 = tpu.memref_slice %arg8[%mul3A_86, %dma_wait3A] : memref<10000x128xf32, #tpu.memory_space<vmem_shared>> -> memref<128x128xf32, #tpu.memory_space<vmem_shared>>
          %dma_wait3A_93 = arith.constant 0 : i32
          %dma_wait3A_94 = tpu.memref_slice %arg8[%mul3A_86, %dma_wait3A_93] : memref<10000x128xf32, #tpu.memory_space<vmem_shared>> -> memref<128x128xf32, #tpu.memory_space<vmem_shared>>
          tpu.wait_dma2 semaphore(%run_scoped3A : memref<!tpu.dma_semaphore, #tpu.memory_space<semaphore_mem>>) src(%dma_wait3A_94 : memref<128x128xf32, #tpu.memory_space<vmem_shared>>) dst(%arg14 : memref<128x128xf32, #tpu.memory_space<vmem>>)
          tpu.yield
        }) : () -> ()
        %mul3A_87 = arith.constant 128 : i32
        %mul3A_88 = arith.muli %add3A_79, %mul3A_87 : i32
        "tpu.region"() ({
          %run_scoped3A = tpu.sem_alloc : memref<!tpu.dma_semaphore, #tpu.memory_space<semaphore_mem>>
          %dma_start3A = arith.constant 0 : i32
          %dma_start3A_89 = arith.constant 0 : i32
          %dma_start3A_90 = tpu.memref_slice %arg7[%arg0, %dma_start3A, %dma_start3A_89] : memref<2x10000x128xf32, #tpu.memory_space<hbm>> -> memref<1x10000x128xf32, #tpu.memory_space<hbm>>
          %dma_start3A_91 = tpu.memref_squeeze %dma_start3A_90 : memref<1x10000x128xf32, #tpu.memory_space<hbm>> -> memref<10000x128xf32, #tpu.memory_space<hbm>>
          %dma_start3A_92 = arith.constant 0 : i32
          %dma_start3A_93 = tpu.memref_slice %dma_start3A_91[%mul3A_88, %dma_start3A_92] : memref<10000x128xf32, #tpu.memory_space<hbm>> -> memref<128x128xf32, #tpu.memory_space<hbm>>
          %dma_start3A_94 = arith.constant 0 : i32
          %dma_start3A_95 = arith.constant 0 : i32
          %dma_start3A_96 = tpu.memref_slice %arg7[%arg0, %dma_start3A_94, %dma_start3A_95] : memref<2x10000x128xf32, #tpu.memory_space<hbm>> -> memref<1x10000x128xf32, #tpu.memory_space<hbm>>
          %dma_start3A_97 = tpu.memref_squeeze %dma_start3A_96 : memref<1x10000x128xf32, #tpu.memory_space<hbm>> -> memref<10000x128xf32, #tpu.memory_space<hbm>>
          %dma_start3A_98 = arith.constant 0 : i32
          %dma_start3A_99 = tpu.memref_slice %dma_start3A_97[%mul3A_88, %dma_start3A_98] : memref<10000x128xf32, #tpu.memory_space<hbm>> -> memref<128x128xf32, #tpu.memory_space<hbm>>
          tpu.enqueue_dma source(%arg14 : memref<128x128xf32, #tpu.memory_space<vmem>>) target(%dma_start3A_99 : memref<128x128xf32, #tpu.memory_space<hbm>>) target_semaphore(%run_scoped3A : memref<!tpu.dma_semaphore, #tpu.memory_space<semaphore_mem>>)
          %dma_wait3A = arith.constant 0 : i32
          %dma_wait3A_100 = arith.constant 0 : i32
          %dma_wait3A_101 = tpu.memref_slice %arg7[%arg0, %dma_wait3A, %dma_wait3A_100] : memref<2x10000x128xf32, #tpu.memory_space<hbm>> -> memref<1x10000x128xf32, #tpu.memory_space<hbm>>
          %dma_wait3A_102 = tpu.memref_squeeze %dma_wait3A_101 : memref<1x10000x128xf32, #tpu.memory_space<hbm>> -> memref<10000x128xf32, #tpu.memory_space<hbm>>
          %dma_wait3A_103 = arith.constant 0 : i32
          %dma_wait3A_104 = tpu.memref_slice %dma_wait3A_102[%mul3A_88, %dma_wait3A_103] : memref<10000x128xf32, #tpu.memory_space<hbm>> -> memref<128x128xf32, #tpu.memory_space<hbm>>
          %dma_wait3A_105 = arith.constant 0 : i32
          %dma_wait3A_106 = arith.constant 0 : i32
          %dma_wait3A_107 = tpu.memref_slice %arg7[%arg0, %dma_wait3A_105, %dma_wait3A_106] : memref<2x10000x128xf32, #tpu.memory_space<hbm>> -> memref<1x10000x128xf32, #tpu.memory_space<hbm>>
          %dma_wait3A_108 = tpu.memref_squeeze %dma_wait3A_107 : memref<1x10000x128xf32, #tpu.memory_space<hbm>> -> memref<10000x128xf32, #tpu.memory_space<hbm>>
          %dma_wait3A_109 = arith.constant 0 : i32
          %dma_wait3A_110 = tpu.memref_slice %dma_wait3A_108[%mul3A_88, %dma_wait3A_109] : memref<10000x128xf32, #tpu.memory_space<hbm>> -> memref<128x128xf32, #tpu.memory_space<hbm>>
          tpu.wait_dma2 semaphore(%run_scoped3A : memref<!tpu.dma_semaphore, #tpu.memory_space<semaphore_mem>>) src(%arg14 : memref<128x128xf32, #tpu.memory_space<vmem>>) dst(%dma_wait3A_110 : memref<128x128xf32, #tpu.memory_space<hbm>>)
          tpu.yield
        }) : () -> ()
      } else {
      }
    }
    %scan3A_66 = arith.constant 5 : i32
    %eq3A_67 = arith.constant 0 : i32
    %eq3A_68 = arith.cmpi eq, %arg1, %eq3A_67 : i32
    %convert_element_type3A_69 = arith.extui %eq3A_68 : i1 to i32
    %cond3A_70 = arith.constant 0 : i32
    %cond3A_71 = arith.cmpi ne, %convert_element_type3A_69, %cond3A_70 : i32
    scf.if %cond3A_71 {
      "tpu.region"() ({
        %run_scoped3A = tpu.sem_alloc : memref<!tpu.dma_semaphore, #tpu.memory_space<semaphore_mem>>
        %dma_start3A = arith.constant 0 : i32
        %dma_start3A_72 = arith.constant 0 : i32
        %dma_start3A_73 = tpu.memref_slice %arg14[%dma_start3A, %dma_start3A_72] : memref<128x128xf32, #tpu.memory_space<vmem>> -> memref<16x128xf32, #tpu.memory_space<vmem>>
        %dma_start3A_74 = arith.constant 9984 : i32
        %dma_start3A_75 = arith.constant 0 : i32
        %dma_start3A_76 = tpu.memref_slice %arg8[%dma_start3A_74, %dma_start3A_75] : memref<10000x128xf32, #tpu.memory_space<vmem_shared>> -> memref<16x128xf32, #tpu.memory_space<vmem_shared>>
        %dma_start3A_77 = arith.constant 0 : i32
        %dma_start3A_78 = arith.constant 0 : i32
        %dma_start3A_79 = tpu.memref_slice %arg14[%dma_start3A_77, %dma_start3A_78] : memref<128x128xf32, #tpu.memory_space<vmem>> -> memref<16x128xf32, #tpu.memory_space<vmem>>
        %dma_start3A_80 = arith.constant 9984 : i32
        %dma_start3A_81 = arith.constant 0 : i32
        %dma_start3A_82 = tpu.memref_slice %arg8[%dma_start3A_80, %dma_start3A_81] : memref<10000x128xf32, #tpu.memory_space<vmem_shared>> -> memref<16x128xf32, #tpu.memory_space<vmem_shared>>
        tpu.enqueue_dma source(%dma_start3A_82 : memref<16x128xf32, #tpu.memory_space<vmem_shared>>) target(%dma_start3A_79 : memref<16x128xf32, #tpu.memory_space<vmem>>) target_semaphore(%run_scoped3A : memref<!tpu.dma_semaphore, #tpu.memory_space<semaphore_mem>>)
        %dma_wait3A = arith.constant 0 : i32
        %dma_wait3A_83 = arith.constant 0 : i32
        %dma_wait3A_84 = tpu.memref_slice %arg14[%dma_wait3A, %dma_wait3A_83] : memref<128x128xf32, #tpu.memory_space<vmem>> -> memref<16x128xf32, #tpu.memory_space<vmem>>
        %dma_wait3A_85 = arith.constant 9984 : i32
        %dma_wait3A_86 = arith.constant 0 : i32
        %dma_wait3A_87 = tpu.memref_slice %arg8[%dma_wait3A_85, %dma_wait3A_86] : memref<10000x128xf32, #tpu.memory_space<vmem_shared>> -> memref<16x128xf32, #tpu.memory_space<vmem_shared>>
        %dma_wait3A_88 = arith.constant 0 : i32
        %dma_wait3A_89 = arith.constant 0 : i32
        %dma_wait3A_90 = tpu.memref_slice %arg14[%dma_wait3A_88, %dma_wait3A_89] : memref<128x128xf32, #tpu.memory_space<vmem>> -> memref<16x128xf32, #tpu.memory_space<vmem>>
        %dma_wait3A_91 = arith.constant 9984 : i32
        %dma_wait3A_92 = arith.constant 0 : i32
        %dma_wait3A_93 = tpu.memref_slice %arg8[%dma_wait3A_91, %dma_wait3A_92] : memref<10000x128xf32, #tpu.memory_space<vmem_shared>> -> memref<16x128xf32, #tpu.memory_space<vmem_shared>>
        tpu.wait_dma2 semaphore(%run_scoped3A : memref<!tpu.dma_semaphore, #tpu.memory_space<semaphore_mem>>) src(%dma_wait3A_93 : memref<16x128xf32, #tpu.memory_space<vmem_shared>>) dst(%dma_wait3A_90 : memref<16x128xf32, #tpu.memory_space<vmem>>)
        tpu.yield
      }) : () -> ()
      "tpu.region"() ({
        %run_scoped3A = tpu.sem_alloc : memref<!tpu.dma_semaphore, #tpu.memory_space<semaphore_mem>>
        %dma_start3A = arith.constant 0 : i32
        %dma_start3A_72 = arith.constant 0 : i32
        %dma_start3A_73 = tpu.memref_slice %arg14[%dma_start3A, %dma_start3A_72] : memref<128x128xf32, #tpu.memory_space<vmem>> -> memref<16x128xf32, #tpu.memory_space<vmem>>
        %dma_start3A_74 = arith.constant 0 : i32
        %dma_start3A_75 = arith.constant 0 : i32
        %dma_start3A_76 = tpu.memref_slice %arg7[%arg0, %dma_start3A_74, %dma_start3A_75] : memref<2x10000x128xf32, #tpu.memory_space<hbm>> -> memref<1x10000x128xf32, #tpu.memory_space<hbm>>
        %dma_start3A_77 = tpu.memref_squeeze %dma_start3A_76 : memref<1x10000x128xf32, #tpu.memory_space<hbm>> -> memref<10000x128xf32, #tpu.memory_space<hbm>>
        %dma_start3A_78 = arith.constant 9984 : i32
        %dma_start3A_79 = arith.constant 0 : i32
        %dma_start3A_80 = tpu.memref_slice %dma_start3A_77[%dma_start3A_78, %dma_start3A_79] : memref<10000x128xf32, #tpu.memory_space<hbm>> -> memref<16x128xf32, #tpu.memory_space<hbm>>
        %dma_start3A_81 = arith.constant 0 : i32
        %dma_start3A_82 = arith.constant 0 : i32
        %dma_start3A_83 = tpu.memref_slice %arg7[%arg0, %dma_start3A_81, %dma_start3A_82] : memref<2x10000x128xf32, #tpu.memory_space<hbm>> -> memref<1x10000x128xf32, #tpu.memory_space<hbm>>
        %dma_start3A_84 = tpu.memref_squeeze %dma_start3A_83 : memref<1x10000x128xf32, #tpu.memory_space<hbm>> -> memref<10000x128xf32, #tpu.memory_space<hbm>>
        %dma_start3A_85 = arith.constant 9984 : i32
        %dma_start3A_86 = arith.constant 0 : i32
        %dma_start3A_87 = tpu.memref_slice %dma_start3A_84[%dma_start3A_85, %dma_start3A_86] : memref<10000x128xf32, #tpu.memory_space<hbm>> -> memref<16x128xf32, #tpu.memory_space<hbm>>
        %dma_start3A_88 = arith.constant 0 : i32
        %dma_start3A_89 = arith.constant 0 : i32
        %dma_start3A_90 = tpu.memref_slice %arg14[%dma_start3A_88, %dma_start3A_89] : memref<128x128xf32, #tpu.memory_space<vmem>> -> memref<16x128xf32, #tpu.memory_space<vmem>>
        tpu.enqueue_dma source(%dma_start3A_90 : memref<16x128xf32, #tpu.memory_space<vmem>>) target(%dma_start3A_87 : memref<16x128xf32, #tpu.memory_space<hbm>>) target_semaphore(%run_scoped3A : memref<!tpu.dma_semaphore, #tpu.memory_space<semaphore_mem>>)
        %dma_wait3A = arith.constant 0 : i32
        %dma_wait3A_91 = arith.constant 0 : i32
        %dma_wait3A_92 = tpu.memref_slice %arg14[%dma_wait3A, %dma_wait3A_91] : memref<128x128xf32, #tpu.memory_space<vmem>> -> memref<16x128xf32, #tpu.memory_space<vmem>>
        %dma_wait3A_93 = arith.constant 0 : i32
        %dma_wait3A_94 = arith.constant 0 : i32
        %dma_wait3A_95 = tpu.memref_slice %arg7[%arg0, %dma_wait3A_93, %dma_wait3A_94] : memref<2x10000x128xf32, #tpu.memory_space<hbm>> -> memref<1x10000x128xf32, #tpu.memory_space<hbm>>
        %dma_wait3A_96 = tpu.memref_squeeze %dma_wait3A_95 : memref<1x10000x128xf32, #tpu.memory_space<hbm>> -> memref<10000x128xf32, #tpu.memory_space<hbm>>
        %dma_wait3A_97 = arith.constant 9984 : i32
        %dma_wait3A_98 = arith.constant 0 : i32
        %dma_wait3A_99 = tpu.memref_slice %dma_wait3A_96[%dma_wait3A_97, %dma_wait3A_98] : memref<10000x128xf32, #tpu.memory_space<hbm>> -> memref<16x128xf32, #tpu.memory_space<hbm>>
        %dma_wait3A_100 = arith.constant 0 : i32
        %dma_wait3A_101 = arith.constant 0 : i32
        %dma_wait3A_102 = tpu.memref_slice %arg7[%arg0, %dma_wait3A_100, %dma_wait3A_101] : memref<2x10000x128xf32, #tpu.memory_space<hbm>> -> memref<1x10000x128xf32, #tpu.memory_space<hbm>>
        %dma_wait3A_103 = tpu.memref_squeeze %dma_wait3A_102 : memref<1x10000x128xf32, #tpu.memory_space<hbm>> -> memref<10000x128xf32, #tpu.memory_space<hbm>>
        %dma_wait3A_104 = arith.constant 9984 : i32
        %dma_wait3A_105 = arith.constant 0 : i32
        %dma_wait3A_106 = tpu.memref_slice %dma_wait3A_103[%dma_wait3A_104, %dma_wait3A_105] : memref<10000x128xf32, #tpu.memory_space<hbm>> -> memref<16x128xf32, #tpu.memory_space<hbm>>
        %dma_wait3A_107 = arith.constant 0 : i32
        %dma_wait3A_108 = arith.constant 0 : i32
        %dma_wait3A_109 = tpu.memref_slice %arg14[%dma_wait3A_107, %dma_wait3A_108] : memref<128x128xf32, #tpu.memory_space<vmem>> -> memref<16x128xf32, #tpu.memory_space<vmem>>
        tpu.wait_dma2 semaphore(%run_scoped3A : memref<!tpu.dma_semaphore, #tpu.memory_space<semaphore_mem>>) src(%dma_wait3A_109 : memref<16x128xf32, #tpu.memory_space<vmem>>) dst(%dma_wait3A_106 : memref<16x128xf32, #tpu.memory_space<hbm>>)
        tpu.yield
      }) : () -> ()
    } else {
    }
    return
  }
}

module attributes {stable_mosaic.version = 14 : i64} {
  func.func @body(%arg0: i32, %arg1: memref<2x2000x128xf32, #tpu.memory_space<vmem>>, %arg2: memref<2x2000x128xf32, #tpu.memory_space<vmem>>, %arg3: memref<2000x128xf32, #tpu.memory_space<vmem>>, %arg4: memref<16x128xf32, #tpu.memory_space<vmem>>, %arg5: memref<1x128xf32, #tpu.memory_space<vmem>>, %arg6: memref<128x128xf32, #tpu.memory_space<vmem>>, %arg7: memref<1x128xf32, #tpu.memory_space<vmem>>, %arg8: memref<128x128xf32, #tpu.memory_space<vmem>>, %arg9: memref<1x128xf32, #tpu.memory_space<vmem>>, %arg10: memref<2000x128xf32, #tpu.memory_space<vmem>>) attributes {dimension_semantics = [#tpu.dimension_semantics<arbitrary>], iteration_bounds = array<i64: 5>, scalar_prefetch = 0 : i64, scratch_operands = 0 : i64, tpu.core_type = #tpu.core_type<tc>, window_params = [{transform_indices = @transform_0, window_bounds = array<i64: 2, 2000, 128>}, {transform_indices = @transform_1, window_bounds = array<i64: 2, 2000, 128>}, {transform_indices = @transform_2, window_bounds = array<i64: 2000, 128>}, {pipeline_mode = #tpu.pipeline_mode<synchronous>, transform_indices = @transform_3, window_bounds = array<i64: 16, 128>}, {pipeline_mode = #tpu.pipeline_mode<synchronous>, transform_indices = @transform_4, window_bounds = array<i64: 1, 128>}, {pipeline_mode = #tpu.pipeline_mode<synchronous>, transform_indices = @transform_5, window_bounds = array<i64: 128, 128>}, {pipeline_mode = #tpu.pipeline_mode<synchronous>, transform_indices = @transform_6, window_bounds = array<i64: 1, 128>}, {pipeline_mode = #tpu.pipeline_mode<synchronous>, transform_indices = @transform_7, window_bounds = array<i64: 128, 128>}, {pipeline_mode = #tpu.pipeline_mode<synchronous>, transform_indices = @transform_8, window_bounds = array<i64: 1, 128>}, {transform_indices = @transform_9, window_bounds = array<i64: 2000, 128>}]} {
    %get3A = arith.constant 0 : index
    %get3A_0 = arith.constant 0 : index
    %get3A_1 = arith.constant 0 : index
    %get3A_2 = vector.load %arg1[%get3A, %get3A_0, %get3A_1] : memref<2x2000x128xf32, #tpu.memory_space<vmem>>, vector<1x2000x128xf32>
    %get3A_3 = vector.shape_cast %get3A_2 : vector<1x2000x128xf32> to vector<2000x128xf32>
    %get3A_4 = arith.constant 1 : index
    %get3A_5 = arith.constant 0 : index
    %get3A_6 = arith.constant 0 : index
    %get3A_7 = vector.load %arg1[%get3A_4, %get3A_5, %get3A_6] : memref<2x2000x128xf32, #tpu.memory_space<vmem>>, vector<1x2000x128xf32>
    %get3A_8 = vector.shape_cast %get3A_7 : vector<1x2000x128xf32> to vector<2000x128xf32>
    %add3A = arith.addf %get3A_3, %get3A_8 : vector<2000x128xf32>
    %get3A_9 = arith.constant 0 : index
    %get3A_10 = arith.constant 0 : index
    %get3A_11 = arith.constant 0 : index
    %get3A_12 = vector.load %arg2[%get3A_9, %get3A_10, %get3A_11] : memref<2x2000x128xf32, #tpu.memory_space<vmem>>, vector<1x2000x128xf32>
    %get3A_13 = vector.shape_cast %get3A_12 : vector<1x2000x128xf32> to vector<2000x128xf32>
    %get3A_14 = arith.constant 1 : index
    %get3A_15 = arith.constant 0 : index
    %get3A_16 = arith.constant 0 : index
    %get3A_17 = vector.load %arg2[%get3A_14, %get3A_15, %get3A_16] : memref<2x2000x128xf32, #tpu.memory_space<vmem>>, vector<1x2000x128xf32>
    %get3A_18 = vector.shape_cast %get3A_17 : vector<1x2000x128xf32> to vector<2000x128xf32>
    %add3A_19 = arith.addf %get3A_13, %get3A_18 : vector<2000x128xf32>
    %slice3A = vector.extract_strided_slice %add3A_19 {offsets = [0, 0], sizes = [2000, 16], strides = [1, 1]} : vector<2000x128xf32> to vector<2000x16xf32>
    %slice3A_20 = vector.extract_strided_slice %add3A_19 {offsets = [0, 16], sizes = [2000, 1], strides = [1, 1]} : vector<2000x128xf32> to vector<2000x1xf32>
    %get3A_21 = arith.constant 0 : index
    %get3A_22 = arith.constant 0 : index
    %get3A_23 = vector.load %arg4[%get3A_21, %get3A_22] : memref<16x128xf32, #tpu.memory_space<vmem>>, vector<16x128xf32>
    %dot_general3A = arith.constant dense<0.000000e+00> : vector<2000x128xf32>
    %dot_general3A_24 = tpu.matmul %slice3A, %get3A_23, %dot_general3A {dimension_numbers = #tpu.dot_dimension_numbers<[1], [0], [0], [1], [0, 0, 1, 1], [], []>, transpose_lhs_hint = false} : vector<2000x16xf32>, vector<16x128xf32>, vector<2000x128xf32> -> vector<2000x128xf32>
    %get3A_25 = arith.constant 0 : index
    %get3A_26 = arith.constant 0 : index
    %get3A_27 = vector.load %arg5[%get3A_25, %get3A_26] : memref<1x128xf32, #tpu.memory_space<vmem>>, vector<1x128xf32>
    %mul3A = vector.broadcast %slice3A_20 : vector<2000x1xf32> to vector<2000x128xf32>
    %mul3A_28 = vector.broadcast %get3A_27 : vector<1x128xf32> to vector<2000x128xf32>
    %mul3A_29 = arith.mulf %mul3A, %mul3A_28 : vector<2000x128xf32>
    %add3A_30 = arith.addf %dot_general3A_24, %mul3A_29 : vector<2000x128xf32>
    %add3A_31 = arith.addf %add3A, %add3A_30 : vector<2000x128xf32>
    %get3A_32 = arith.constant 0 : index
    %get3A_33 = arith.constant 0 : index
    %get3A_34 = vector.load %arg3[%get3A_32, %get3A_33] : memref<2000x128xf32, #tpu.memory_space<vmem>>, vector<2000x128xf32>
    %add3A_35 = arith.addf %add3A_31, %get3A_34 : vector<2000x128xf32>
    %get3A_36 = arith.constant 0 : index
    %get3A_37 = arith.constant 0 : index
    %get3A_38 = vector.load %arg6[%get3A_36, %get3A_37] : memref<128x128xf32, #tpu.memory_space<vmem>>, vector<128x128xf32>
    %dot_general3A_39 = arith.constant dense<0.000000e+00> : vector<2000x128xf32>
    %dot_general3A_40 = tpu.matmul %add3A_35, %get3A_38, %dot_general3A_39 {dimension_numbers = #tpu.dot_dimension_numbers<[1], [0], [0], [1], [0, 0, 1, 1], [], []>, transpose_lhs_hint = false} : vector<2000x128xf32>, vector<128x128xf32>, vector<2000x128xf32> -> vector<2000x128xf32>
    %get3A_41 = arith.constant 0 : index
    %get3A_42 = arith.constant 0 : index
    %get3A_43 = vector.load %arg7[%get3A_41, %get3A_42] : memref<1x128xf32, #tpu.memory_space<vmem>>, vector<1x128xf32>
    %add3A_44 = vector.broadcast %get3A_43 : vector<1x128xf32> to vector<2000x128xf32>
    %add3A_45 = arith.addf %dot_general3A_40, %add3A_44 : vector<2000x128xf32>
    %max3A = arith.constant 0.000000e+00 : f32
    %max3A_46 = vector.broadcast %max3A : f32 to vector<2000x128xf32>
    %max3A_47 = arith.maximumf %add3A_45, %max3A_46 : vector<2000x128xf32>
    %get3A_48 = arith.constant 0 : index
    %get3A_49 = arith.constant 0 : index
    %get3A_50 = vector.load %arg8[%get3A_48, %get3A_49] : memref<128x128xf32, #tpu.memory_space<vmem>>, vector<128x128xf32>
    %dot_general3A_51 = arith.constant dense<0.000000e+00> : vector<2000x128xf32>
    %dot_general3A_52 = tpu.matmul %max3A_47, %get3A_50, %dot_general3A_51 {dimension_numbers = #tpu.dot_dimension_numbers<[1], [0], [0], [1], [0, 0, 1, 1], [], []>, transpose_lhs_hint = false} : vector<2000x128xf32>, vector<128x128xf32>, vector<2000x128xf32> -> vector<2000x128xf32>
    %get3A_53 = arith.constant 0 : index
    %get3A_54 = arith.constant 0 : index
    %get3A_55 = vector.load %arg9[%get3A_53, %get3A_54] : memref<1x128xf32, #tpu.memory_space<vmem>>, vector<1x128xf32>
    %add3A_56 = vector.broadcast %get3A_55 : vector<1x128xf32> to vector<2000x128xf32>
    %add3A_57 = arith.addf %dot_general3A_52, %add3A_56 : vector<2000x128xf32>
    %swap3A = arith.constant 0 : index
    %swap3A_58 = arith.constant 0 : index
    %swap3A_59 = vector.load %arg10[%swap3A, %swap3A_58] : memref<2000x128xf32, #tpu.memory_space<vmem>>, vector<2000x128xf32>
    tpu.vector_store %arg10[%swap3A, %swap3A_58], %add3A_57 {strides = array<i32>} : memref<2000x128xf32, #tpu.memory_space<vmem>>, vector<2000x128xf32>,
    return
  }
  func.func @transform_0(%arg0: i32) -> (i32, i32, i32) {
    %c0_i32 = arith.constant 0 : i32
    %c0_i32_0 = arith.constant 0 : i32
    %c0_i32_1 = arith.constant 0 : i32
    return %c0_i32, %arg0, %c0_i32_0 : i32, i32, i32
  }
  func.func @transform_1(%arg0: i32) -> (i32, i32, i32) {
    %c0_i32 = arith.constant 0 : i32
    %c0_i32_0 = arith.constant 0 : i32
    %c0_i32_1 = arith.constant 0 : i32
    return %c0_i32, %arg0, %c0_i32_0 : i32, i32, i32
  }
  func.func @transform_2(%arg0: i32) -> (i32, i32) {
    %c0_i32 = arith.constant 0 : i32
    %c0_i32_0 = arith.constant 0 : i32
    return %arg0, %c0_i32 : i32, i32
  }
  func.func @transform_3(%arg0: i32) -> (i32, i32) {
    %c0_i32 = arith.constant 0 : i32
    %c0_i32_0 = arith.constant 0 : i32
    %c0_i32_1 = arith.constant 0 : i32
    return %c0_i32, %c0_i32_0 : i32, i32
  }
  func.func @transform_4(%arg0: i32) -> (i32, i32) {
    %c0_i32 = arith.constant 0 : i32
    %c0_i32_0 = arith.constant 0 : i32
    %c0_i32_1 = arith.constant 0 : i32
    return %c0_i32, %c0_i32_0 : i32, i32
  }
  func.func @transform_5(%arg0: i32) -> (i32, i32) {
    %c0_i32 = arith.constant 0 : i32
    %c0_i32_0 = arith.constant 0 : i32
    %c0_i32_1 = arith.constant 0 : i32
    return %c0_i32, %c0_i32_0 : i32, i32
  }
  func.func @transform_6(%arg0: i32) -> (i32, i32) {
    %c0_i32 = arith.constant 0 : i32
    %c0_i32_0 = arith.constant 0 : i32
    %c0_i32_1 = arith.constant 0 : i32
    return %c0_i32, %c0_i32_0 : i32, i32
  }
  func.func @transform_7(%arg0: i32) -> (i32, i32) {
    %c0_i32 = arith.constant 0 : i32
    %c0_i32_0 = arith.constant 0 : i32
    %c0_i32_1 = arith.constant 0 : i32
    return %c0_i32, %c0_i32_0 : i32, i32
  }
  func.func @transform_8(%arg0: i32) -> (i32, i32) {
    %c0_i32 = arith.constant 0 : i32
    %c0_i32_0 = arith.constant 0 : i32
    %c0_i32_1 = arith.constant 0 : i32
    return %c0_i32, %c0_i32_0 : i32, i32
  }
  func.func @transform_9(%arg0: i32) -> (i32, i32) {
    %c0_i32 = arith.constant 0 : i32
    %c0_i32_0 = arith.constant 0 : i32
    return %arg0, %c0_i32 : i32, i32
  }
}

</mosaic_0001>

<sc_bundles>
// kernel: kernel.4.cloned.1.call-start
scs
__scs_entry_jumppad:
0x0: {  	(pc) =	sbr.rel $0x88, $3  }
0x1: {  	(tag) =	ssettag $0x0;
	lr =	simm.s32 $0x1  }
0x2: {  	[smem:$0x3F98] =	sst lr;
	_ =	strace $0xD0000000  }
0x3: {  	_ = 	snop  }
0x4: {  	_ = 	snop  }
0x5: {  	_ = 	snop  }
0x6: {  	_ = 	snop  }
0x7: {  	_ = 	snop  }
__scs_overlays_trampoline_lowered:
0x8: {  	[smem:$0x3FA7] =	sst s0  }
0x9: {  	[smem:$0x3FA8] =	sst s1  }
0xa: {  	[smem:$0x3FA9] =	sst s2  }
0xb: {  	[smem:$0x3FAA] =	sst s3  }
0xc: {  	[smem:$0x3FAB] =	sst s4  }
0xd: {  	[smem:$0x3FAC] =	sst s5  }
0xe: {  	[smem:$0x3FAD] =	sst s6  }
0xf: {  	[smem:$0x3FAE] =	sst s7  }
0x10: {  	[smem:$0x3FAF] =	sst s8  }
0x11: {  	[smem:$0x3FB0] =	sst s9;
	s0 =	simm.s32 @!p0 $0x0  }
0x12: {  	s1 =	sld [smem:$0x3F96];
	s0 =	simm.s32 @p0 $0x1  }
0x13: {  	[smem:$0x3FB1] =	sst s0;
	s0 =	simm.s32 @!p1 $0x0  }
0x14: {  	s2 =	sld [smem:$0x3F95];
	s0 =	simm.s32 @p1 $0x1  }
0x15: {  	[smem:$0x3FB2] =	sst s0;
	s0 =	simm.s32 @!p2 $0x0  }
0x16: {  	s3 =	sld [smem:$0x3FDB];
	s0 =	simm.s32 @p2 $0x1  }
0x17: {  	s4 =	simm.s32 $0x1BF5;
	[smem:$0x3FB4] =	sst s0  }
0x18: {  	s0 =	sld [smem:$0x3F97];
	_ =	swait.ge [sflag:s4], $0x0  }
0x19: {  	s7 =	sld [smem:$0x3F98]  }
0x1a: {  	s8 =	sadd.s32 $0xFFFFE003, lr  }
0x1b: {  	s9 =	sadd.s32 $0xFFFFFEF7, lr;
	s5 =	simm.s32 $0xFFFFFFFF;
	p2 =	slt.u32 s8, $0xFFFFF086  }
0x1c: {  	p1 =	slt.u32 s9, $0xF7A;
	s5 =	simm.s32 @!p2 $0x0  }
0x1d: {  	s5 =	simm.s32 @p1 $0x1;
	p0 =	seq.s32 s7, s2  }
0x1e: {  	s7 =	smul.u32 @!p0 $0xF7A, s2;
	p2 =	seq.s32 @!p0 s5, $0x0  }
0x1f: {  	s9 =	smul.u32 $0xF7A, s1;
	s8 =	simm.s32 @!p0 $0x1BF5;
	p2 =	por !p2, p0  }
0x20: {  	[sflag:s8] =	ssyncset.s32 @!p0 $0xFFFFF086;
	s6 =	sadd.s32 @!p0 s3, s7;
	s7 =	simm.s32 @!p0 $0x108  }
0x21: {  	s3 =	sadd.s32 s3, s9;
	s6 =	sadd.s32 @!p0 $0x88, s6;
	s7 =	simm.s32 @p2 $0x1082  }
0x22: {  	[simem:s7], [sflag:s8] =	dma.local @!p0 [hbm:s6], $0xF7A  }
0x23: {  	s9 =	sor.u32 $0xD0000000, s2;
	s6 =	simm.s32 $0x108;
	_ =	swait.ge @!p0 [sflag:s8], $0x0  }
0x24: {  	s3 =	sadd.s32 $0x88, s3;
	s6 =	simm.s32 @!p1 $0x1082;
	[sflag:s4] =	ssyncset.s32 $0xFFFFF086  }
0x25: {  	[simem:s6], [sflag:s4] =	dma.local [hbm:s3], $0xF7A  }
0x26: {  	[smem:$0x3F98] =	sst s1;
	(tag) =	ssettag s2;
	_ =	strace s9  }
0x27: {  	s1 =	sld [smem:$0x3FA8]  }
0x28: {  	s2 =	sld [smem:$0x3FA9]  }
0x29: {  	s4 =	sld [smem:$0x3FAB]  }
0x2a: {  	p0 =	seq.s32 s5, $0x0;
	s5 =	sld [smem:$0x3FAC]  }
0x2b: {  	s6 =	sld [smem:$0x3FAD]  }
0x2c: {  	s7 =	sld [smem:$0x3FAE]  }
0x2d: {  	s3 =	simm.s32 $0x108;
	s8 =	sld [smem:$0x3FAF]  }
0x2e: {  	s3 =	simm.s32 @!p0 $0x1082;
	s9 =	sld [smem:$0x3FB0]  }
0x2f: {  	lr =	sadd.s32 s0, s3;
	s0 =	sld [smem:$0x3FA7]  }
0x30: {  	s3 =	sld [smem:$0x3FAA]  }
0x31: {  	[smem:$0x3FB3] =	sst s10  }
0x32: {  	s10 =	sld [smem:$0x3FB1];
	_ =	sdelay $0x3  }
0x33: {  	p0 =	seq.s32 s10, $0x1;
	s10 =	sld [smem:$0x3FB3];
	_ =	sdelay $0x3  }
0x34: {  	[smem:$0x3FB3] =	sst s10  }
0x35: {  	s10 =	sld [smem:$0x3FB2];
	_ =	sdelay $0x3  }
0x36: {  	p1 =	seq.s32 s10, $0x1;
	s10 =	sld [smem:$0x3FB3];
	_ =	sdelay $0x3  }
0x37: {  	[smem:$0x3FB3] =	sst s10  }
0x38: {  	s10 =	sld [smem:$0x3FB4]  }
0x39: {  	_ = 	snop;
	(pc) =	sbr.ind lr, $3  }
0x3a: {  	_ = 	snop  }
0x3b: {  	_ = 	snop  }
0x3c: {  	p2 =	seq.s32 s10, $0x1;
	s10 =	sld [smem:$0x3FB3]  }
0x3d: {  	_ =	shalt  }
0x3e: {  	_ =	shalt  }
0x3f: {  	_ =	shalt  }
0x40: {  	_ =	shalt  }
0x41: {  	_ =	shalt  }
0x42: {  	_ =	shalt  }
0x43: {  	_ =	shalt  }
0x44: {  	_ =	shalt  }
0x45: {  	_ =	shalt  }
0x46: {  	_ =	shalt  }
0x47: {  	_ =	shalt  }
0x48: {  	_ =	shalt  }
0x49: {  	_ =	shalt  }
0x4a: {  	_ =	shalt  }
0x4b: {  	_ =	shalt  }
0x4c: {  	_ =	shalt  }
0x4d: {  	_ =	shalt  }
0x4e: {  	_ =	shalt  }
0x4f: {  	_ =	shalt  }
0x50: {  	_ =	shalt  }
0x51: {  	_ =	shalt  }
0x52: {  	_ =	shalt  }
0x53: {  	_ =	shalt  }
0x54: {  	_ =	shalt  }
0x55: {  	_ =	shalt  }
0x56: {  	_ =	shalt  }
0x57: {  	_ =	shalt  }
0x58: {  	_ =	shalt  }
0x59: {  	_ =	shalt  }
0x5a: {  	_ =	shalt  }
0x5b: {  	_ =	shalt  }
0x5c: {  	_ =	shalt  }
0x5d: {  	_ =	shalt  }
0x5e: {  	_ =	shalt  }
0x5f: {  	_ =	shalt  }
0x60: {  	_ =	shalt  }
0x61: {  	_ =	shalt  }
0x62: {  	_ =	shalt  }
0x63: {  	_ =	shalt  }
0x64: {  	_ =	shalt  }
0x65: {  	_ =	shalt  }
0x66: {  	_ =	shalt  }
0x67: {  	_ =	shalt  }
0x68: {  	_ =	shalt  }
0x69: {  	_ =	shalt  }
0x6a: {  	_ =	shalt  }
0x6b: {  	_ =	shalt  }
0x6c: {  	_ =	shalt  }
0x6d: {  	_ =	shalt  }
0x6e: {  	_ =	shalt  }
0x6f: {  	_ =	shalt  }
0x70: {  	_ =	shalt  }
0x71: {  	_ =	shalt  }
0x72: {  	_ =	shalt  }
0x73: {  	_ =	shalt  }
0x74: {  	_ =	shalt  }
0x75: {  	_ =	shalt  }
0x76: {  	_ =	shalt  }
0x77: {  	_ =	shalt  }
0x78: {  	_ =	shalt  }
0x79: {  	_ =	shalt  }
0x7a: {  	_ =	shalt  }
0x7b: {  	_ =	shalt  }
0x7c: {  	_ =	shalt  }
0x7d: {  	_ =	shalt  }
0x7e: {  	_ =	shalt  }
0x7f: {  	_ =	shalt  }
0x80: {  	_ =	shalt  }
0x81: {  	_ =	shalt  }
0x82: {  	_ =	shalt  }
0x83: {  	_ =	shalt  }
0x84: {  	_ =	shalt  }
0x85: {  	_ =	shalt  }
0x86: {  	_ =	shalt  }
0x87: {  	_ =	shalt  }
.Lfunc_end0:
.L_simem_size_0:
called_computation_lowered:
.L_overlay_start_0:
0x88: {  	s2 =	sld [smem:$0x3FD9]  }
0x89: {  	s3 =	sld [smem:$0x3FFE];
	_ =	sdelay $0x1  }
0x8a: {  	s1 =	srdreg.scid  }
0x8b: {  	s0 =	sand.u32 $0x1, s1  }
0x8c: {  	s17 =	sshll.u32 s0, $0xA;
	s2 =	sadd.s32 s3, s2  }
0x8d: {  	s2 =	sadd.s32 s2, s17  }
0x8e: {  	[smem:$0x3FBF] =	sst s2  }
0x8f: {  	_ = 	snop  }
0x90: {  	s2 =	sld [smem:$0x3FC9]  }
0x91: {  	s18 =	sld [smem:$0x3FD0];
	(tm) =	ssettm $0x1  }
0x92: {  	s4 =	sld [smem:$0x3FFB];
	_ =	sdelay $0x3  }
0x93: {  	_ =	strace s4  }
0x94: {  	s4 =	sld [smem:$0x3FFC];
	_ =	sdelay $0x3  }
0x95: {  	_ =	strace s4  }
0x96: {  	s4 =	sld [smem:$0x3FFD];
	_ =	sdelay $0x3  }
0x97: {  	_ =	strace s4  }
0x98: {  	_ =	strace $0x8FFFFFFF  }
0x99: {  	s19 =	sld [smem:$0x3FDB];
	_ =	sdelay $0x1  }
0x9a: {  	s5 =	simm.s32 $_scs_section_size  }
0x9b: {  	s6 =	simm.s32 $_size__tile_overlayer_lowered;
	s7 =	simm.s32 $_tile_overlayer_lowered  }
0x9c: {  	s22 =	simm.s32 $0x1BFF;
	s21 =	sshll.u32 s7, $0x1;
	s4 =	sadd.s32 s5, s19  }
0x9d: {  	s8 =	simm.s32 $0x0;
	s20 =	sshll.u32 s6, $0x1;
	s6 =	sadd.s32 s21, s4  }
0x9e: {  	[timem:s8], [sflag:s22] =	dma.local [hbm:s6], s20  }
0x9f: {  	_ =	swait.ge [sflag:s22], s20  }
0xa0: {  	s5 =	ssub.s32 $0x0, s20;
	[sflag:s22] =	ssyncset.done $0x0  }
0xa1: {  	[sflag:s22] =	ssyncadd.s32 s5;
	_ =	sdelay $0x1  }
0xa2: {  	s23 =	simm.s32 $0x1B8B  }
0xa3: {  	_ =	swait.ge [sflag:s23], $0x1  }
0xa4: {  	[sflag:s23] =	ssyncset.done $0x0  }
0xa5: {  	s25 =	simm.s32 $0x1B8E;
	s24 =	sld [smem:$0x3FFE];
	[sflag:s23] =	ssyncadd.s32 $0xFFFFFFFF  }
0xa6: {  	s26 =	simm.s32 $execute0_lowered;
	[smem:$0x3FD2] =	sst s25  }
0xa7: {  	s6 =	sshll.u32 s26, $0x1;
	_ =	strace $0x80000046;
	[dreg:$0x1] =	wrdreg $0xFFFFFFFF  }
0xa8: {  	s28 =	simm.s32 $_size_execute0_lowered;
	s4 =	sadd.s32 s4, s6;
	[dreg:$0x0] =	wrdreg $0x0  }
0xa9: {  	s6 =	sshll.u32 s28, $0x1;
	[dreg:$0x2] =	wrdreg s4  }
0xaa: {  	[dreg:$0x3] =	wrdreg s6  }
0xab: {  	[dreg:$0x4] =	wrdreg $0xC0  }
0xac: {  	_ =	task [dreg:s8], $0x5FFFF  }
0xad: {  	[dreg:$0x1] =	wrdreg $0xFFFFFFFF  }
0xae: {  	[dreg:$0x0] =	wrdreg $0x60  }
0xaf: {  	[dreg:$0x2] =	wrdreg s2  }
0xb0: {  	[dreg:$0x3] =	wrdreg s24  }
0xb1: {  	[dreg:$0x4] =	wrdreg s18  }
0xb2: {  	[dreg:$0x5] =	wrdreg $0x0  }
0xb3: {  	[dreg:$0x6] =	wrdreg $0x9  }
0xb4: {  	_ =	task.clear_ibuf [dreg:s8], $0x7FFFF;
	_ =	strace $0x90000046  }
0xb5: {  	s29 =	simm.s32 $0x9;
	_ =	strace $0x80000048  }
0xb6: {  	_ =	swait.ge [sflag:s29], $0x1  }
0xb7: {  	[sflag:s29] =	ssyncadd.s32 $0xFFFFFFFF  }
0xb8: {  	_ =	strace $0x90000048  }
0xb9: {  	_ =	sfence  }
0xba: {  	s30 =	sld [smem:$0x0];
	_ =	sdelay $0x2  }
0xbb: {  	s31 =	sshll.u32 s1, $0xD;
	s1 =	sshrl.u32 s1, $0x2  }
0xbc: {  	s3 =	sand.u32 $0x4000, s31;
	s1 =	sadd.s32 s1, s30  }
0xbd: {  	s0 =	sor.u32 s3, s0;
	s1 =	sshll.u32 s1, $0x11  }
0xbe: {  	s0 =	sor.u32 s1, s0  }
0xbf: {  	s0 =	sadd.s32 $0x8F2B, s0  }
0xc0: {  	[sflag:s0] =	ssyncadd.remote.s32 $0x1  }
0xc1: {  	_ =	sfence.sel $0xFFFF  }
0xc2: {  	[dreg:$0x0] =	wrdreg $0xFFFFFFFF;
	(pc) =	sbr.abs _section_cstart, $3  }
0xc3: {  	[dreg:$0x1] =	wrdreg $0xFFFFFFFF  }
0xc4: {  	_ =	task.clear_ibuf [dreg:s8], $0x2FFFF;
	_ =	strace $0x9FFFFFFF  }
0xc5: {  	(tm) =	ssettm $0x7FFFFFFF  }
tec
execute0_lowered:
.L_overlay_start_1:
0x0: {  	(tag) =	ssettag $0x1  }
0x1: {  	s1 =	rddreg [dreg:$0x0]  }
0x2: {  	s0 =	rddreg [dreg:$0x1]  }
0x3: {  	s3 =	rddreg [dreg:$0x2]  }
0x4: {  	s2 =	rddreg [dreg:$0x3];
	s4 =	simm.s32 $0x0;
	s23 =	stileid.u32  }
0x5: {  	s5 =	srdreg.scid;
	s28 =	simm.s32 $0x13880;
	s29 =	simm.s32 $0x13900  }
0x6: {  	s30 =	simm.s32 $0x80;
	s31 =	simm.s32 $0x13980;
	[smem:$0x7FF] =	sst s4  }
0x7: {  	s7 =	sadd.s32 $0x1600, s0;
	s8 =	sand.u32 $0x1, s5;
	s15 =	sshll.u32 s23, $0x1  }
0x8: {  	s6 =	sshll.u32 s23, $0x9;
	s21 =	sshll.u32 s23, $0xE;
	p2 =	sgt.u32 s23, $0x1  }
0x9: {  	_ =	strace $0x80000047;
	s9 =	smul.u32 $0x27100, s8;
	s5 =	sor.u32 s8, s15  }
0xa: {  	s11 =	sadd.s32 s6, s0;
	s16 =	ssub.s32 $0x2, s8;
	s6 =	sadd.s32 $0x138000, s2  }
0xb: {  	s10 =	sshll.u32 s5, $0x4;
	s17 =	sshrl.u32 s16, $0x1;
	s0 =	sadd.s32 s9, s0  }
0xc: {  	s10 =	sor.u32 $0x9C00, s10;
	s12 =	ssub.s32 s16, s17;
	s16 =	sshll.u32 s23, $0x5  }
0xd: {  	s18 =	sadd.s32 s7, s10;
	s19 =	sadd.s32 s3, s10;
	s9 =	sadd.s32 $0xB400, s0  }
0xe: {  	s10 =	sadd.s32 $0x59600, s0;
	s20 =	smax.u32 s12, $0x1;
	[dreg:$0x5] =	wrdreg s18  }
0xf: {  	s12 =	sadd.s32 s21, s2;
	s21 =	sor.u32 $0x30, s23;
	[dreg:$0x6] =	wrdreg s19  }
0x10: {  	s7 =	sadd.s32 s16, s7;
	s3 =	sadd.s32 s16, s3;
	[dreg:$0x7] =	wrdreg s20  }
0x11: {  	s19 =	sor.u32 $0x10, s23;
	s20 =	sor.u32 $0x20, s23;
	s25 =	sshll.u32 s21, $0xE  }
0x12: {  	s18 =	sshll.u32 s8, $0x4;
	s22 =	sshll.u32 s19, $0xE;
	s24 =	sshll.u32 s20, $0xE  }
0x13: {  	s15 =	sadd.s32 s25, s2;
	s17 =	sadd.s32 s18, s7;
	s18 =	sadd.s32 s18, s3  }
0x14: {  	s7 =	sshll.u32 s23, $0xB;
	s13 =	sshll.u32 s19, $0xB;
	s19 =	sshll.u32 s8, $0x8  }
0x15: {  	s25 =	sshll.u32 s21, $0xB;
	s3 =	simm.s32 $0x17A80;
	[dreg:$0x9] =	wrdreg s7  }
0x16: {  	s8 =	simm.s32 $0x2;
	s0 =	sadd.s32 s22, s2;
	[dreg:$0xa] =	wrdreg s13  }
0x17: {  	s14 =	sadd.s32 s24, s2;
	s22 =	sor.u32 $0x40, s23;
	[dreg:$0xc] =	wrdreg s25  }
0x18: {  	s24 =	sshll.u32 s20, $0xB;
	s25 =	simm.s32 $0x13A80;
	[dreg:$0x8] =	wrdreg s0  }
0x19: {  	s7 =	simm.s32 $0x1;
	s26 =	sshll.u32 s22, $0xE;
	[dreg:$0xb] =	wrdreg s24  }
0x1a: {  	s0 =	sadd.s32 s19, s11;
	p0 =	sgt.u32 s22, $0x4D;
	s11 =	simm.s32 $0x4  }
.Ltmp0:
0x1b: {  	s24 =	simm.s32 $0x1BA80;
	s19 =	simm.s32 $0x0;
	(pc) =	sbr.rel .LBB2_1-.Ltmp0, $4  }
0x1c: {  	s16 =	sadd.s32 s26, s2;
	s26 =	sshll.u32 s22, $0xB;
	s0 =	sadd.s32 $0x4ED400, s0  }
0x1d: {  	p1 =	sne.s32 @p0 s23, $0xF;
	p3 =	sne.s32 @!p0 s23, $0x0;
	[dreg:$0xd] =	wrdreg s26  }
0x1e: {  	s23 =	smov.u32 s6;
	[dreg:$0xe] =	wrdreg s0;
	p1 =	por p1, !p0  }
0x1f: {  	v0 =	vimm.f32 $0.0e+00;
	v1 =	vimm.f32 $1.000000000e+00;
	p3 =	por p3, p0;
	s26 =	simm.s32 $0x3;
	s0 =	simm.s32 $0x13A00  }
.LBB2_13:
0x20: {  	[bflag:$0x0] =	sbarrier.arrive $0xFFFF  }
0x21: {  	[tilespmem:s3], [sflag:$0x4] =	stream.linear.gather [spmem:s12], $0x4000, $0x38;
	[tilespmem:$0x1C280] =	vst v63  }
0x22: {  	_ =	swait.ge [sflag:s11], $0x4000  }
0x23: {  	[sflag:s11] =	ssyncset.done $0x0;
	s6 =	rddreg [dreg:$0x9]  }
0x24: {  	[sflag:s11] =	ssyncadd.s32 $0xFFFFC000;
	s6 =	sadd.s32 s6, s10  }
0x25: {  	[hbm4b:s6+s4] =	stream.linear.scatter [tilespmem:s3], [sflag:$0x3], $0x4000, $0x38;
	[tilespmem:$0x1C280] =	vst v63  }
0x26: {  	_ =	swait.ge [sflag:s26], $0x4000  }
0x27: {  	[sflag:s26] =	ssyncset.done $0x0  }
0x28: {  	s22 =	rddreg [dreg:$0x8];
	[sflag:s26] =	ssyncadd.s32 $0xFFFFC000  }
0x29: {  	[tilespmem:s3], [sflag:$0x4] =	stream.linear.gather [spmem:s22], $0x4000, $0x38;
	[tilespmem:$0x1C280] =	vst v63  }
0x2a: {  	_ =	swait.ge [sflag:s11], $0x4000  }
0x2b: {  	[sflag:s11] =	ssyncset.done $0x0;
	s13 =	rddreg [dreg:$0xa]  }
0x2c: {  	[sflag:s11] =	ssyncadd.s32 $0xFFFFC000;
	s6 =	sadd.s32 s13, s10  }
0x2d: {  	[hbm4b:s6+s4] =	stream.linear.scatter [tilespmem:s3], [sflag:$0x3], $0x4000, $0x38;
	[tilespmem:$0x1C280] =	vst v63  }
0x2e: {  	_ =	swait.ge [sflag:s26], $0x4000  }
0x2f: {  	[sflag:s26] =	ssyncset.done $0x0  }
0x30: {  	[sflag:s26] =	ssyncadd.s32 $0xFFFFC000  }
0x31: {  	[tilespmem:s3], [sflag:$0x4] =	stream.linear.gather [spmem:s14], $0x4000, $0x38;
	[tilespmem:$0x1C280] =	vst v63  }
0x32: {  	_ =	swait.ge [sflag:s11], $0x4000  }
0x33: {  	[sflag:s11] =	ssyncset.done $0x0;
	s20 =	rddreg [dreg:$0xb]  }
0x34: {  	[sflag:s11] =	ssyncadd.s32 $0xFFFFC000;
	s6 =	sadd.s32 s20, s10  }
0x35: {  	[hbm4b:s6+s4] =	stream.linear.scatter [tilespmem:s3], [sflag:$0x3], $0x4000, $0x38;
	[tilespmem:$0x1C280] =	vst v63  }
0x36: {  	_ =	swait.ge [sflag:s26], $0x4000  }
0x37: {  	[sflag:s26] =	ssyncset.done $0x0  }
0x38: {  	[sflag:s26] =	ssyncadd.s32 $0xFFFFC000  }
0x39: {  	[tilespmem:s3], [sflag:$0x4] =	stream.linear.gather [spmem:s15], $0x4000, $0x38;
	[tilespmem:$0x1C280] =	vst v63  }
0x3a: {  	_ =	swait.ge [sflag:s11], $0x4000  }
0x3b: {  	[sflag:s11] =	ssyncset.done $0x0;
	s21 =	rddreg [dreg:$0xc]  }
0x3c: {  	[sflag:s11] =	ssyncadd.s32 $0xFFFFC000;
	s6 =	sadd.s32 s21, s10  }
0x3d: {  	[hbm4b:s6+s4] =	stream.linear.scatter [tilespmem:s3], [sflag:$0x3], $0x4000, $0x38;
	[tilespmem:$0x1C280] =	vst v63  }
0x3e: {  	_ =	swait.ge [sflag:s26], $0x4000  }
0x3f: {  	[sflag:s26] =	ssyncset.done $0x0  }
0x40: {  	s20 =	simm.s32 @!p0 $0x4;
	s6 =	simm.s32 @!p0 $0x17A80;
	[sflag:s26] =	ssyncadd.s32 $0xFFFFC000  }
0x41: {  	[tilespmem:s6], [sflag:$0x4] =	stream.linear.gather @!p0 [spmem:s16], $0x4000, $0x38;
	[tilespmem:$0x1C280] =	vst v63  }
0x42: {  	_ =	swait.ge @!p0 [sflag:s20], $0x4000  }
0x43: {  	[sflag:s20] =	ssyncset.done @!p0 $0x0;
	s13 =	rddreg [dreg:$0xd]  }
0x44: {  	s21 =	simm.s32 @!p0 $0x0;
	[sflag:s20] =	ssyncadd.s32 @!p0 $0xFFFFC000;
	s20 =	sadd.s32 @!p0 s13, s10  }
0x45: {  	[hbm4b:s20+s21] =	stream.linear.scatter @!p0 [tilespmem:s6], [sflag:$0x3], $0x4000, $0x38;
	[tilespmem:$0x1C280] =	vst v63  }
0x46: {  	s6 =	simm.s32 @!p0 $0x3  }
0x47: {  	_ =	swait.ge @!p0 [sflag:s6], $0x4000  }
0x48: {  	[sflag:s6] =	ssyncset.done @!p0 $0x0  }
0x49: {  	s20 =	simm.s32 @!p3 $0x3;
	[sflag:s6] =	ssyncadd.s32 @!p0 $0xFFFFC000;
	s6 =	simm.s32 @!p3 $0x17A80  }
0x4a: {  	[tilespmem:s6], [sflag:$0x3] =	stream.linear.gather @!p3 [spmem:s23], $0x800, $0x38;
	[tilespmem:$0x1C280] =	vst v63  }
0x4b: {  	_ =	swait.ge @!p3 [sflag:s20], $0x800  }
0x4c: {  	[sflag:s20] =	ssyncset.done @!p3 $0x0  }
0x4d: {  	s22 =	simm.s32 @!p3 $0x0;
	s21 =	sadd.s32 @!p3 $0x27000, s10;
	[sflag:s20] =	ssyncadd.s32 @!p3 $0xFFFFF800  }
0x4e: {  	[hbm4b:s21+s22] =	stream.linear.scatter @!p3 [tilespmem:s6], [sflag:$0x3], $0x800, $0x38;
	[tilespmem:$0x1C280] =	vst v63  }
0x4f: {  	_ =	swait.ge @!p3 [sflag:s20], $0x800  }
0x50: {  	s19 =	sadd.s32 $0x1, s19;
	s22 =	rddreg [dreg:$0x7]  }
0x51: {  	p4 =	sne.s32 s19, s22  }
.Ltmp1:
0x52: {  	_ = 	snop;
	(pc) =	sbr.rel @!p4 .LBB2_14-.Ltmp1, $3  }
0x53: {  	_ =	sdelay $0x1  }
0x54: {  	[sflag:s20] =	ssyncset.done @!p3 $0x0  }
0x55: {  	[sflag:s20] =	ssyncadd.s32 @!p3 $0xFFFFF800  }
.LBB2_1:
0x56: {  	s20 =	simm.s32 $0x0;
	s21 =	simm.s32 $0x200  }
.LBB2_2:
0x57: {  	p4 =	sne.s32 s21, $0xFE00;
	[tilespmem:s20+$0x13AF0] =	vst v0  }
0x58: {  	[tilespmem:s20+$0x13A80] =	vst v0  }
0x59: {  	[tilespmem:s20+$0x13A90] =	vst v0  }
.Ltmp2:
0x5a: {  	[tilespmem:s20+$0x13AA0] =	vst v0;
	(pc) =	sbr.rel @p4 .LBB2_2-.Ltmp2, $4  }
0x5b: {  	[tilespmem:s20+$0x13AB0] =	vst v0  }
0x5c: {  	[tilespmem:s20+$0x13AC0] =	vst v0  }
0x5d: {  	[tilespmem:s20+$0x13AD0] =	vst v0  }
0x5e: {  	[tilespmem:s20+$0x13AE0] =	vst v0;
	s20 =	sshra.s32 s21, $0x2;
	s21 =	sadd.s32 $0x200, s21  }
0x5f: {  	[tilespmem:s20+$0x13AF0] =	vst v0  }
0x60: {  	[tilespmem:s20+$0x13A80] =	vst v0  }
0x61: {  	[tilespmem:s20+$0x13A90] =	vst v0  }
0x62: {  	[tilespmem:s20+$0x13AA0] =	vst v0  }
0x63: {  	[tilespmem:s20+$0x13AB0] =	vst v0  }
0x64: {  	[tilespmem:s20+$0x13AC0] =	vst v0  }
0x65: {  	[tilespmem:s20+$0x13AD0] =	vst v0  }
0x66: {  	[tilespmem:s20+$0x13AE0] =	vst v0  }
0x67: {  	[spmem:s12] =	stream.linear.scatter [tilespmem:s25], [sflag:$0x3], $0x4000, $0x38;
	[tilespmem:$0x1C280] =	vst v63  }
0x68: {  	_ =	swait.ge [sflag:s26], $0x4000  }
0x69: {  	[sflag:s26] =	ssyncset.done $0x0  }
0x6a: {  	s6 =	rddreg [dreg:$0x8];
	[sflag:s26] =	ssyncadd.s32 $0xFFFFC000  }
0x6b: {  	[spmem:s6] =	stream.linear.scatter [tilespmem:s25], [sflag:$0x3], $0x4000, $0x38;
	[tilespmem:$0x1C280] =	vst v63  }
0x6c: {  	_ =	swait.ge [sflag:s26], $0x4000  }
0x6d: {  	[sflag:s26] =	ssyncset.done $0x0  }
0x6e: {  	[sflag:s26] =	ssyncadd.s32 $0xFFFFC000  }
0x6f: {  	[spmem:s14] =	stream.linear.scatter [tilespmem:s25], [sflag:$0x3], $0x4000, $0x38;
	[tilespmem:$0x1C280] =	vst v63  }
0x70: {  	_ =	swait.ge [sflag:s26], $0x4000  }
0x71: {  	[sflag:s26] =	ssyncset.done $0x0  }
0x72: {  	[sflag:s26] =	ssyncadd.s32 $0xFFFFC000  }
0x73: {  	[spmem:s15] =	stream.linear.scatter [tilespmem:s25], [sflag:$0x3], $0x4000, $0x38;
	[tilespmem:$0x1C280] =	vst v63  }
0x74: {  	_ =	swait.ge [sflag:s26], $0x4000  }
0x75: {  	[sflag:s26] =	ssyncset.done $0x0  }
0x76: {  	s20 =	simm.s32 @!p1 $0x13A80;
	[sflag:s26] =	ssyncadd.s32 $0xFFFFC000  }
0x77: {  	[spmem:s23] =	stream.linear.scatter @!p1 [tilespmem:s20], [sflag:$0x3], $0x800, $0x38;
	[tilespmem:$0x1C280] =	vst v63  }
0x78: {  	s20 =	simm.s32 @!p1 $0x3  }
0x79: {  	_ =	swait.ge @!p1 [sflag:s20], $0x800  }
0x7a: {  	[sflag:s20] =	ssyncset.done @!p1 $0x0  }
0x7b: {  	[sflag:s20] =	ssyncadd.s32 @!p1 $0xFFFFF800;
	s20 =	simm.s32 @!p0 $0x13A80  }
0x7c: {  	[spmem:s16] =	stream.linear.scatter @!p0 [tilespmem:s20], [sflag:$0x3], $0x4000, $0x38;
	[tilespmem:$0x1C280] =	vst v63  }
0x7d: {  	s20 =	simm.s32 @!p0 $0x3  }
0x7e: {  	_ =	swait.ge @!p0 [sflag:s20], $0x4000  }
0x7f: {  	[sflag:s20] =	ssyncset.done @!p0 $0x0  }
0x80: {  	[sflag:s20] =	ssyncadd.s32 @!p0 $0xFFFFC000  }
0x81: {  	s22 =	sadd.s32 $0x0, s17;
	[bflag:$0x0] =	sbarrier.arrive $0xFFFF  }
0x82: {  	[tilespmem:s28], [sflag:$0x3] =	stream.linear.gather [hbm4b:s22+s4], $0x80, $0x38;
	[tilespmem:$0x1C280] =	vst v63  }
0x83: {  	_ =	swait.ge [sflag:s26], $0x80  }
0x84: {  	[sflag:s26] =	ssyncset.done $0x0  }
0x85: {  	s21 =	sadd.s32 $0x0, s18;
	[sflag:s26] =	ssyncadd.s32 $0xFFFFFF80  }
0x86: {  	[tilespmem:s29], [sflag:$0x3] =	stream.linear.gather [hbm4b:s21+s4], $0x80, $0x38;
	[tilespmem:$0x1C280] =	vst v63  }
0x87: {  	_ =	swait.ge [sflag:s26], $0x80  }
0x88: {  	[sflag:s26] =	ssyncset.done $0x0  }
0x89: {  	[sflag:s26] =	ssyncadd.s32 $0xFFFFFF80  }
0x8a: {  	[tilespmem:s25], [sflag:$0x1] =	stream.indirect.gather [hbm4b:s1+s30], $0x80, s28, s30, $0xb8;
	[tilespmem:$0x1C280] =	vst v63  }
0x8b: {  	s20 =	sadd.s32 $0x200, s22  }
0x8c: {  	[tilespmem:s31], [sflag:$0x3] =	stream.linear.gather [hbm4b:s20+s4], $0x80, $0x38;
	[tilespmem:$0x1C280] =	vst v63  }
0x8d: {  	_ =	swait.ge [sflag:s26], $0x80  }
0x8e: {  	s13 =	smov.u32 s12;
	[sflag:s26] =	ssyncset.done $0x0  }
0x8f: {  	s12 =	smov.u32 s23;
	s23 =	sadd.s32 $0x200, s21;
	[sflag:s26] =	ssyncadd.s32 $0xFFFFFF80  }
0x90: {  	[tilespmem:s0], [sflag:$0x3] =	stream.linear.gather [hbm4b:s23+s4], $0x80, $0x38;
	[tilespmem:$0x1C280] =	vst v63  }
0x91: {  	_ =	swait.ge [sflag:s26], $0x80  }
0x92: {  	[sflag:s26] =	ssyncset.done $0x0  }
0x93: {  	[sflag:s26] =	ssyncadd.s32 $0xFFFFFF80  }
0x94: {  	[tilespmem:s3], [sflag:$0x2] =	stream.indirect.gather [hbm4b:s1+s30], $0x80, s31, s30, $0xb8;
	[tilespmem:$0x1C280] =	vst v63  }
0x95: {  	_ =	swait.ge [sflag:s7], $0x4000  }
0x96: {  	[sflag:s7] =	ssyncset.done $0x0  }
0x97: {  	[sflag:s7] =	ssyncadd.s32 $0xFFFFC000  }
0x98: {  	[spmem:s2] =	stream.indirect.scatter.add.f32 [tilespmem:s25], [sflag:$0x3], $0x80, s29, s30, $0xb8;
	[tilespmem:$0x1C280] =	vst v63  }
0x99: {  	_ =	swait.ge [sflag:s26], $0x4000  }
0x9a: {  	[sflag:s26] =	ssyncset.done $0x0  }
0x9b: {  	[sflag:s26] =	ssyncadd.s32 $0xFFFFC000  }
0x9c: {  	_ =	swait.ge [sflag:s8], $0x4000  }
0x9d: {  	[sflag:s8] =	ssyncset.done $0x0  }
0x9e: {  	[sflag:s8] =	ssyncadd.s32 $0xFFFFC000  }
0x9f: {  	[spmem:s2] =	stream.indirect.scatter.add.f32 [tilespmem:s3], [sflag:$0x3], $0x80, s0, s30, $0xb8;
	[tilespmem:$0x1C280] =	vst v63  }
0xa0: {  	_ =	swait.ge [sflag:s26], $0x4000  }
0xa1: {  	s22 =	simm.s32 $0x800;
	s20 =	simm.s32 $0x400;
	[sflag:s26] =	ssyncset.done $0x0  }
.LBB2_4:
0xa2: {  	s23 =	sadd.s32 s20, s17  }
0xa3: {  	[sflag:s26] =	ssyncadd.s32 $0xFFFFC000;
	s6 =	smov.u32 s22;
	s21 =	sadd.s32 $0x400, s22  }
0xa4: {  	[tilespmem:s28], [sflag:$0x3] =	stream.linear.gather [hbm4b:s23+s4], $0x80, $0x38;
	[tilespmem:$0x1C280] =	vst v63  }
0xa5: {  	p4 =	sne.s32 s22, $0x9800;
	_ =	swait.ge [sflag:s26], $0x80  }
0xa6: {  	[sflag:s26] =	ssyncset.done $0x0  }
0xa7: {  	s22 =	sadd.s32 s20, s18;
	s20 =	smov.u32 s6;
	[sflag:s26] =	ssyncadd.s32 $0xFFFFFF80  }
0xa8: {  	[tilespmem:s29], [sflag:$0x3] =	stream.linear.gather [hbm4b:s22+s4], $0x80, $0x38;
	[tilespmem:$0x1C280] =	vst v63  }
0xa9: {  	_ =	swait.ge [sflag:s26], $0x80  }
0xaa: {  	[sflag:s26] =	ssyncset.done $0x0  }
0xab: {  	[sflag:s26] =	ssyncadd.s32 $0xFFFFFF80  }
0xac: {  	[tilespmem:s25], [sflag:$0x1] =	stream.indirect.gather [hbm4b:s1+s30], $0x80, s28, s30, $0xb8;
	[tilespmem:$0x1C280] =	vst v63  }
0xad: {  	s6 =	sadd.s32 $0x200, s23  }
0xae: {  	[tilespmem:s31], [sflag:$0x3] =	stream.linear.gather [hbm4b:s6+s4], $0x80, $0x38;
	[tilespmem:$0x1C280] =	vst v63  }
0xaf: {  	_ =	swait.ge [sflag:s26], $0x80  }
0xb0: {  	[sflag:s26] =	ssyncset.done $0x0  }
0xb1: {  	s6 =	sadd.s32 $0x200, s22;
	[sflag:s26] =	ssyncadd.s32 $0xFFFFFF80  }
0xb2: {  	[tilespmem:s0], [sflag:$0x3] =	stream.linear.gather [hbm4b:s6+s4], $0x80, $0x38;
	[tilespmem:$0x1C280] =	vst v63  }
0xb3: {  	_ =	swait.ge [sflag:s26], $0x80  }
0xb4: {  	[sflag:s26] =	ssyncset.done $0x0  }
0xb5: {  	[sflag:s26] =	ssyncadd.s32 $0xFFFFFF80  }
0xb6: {  	[tilespmem:s3], [sflag:$0x2] =	stream.indirect.gather [hbm4b:s1+s30], $0x80, s31, s30, $0xb8;
	[tilespmem:$0x1C280] =	vst v63  }
0xb7: {  	_ =	swait.ge [sflag:s7], $0x4000  }
0xb8: {  	[sflag:s7] =	ssyncset.done $0x0  }
0xb9: {  	[sflag:s7] =	ssyncadd.s32 $0xFFFFC000  }
0xba: {  	[spmem:s2] =	stream.indirect.scatter.add.f32 [tilespmem:s25], [sflag:$0x3], $0x80, s29, s30, $0xb8;
	[tilespmem:$0x1C280] =	vst v63  }
0xbb: {  	_ =	swait.ge [sflag:s26], $0x4000  }
0xbc: {  	[sflag:s26] =	ssyncset.done $0x0  }
0xbd: {  	[sflag:s26] =	ssyncadd.s32 $0xFFFFC000  }
0xbe: {  	_ =	swait.ge [sflag:s8], $0x4000  }
.Ltmp3:
0xbf: {  	[sflag:s8] =	ssyncset.done $0x0;
	(pc) =	sbr.rel @p4 .LBB2_4-.Ltmp3, $4  }
0xc0: {  	[sflag:s8] =	ssyncadd.s32 $0xFFFFC000  }
0xc1: {  	[spmem:s2] =	stream.indirect.scatter.add.f32 [tilespmem:s3], [sflag:$0x3], $0x80, s0, s30, $0xb8;
	[tilespmem:$0x1C280] =	vst v63  }
0xc2: {  	_ =	swait.ge [sflag:s26], $0x4000  }
0xc3: {  	s22 =	smov.u32 s21;
	[sflag:s26] =	ssyncset.done $0x0  }
0xc4: {  	s6 =	sadd.s32 s20, s17;
	[sflag:s26] =	ssyncadd.s32 $0xFFFFC000  }
0xc5: {  	[tilespmem:s28], [sflag:$0x3] =	stream.linear.gather [hbm4b:s6+s4], $0x80, $0x38;
	[tilespmem:$0x1C280] =	vst v63  }
0xc6: {  	_ =	swait.ge [sflag:s26], $0x80  }
0xc7: {  	[sflag:s26] =	ssyncset.done $0x0  }
0xc8: {  	s21 =	sadd.s32 s20, s18;
	[sflag:s26] =	ssyncadd.s32 $0xFFFFFF80  }
0xc9: {  	[tilespmem:s29], [sflag:$0x3] =	stream.linear.gather [hbm4b:s21+s4], $0x80, $0x38;
	[tilespmem:$0x1C280] =	vst v63  }
0xca: {  	_ =	swait.ge [sflag:s26], $0x80  }
0xcb: {  	[sflag:s26] =	ssyncset.done $0x0  }
0xcc: {  	[sflag:s26] =	ssyncadd.s32 $0xFFFFFF80  }
0xcd: {  	[tilespmem:s25], [sflag:$0x1] =	stream.indirect.gather [hbm4b:s1+s30], $0x80, s28, s30, $0xb8;
	[tilespmem:$0x1C280] =	vst v63  }
0xce: {  	s6 =	sadd.s32 $0x200, s6  }
0xcf: {  	[tilespmem:s31], [sflag:$0x3] =	stream.linear.gather [hbm4b:s6+s4], $0x80, $0x38;
	[tilespmem:$0x1C280] =	vst v63  }
0xd0: {  	_ =	swait.ge [sflag:s26], $0x80  }
0xd1: {  	[sflag:s26] =	ssyncset.done $0x0  }
0xd2: {  	s22 =	sadd.s32 $0x200, s21;
	[sflag:s26] =	ssyncadd.s32 $0xFFFFFF80  }
0xd3: {  	[tilespmem:s0], [sflag:$0x3] =	stream.linear.gather [hbm4b:s22+s4], $0x80, $0x38;
	[tilespmem:$0x1C280] =	vst v63  }
0xd4: {  	_ =	swait.ge [sflag:s26], $0x80  }
0xd5: {  	[sflag:s26] =	ssyncset.done $0x0  }
0xd6: {  	[sflag:s26] =	ssyncadd.s32 $0xFFFFFF80  }
0xd7: {  	[tilespmem:s3], [sflag:$0x2] =	stream.indirect.gather [hbm4b:s1+s30], $0x80, s31, s30, $0xb8;
	[tilespmem:$0x1C280] =	vst v63  }
0xd8: {  	_ =	swait.ge [sflag:s7], $0x4000  }
0xd9: {  	[sflag:s7] =	ssyncset.done $0x0  }
0xda: {  	[sflag:s7] =	ssyncadd.s32 $0xFFFFC000  }
0xdb: {  	[spmem:s2] =	stream.indirect.scatter.add.f32 [tilespmem:s25], [sflag:$0x3], $0x80, s29, s30, $0xb8;
	[tilespmem:$0x1C280] =	vst v63  }
0xdc: {  	_ =	swait.ge [sflag:s26], $0x4000  }
0xdd: {  	[sflag:s26] =	ssyncset.done $0x0  }
0xde: {  	[sflag:s26] =	ssyncadd.s32 $0xFFFFC000  }
0xdf: {  	_ =	swait.ge [sflag:s8], $0x4000  }
0xe0: {  	[sflag:s8] =	ssyncset.done $0x0  }
0xe1: {  	[sflag:s8] =	ssyncadd.s32 $0xFFFFC000  }
0xe2: {  	[spmem:s2] =	stream.indirect.scatter.add.f32 [tilespmem:s3], [sflag:$0x3], $0x80, s0, s30, $0xb8;
	[tilespmem:$0x1C280] =	vst v63  }
0xe3: {  	_ =	swait.ge [sflag:s26], $0x4000  }
0xe4: {  	s20 =	simm.s32 @!p2 $0x13880;
	[sflag:s26] =	ssyncset.done $0x0  }
0xe5: {  	s6 =	simm.s32 @!p2 $0x0;
	s21 =	rddreg [dreg:$0x5];
	[sflag:s26] =	ssyncadd.s32 $0xFFFFC000  }
0xe6: {  	[tilespmem:s20], [sflag:$0x3] =	stream.linear.gather @!p2 [hbm4b:s21+s6], $0x80, $0x38;
	[tilespmem:$0x1C280] =	vst v63  }
0xe7: {  	s21 =	simm.s32 @!p2 $0x3  }
0xe8: {  	_ =	swait.ge @!p2 [sflag:s21], $0x80  }
0xe9: {  	[sflag:s21] =	ssyncset.done @!p2 $0x0  }
0xea: {  	s22 =	simm.s32 @!p2 $0x13900;
	s23 =	rddreg [dreg:$0x6];
	[sflag:s21] =	ssyncadd.s32 @!p2 $0xFFFFFF80  }
0xeb: {  	[tilespmem:s22], [sflag:$0x3] =	stream.linear.gather @!p2 [hbm4b:s23+s6], $0x80, $0x38;
	[tilespmem:$0x1C280] =	vst v63  }
0xec: {  	_ =	swait.ge @!p2 [sflag:s21], $0x80  }
0xed: {  	[sflag:s21] =	ssyncset.done @!p2 $0x0  }
0xee: {  	s6 =	simm.s32 @!p2 $0x80;
	s23 =	simm.s32 @!p2 $0x13A80;
	[sflag:s21] =	ssyncadd.s32 @!p2 $0xFFFFFF80  }
0xef: {  	[tilespmem:s23], [sflag:$0x1] =	stream.indirect.gather @!p2 [hbm4b:s1+s6], $0x80, s20, s6, $0xb8;
	[tilespmem:$0x1C280] =	vst v63  }
0xf0: {  	s20 =	simm.s32 @!p2 $0x1  }
0xf1: {  	_ =	swait.ge @!p2 [sflag:s20], $0x4000  }
0xf2: {  	[sflag:s20] =	ssyncset.done @!p2 $0x0  }
0xf3: {  	[sflag:s20] =	ssyncadd.s32 @!p2 $0xFFFFC000  }
0xf4: {  	[spmem:s2] =	stream.indirect.scatter.add.f32 @!p2 [tilespmem:s23], [sflag:$0x3], $0x80, s22, s6, $0xb8;
	[tilespmem:$0x1C280] =	vst v63  }
0xf5: {  	_ =	swait.ge @!p2 [sflag:s21], $0x4000  }
0xf6: {  	[sflag:s21] =	ssyncset.done @!p2 $0x0  }
0xf7: {  	[sflag:s21] =	ssyncadd.s32 @!p2 $0xFFFFC000  }
0xf8: {  	[bflag:$0x0] =	sbarrier.arrive $0xFFFF  }
0xf9: {  	[tilespmem:s3], [sflag:$0x4] =	stream.linear.gather [spmem:s13], $0x4000, $0x38;
	[tilespmem:$0x1C280] =	vst v63  }
0xfa: {  	_ =	swait.ge [sflag:s11], $0x4000  }
0xfb: {  	[sflag:s11] =	ssyncset.done $0x0;
	s23 =	rddreg [dreg:$0x9]  }
0xfc: {  	[sflag:s11] =	ssyncadd.s32 $0xFFFFC000;
	s6 =	sadd.s32 s23, s9  }
0xfd: {  	[hbm4b:s6+s4] =	stream.linear.scatter [tilespmem:s3], [sflag:$0x3], $0x4000, $0x38;
	[tilespmem:$0x1C280] =	vst v63  }
0xfe: {  	_ =	swait.ge [sflag:s26], $0x4000  }
0xff: {  	[sflag:s26] =	ssyncset.done $0x0  }
0x100: {  	s20 =	rddreg [dreg:$0x8];
	[sflag:s26] =	ssyncadd.s32 $0xFFFFC000  }
0x101: {  	[tilespmem:s3], [sflag:$0x4] =	stream.linear.gather [spmem:s20], $0x4000, $0x38;
	[tilespmem:$0x1C280] =	vst v63  }
0x102: {  	_ =	swait.ge [sflag:s11], $0x4000  }
0x103: {  	[sflag:s11] =	ssyncset.done $0x0;
	s21 =	rddreg [dreg:$0xa]  }
0x104: {  	[sflag:s11] =	ssyncadd.s32 $0xFFFFC000;
	s6 =	sadd.s32 s21, s9  }
0x105: {  	[hbm4b:s6+s4] =	stream.linear.scatter [tilespmem:s3], [sflag:$0x3], $0x4000, $0x38;
	[tilespmem:$0x1C280] =	vst v63  }
0x106: {  	_ =	swait.ge [sflag:s26], $0x4000  }
0x107: {  	[sflag:s26] =	ssyncset.done $0x0  }
0x108: {  	[sflag:s26] =	ssyncadd.s32 $0xFFFFC000  }
0x109: {  	[tilespmem:s3], [sflag:$0x4] =	stream.linear.gather [spmem:s14], $0x4000, $0x38;
	[tilespmem:$0x1C280] =	vst v63  }
0x10a: {  	_ =	swait.ge [sflag:s11], $0x4000  }
0x10b: {  	[sflag:s11] =	ssyncset.done $0x0;
	s22 =	rddreg [dreg:$0xb]  }
0x10c: {  	[sflag:s11] =	ssyncadd.s32 $0xFFFFC000;
	s6 =	sadd.s32 s22, s9  }
0x10d: {  	[hbm4b:s6+s4] =	stream.linear.scatter [tilespmem:s3], [sflag:$0x3], $0x4000, $0x38;
	[tilespmem:$0x1C280] =	vst v63  }
0x10e: {  	_ =	swait.ge [sflag:s26], $0x4000  }
0x10f: {  	[sflag:s26] =	ssyncset.done $0x0  }
0x110: {  	[sflag:s26] =	ssyncadd.s32 $0xFFFFC000  }
0x111: {  	[tilespmem:s3], [sflag:$0x4] =	stream.linear.gather [spmem:s15], $0x4000, $0x38;
	[tilespmem:$0x1C280] =	vst v63  }
0x112: {  	_ =	swait.ge [sflag:s11], $0x4000  }
0x113: {  	[sflag:s11] =	ssyncset.done $0x0;
	s23 =	rddreg [dreg:$0xc]  }
0x114: {  	[sflag:s11] =	ssyncadd.s32 $0xFFFFC000;
	s6 =	sadd.s32 s23, s9  }
0x115: {  	[hbm4b:s6+s4] =	stream.linear.scatter [tilespmem:s3], [sflag:$0x3], $0x4000, $0x38;
	[tilespmem:$0x1C280] =	vst v63  }
0x116: {  	_ =	swait.ge [sflag:s26], $0x4000  }
0x117: {  	[sflag:s26] =	ssyncset.done $0x0  }
0x118: {  	s20 =	simm.s32 @!p0 $0x4;
	s6 =	simm.s32 @!p0 $0x17A80;
	[sflag:s26] =	ssyncadd.s32 $0xFFFFC000  }
0x119: {  	[tilespmem:s6], [sflag:$0x4] =	stream.linear.gather @!p0 [spmem:s16], $0x4000, $0x38;
	[tilespmem:$0x1C280] =	vst v63  }
0x11a: {  	_ =	swait.ge @!p0 [sflag:s20], $0x4000  }
0x11b: {  	[sflag:s20] =	ssyncset.done @!p0 $0x0  }
0x11c: {  	[sflag:s20] =	ssyncadd.s32 @!p0 $0xFFFFC000;
	s20 =	rddreg [dreg:$0xd]  }
0x11d: {  	s21 =	simm.s32 @!p0 $0x0;
	s20 =	sadd.s32 @!p0 s20, s9  }
0x11e: {  	[hbm4b:s20+s21] =	stream.linear.scatter @!p0 [tilespmem:s6], [sflag:$0x3], $0x4000, $0x38;
	[tilespmem:$0x1C280] =	vst v63  }
0x11f: {  	s6 =	simm.s32 @!p0 $0x3  }
0x120: {  	_ =	swait.ge @!p0 [sflag:s6], $0x4000  }
0x121: {  	[sflag:s6] =	ssyncset.done @!p0 $0x0  }
0x122: {  	s20 =	simm.s32 @!p3 $0x3;
	[sflag:s6] =	ssyncadd.s32 @!p0 $0xFFFFC000;
	s6 =	simm.s32 @!p3 $0x17A80  }
0x123: {  	[tilespmem:s6], [sflag:$0x3] =	stream.linear.gather @!p3 [spmem:s12], $0x800, $0x38;
	[tilespmem:$0x1C280] =	vst v63  }
0x124: {  	_ =	swait.ge @!p3 [sflag:s20], $0x800  }
0x125: {  	[sflag:s20] =	ssyncset.done @!p3 $0x0  }
0x126: {  	s22 =	simm.s32 @!p3 $0x0;
	s21 =	sadd.s32 @!p3 $0x27000, s9;
	[sflag:s20] =	ssyncadd.s32 @!p3 $0xFFFFF800  }
0x127: {  	[hbm4b:s21+s22] =	stream.linear.scatter @!p3 [tilespmem:s6], [sflag:$0x3], $0x800, $0x38;
	[tilespmem:$0x1C280] =	vst v63  }
0x128: {  	_ =	swait.ge @!p3 [sflag:s20], $0x800  }
0x129: {  	[sflag:s20] =	ssyncset.done @!p3 $0x0  }
0x12a: {  	s23 =	smov.u32 s12;
	[sflag:s20] =	ssyncadd.s32 @!p3 $0xFFFFF800  }
0x12b: {  	s21 =	simm.s32 $0x200;
	s20 =	simm.s32 $0x0;
	[bflag:$0x0] =	sbarrier.arrive $0xFFFF  }
.LBB2_6:
0x12c: {  	p4 =	sne.s32 s21, $0xFE00;
	[tilespmem:s20+$0x13AF0] =	vst v0  }
0x12d: {  	[tilespmem:s20+$0x13A80] =	vst v0  }
0x12e: {  	[tilespmem:s20+$0x13A90] =	vst v0  }
.Ltmp4:
0x12f: {  	[tilespmem:s20+$0x13AA0] =	vst v0;
	(pc) =	sbr.rel @p4 .LBB2_6-.Ltmp4, $4  }
0x130: {  	[tilespmem:s20+$0x13AB0] =	vst v0  }
0x131: {  	[tilespmem:s20+$0x13AC0] =	vst v0  }
0x132: {  	[tilespmem:s20+$0x13AD0] =	vst v0  }
0x133: {  	[tilespmem:s20+$0x13AE0] =	vst v0;
	s20 =	sshra.s32 s21, $0x2;
	s21 =	sadd.s32 $0x200, s21  }
0x134: {  	[tilespmem:s20+$0x13AF0] =	vst v0  }
0x135: {  	[tilespmem:s20+$0x13A80] =	vst v0  }
0x136: {  	[tilespmem:s20+$0x13A90] =	vst v0  }
0x137: {  	[tilespmem:s20+$0x13AA0] =	vst v0  }
0x138: {  	[tilespmem:s20+$0x13AB0] =	vst v0  }
0x139: {  	[tilespmem:s20+$0x13AC0] =	vst v0  }
0x13a: {  	[tilespmem:s20+$0x13AD0] =	vst v0  }
0x13b: {  	[tilespmem:s20+$0x13AE0] =	vst v0  }
0x13c: {  	[spmem:s13] =	stream.linear.scatter [tilespmem:s25], [sflag:$0x3], $0x4000, $0x38;
	[tilespmem:$0x1C280] =	vst v63  }
0x13d: {  	_ =	swait.ge [sflag:s26], $0x4000  }
0x13e: {  	[sflag:s26] =	ssyncset.done $0x0  }
0x13f: {  	s6 =	rddreg [dreg:$0x8];
	[sflag:s26] =	ssyncadd.s32 $0xFFFFC000  }
0x140: {  	[spmem:s6] =	stream.linear.scatter [tilespmem:s25], [sflag:$0x3], $0x4000, $0x38;
	[tilespmem:$0x1C280] =	vst v63  }
0x141: {  	_ =	swait.ge [sflag:s26], $0x4000  }
0x142: {  	[sflag:s26] =	ssyncset.done $0x0  }
0x143: {  	[sflag:s26] =	ssyncadd.s32 $0xFFFFC000  }
0x144: {  	[spmem:s14] =	stream.linear.scatter [tilespmem:s25], [sflag:$0x3], $0x4000, $0x38;
	[tilespmem:$0x1C280] =	vst v63  }
0x145: {  	_ =	swait.ge [sflag:s26], $0x4000  }
0x146: {  	[sflag:s26] =	ssyncset.done $0x0  }
0x147: {  	[sflag:s26] =	ssyncadd.s32 $0xFFFFC000  }
0x148: {  	[spmem:s15] =	stream.linear.scatter [tilespmem:s25], [sflag:$0x3], $0x4000, $0x38;
	[tilespmem:$0x1C280] =	vst v63  }
0x149: {  	_ =	swait.ge [sflag:s26], $0x4000  }
0x14a: {  	[sflag:s26] =	ssyncset.done $0x0  }
0x14b: {  	s6 =	simm.s32 @!p1 $0x13A80;
	[sflag:s26] =	ssyncadd.s32 $0xFFFFC000  }
0x14c: {  	[spmem:s23] =	stream.linear.scatter @!p1 [tilespmem:s6], [sflag:$0x3], $0x800, $0x38;
	[tilespmem:$0x1C280] =	vst v63  }
0x14d: {  	s6 =	simm.s32 @!p1 $0x3  }
0x14e: {  	_ =	swait.ge @!p1 [sflag:s6], $0x800  }
0x14f: {  	[sflag:s6] =	ssyncset.done @!p1 $0x0  }
0x150: {  	[sflag:s6] =	ssyncadd.s32 @!p1 $0xFFFFF800;
	s6 =	simm.s32 @!p0 $0x13A80  }
0x151: {  	[spmem:s16] =	stream.linear.scatter @!p0 [tilespmem:s6], [sflag:$0x3], $0x4000, $0x38;
	[tilespmem:$0x1C280] =	vst v63  }
0x152: {  	s6 =	simm.s32 @!p0 $0x3  }
0x153: {  	_ =	swait.ge @!p0 [sflag:s6], $0x4000  }
0x154: {  	[sflag:s6] =	ssyncset.done @!p0 $0x0  }
0x155: {  	s12 =	smov.u32 s13;
	s20 =	simm.s32 $0x0;
	[sflag:s6] =	ssyncadd.s32 @!p0 $0xFFFFC000  }
0x156: {  	s21 =	simm.s32 $0x200;
	s22 =	simm.s32 $0x0;
	[bflag:$0x0] =	sbarrier.arrive $0xFFFF  }
.LBB2_8:
0x157: {  	p4 =	sne.s32 s21, $0xFE00;
	[tilespmem:s22+$0x13A90] =	vst v1;
	s6 =	smov.u32 s21;
	s21 =	sadd.s32 $0x200, s21  }
.Ltmp5:
0x158: {  	(pc) =	sbr.rel @p4 .LBB2_8-.Ltmp5, $2  }
0x159: {  	_ =	sdelay $0x2  }
0x15a: {  	s22 =	sshra.s32 s6, $0x2  }
.Ltmp6:
0x15b: {  	(pc) =	sbr.rel .LBB2_10-.Ltmp6, $2  }
0x15c: {  	_ =	sdelay $0x2  }
0x15d: {  	[tilespmem:s22+$0x13A90] =	vst v1;
	s21 =	rddreg [dreg:$0xe];
	s22 =	smov.u32 s18  }
.LBB2_12:
0x15e: {  	s20 =	sadd.s32 $0x20, s20  }
0x15f: {  	p4 =	sne.s32 s20, $0x9E0  }
.Ltmp7:
0x160: {  	_ = 	snop;
	(pc) =	sbr.rel @!p4 .LBB2_13-.Ltmp7, $2  }
0x161: {  	_ =	sdelay $0x2  }
0x162: {  	s22 =	sadd.s32 $0x200, s22;
	s21 =	sadd.s32 $0x2000, s21  }
.LBB2_10:
0x163: {  	s6 =	sadd.s32 s20, s5  }
0x164: {  	p4 =	sgt.u32 s6, $0x9C3  }
.Ltmp8:
0x165: {  	_ = 	snop;
	(pc) =	sbr.rel @p4 .LBB2_12-.Ltmp8, $1  }
0x166: {  	_ =	sdelay $0x3  }
0x167: {  	[tilespmem:s29], [sflag:$0x4] =	stream.linear.gather [hbm4b:s22+s4], $0x80, $0x38;
	[tilespmem:$0x1C280] =	vst v63  }
0x168: {  	_ =	swait.ge [sflag:s11], $0x80  }
0x169: {  	[sflag:s11] =	ssyncset.done $0x0  }
0x16a: {  	[sflag:s11] =	ssyncadd.s32 $0xFFFFFF80  }
0x16b: {  	[tilespmem:s24], [sflag:$0x4] =	stream.linear.gather [hbm4b:s21+s4], $0x800, $0x38;
	[tilespmem:$0x1C280] =	vst v63  }
0x16c: {  	_ =	swait.ge [sflag:s11], $0x800  }
0x16d: {  	[sflag:s11] =	ssyncset.done $0x0  }
0x16e: {  	[sflag:s11] =	ssyncadd.s32 $0xFFFFF800  }
0x16f: {  	v2 =	vld [tilespmem:$0x1BA80]  }
0x170: {  	v3 =	vld [tilespmem:$0x1BA90]  }
0x171: {  	v4 =	vld [tilespmem:$0x1BAA0]  }
0x172: {  	v5 =	vld [tilespmem:$0x1BAB0]  }
0x173: {  	v6 =	vld [tilespmem:$0x1BAC0]  }
0x174: {  	v46 =	vld [tilespmem:$0x1BAF0];
	[tilespmem:$0x13A80] =	vst v2  }
0x175: {  	v2 =	vld [tilespmem:$0x1BAD0];
	[tilespmem:$0x13B00] =	vst v3  }
0x176: {  	v3 =	vld [tilespmem:$0x1BAE0];
	[tilespmem:$0x13B80] =	vst v4  }
0x177: {  	v47 =	vld [tilespmem:$0x1BB00];
	[tilespmem:$0x13C00] =	vst v5  }
0x178: {  	v48 =	vld [tilespmem:$0x1BB10];
	[tilespmem:$0x13C80] =	vst v6  }
0x179: {  	v49 =	vld [tilespmem:$0x1BB40];
	[tilespmem:$0x13E00] =	vst v46  }
0x17a: {  	[tilespmem:$0x13D00] =	vst v2;
	v2 =	vld [tilespmem:$0x1BB20]  }
0x17b: {  	[tilespmem:$0x13D80] =	vst v3;
	v3 =	vld [tilespmem:$0x1BB30]  }
0x17c: {  	v50 =	vld [tilespmem:$0x1BB50];
	[tilespmem:$0x13E80] =	vst v47  }
0x17d: {  	v51 =	vld [tilespmem:$0x1BB60];
	[tilespmem:$0x13F00] =	vst v48  }
0x17e: {  	v52 =	vld [tilespmem:$0x1BB90];
	[tilespmem:$0x14080] =	vst v49  }
0x17f: {  	[tilespmem:$0x13F80] =	vst v2;
	v2 =	vld [tilespmem:$0x1BB70]  }
0x180: {  	[tilespmem:$0x14000] =	vst v3;
	v3 =	vld [tilespmem:$0x1BB80]  }
0x181: {  	v53 =	vld [tilespmem:$0x1BBA0];
	[tilespmem:$0x14100] =	vst v50  }
0x182: {  	v54 =	vld [tilespmem:$0x1BBB0];
	[tilespmem:$0x14180] =	vst v51  }
0x183: {  	v55 =	vld [tilespmem:$0x1BBE0];
	[tilespmem:$0x14300] =	vst v52  }
0x184: {  	[tilespmem:$0x14200] =	vst v2;
	v2 =	vld [tilespmem:$0x1BBC0]  }
0x185: {  	[tilespmem:$0x14280] =	vst v3;
	v3 =	vld [tilespmem:$0x1BBD0]  }
0x186: {  	v56 =	vld [tilespmem:$0x1BBF0];
	[tilespmem:$0x14380] =	vst v53  }
0x187: {  	v57 =	vld [tilespmem:$0x1BC00];
	[tilespmem:$0x14400] =	vst v54  }
0x188: {  	v58 =	vld [tilespmem:$0x1BC30];
	[tilespmem:$0x14580] =	vst v55  }
0x189: {  	[tilespmem:$0x14480] =	vst v2;
	v2 =	vld [tilespmem:$0x1BC10]  }
0x18a: {  	[tilespmem:$0x14500] =	vst v3;
	v3 =	vld [tilespmem:$0x1BC20]  }
0x18b: {  	v59 =	vld [tilespmem:$0x1BC40];
	[tilespmem:$0x14600] =	vst v56  }
0x18c: {  	v60 =	vld [tilespmem:$0x1BC50];
	[tilespmem:$0x14680] =	vst v57  }
0x18d: {  	v61 =	vld [tilespmem:$0x1BC80];
	[tilespmem:$0x14800] =	vst v58  }
0x18e: {  	[tilespmem:$0x14700] =	vst v2;
	v2 =	vld [tilespmem:$0x1BC60]  }
0x18f: {  	[tilespmem:$0x14780] =	vst v3;
	v3 =	vld [tilespmem:$0x1BC70]  }
0x190: {  	v62 =	vld [tilespmem:$0x1BC90];
	[tilespmem:$0x14880] =	vst v59  }
0x191: {  	v63 =	vld [tilespmem:$0x1BCA0];
	[tilespmem:$0x14900] =	vst v60  }
0x192: {  	v9 =	vld [tilespmem:$0x1BCD0];
	[tilespmem:$0x14A80] =	vst v61  }
0x193: {  	[tilespmem:$0x14980] =	vst v2;
	v2 =	vld [tilespmem:$0x1BCB0]  }
0x194: {  	[tilespmem:$0x14A00] =	vst v3;
	v3 =	vld [tilespmem:$0x1BCC0]  }
0x195: {  	v10 =	vld [tilespmem:$0x1BCE0];
	[tilespmem:$0x14B00] =	vst v62  }
0x196: {  	v11 =	vld [tilespmem:$0x1BCF0];
	[tilespmem:$0x14B80] =	vst v63  }
0x197: {  	v12 =	vld [tilespmem:$0x1BD20];
	[tilespmem:$0x14D00] =	vst v9  }
0x198: {  	[tilespmem:$0x14C00] =	vst v2;
	v2 =	vld [tilespmem:$0x1BD00]  }
0x199: {  	[tilespmem:$0x14C80] =	vst v3;
	v3 =	vld [tilespmem:$0x1BD10]  }
0x19a: {  	v13 =	vld [tilespmem:$0x1BD30];
	[tilespmem:$0x14D80] =	vst v10  }
0x19b: {  	v14 =	vld [tilespmem:$0x1BD40];
	[tilespmem:$0x14E00] =	vst v11  }
0x19c: {  	v15 =	vld [tilespmem:$0x1BD70];
	[tilespmem:$0x14F80] =	vst v12  }
0x19d: {  	[tilespmem:$0x14E80] =	vst v2;
	v2 =	vld [tilespmem:$0x1BD50]  }
0x19e: {  	[tilespmem:$0x14F00] =	vst v3;
	v3 =	vld [tilespmem:$0x1BD60]  }
0x19f: {  	v16 =	vld [tilespmem:$0x1BD80];
	[tilespmem:$0x15000] =	vst v13  }
0x1a0: {  	v17 =	vld [tilespmem:$0x1BD90];
	[tilespmem:$0x15080] =	vst v14  }
0x1a1: {  	v18 =	vld [tilespmem:$0x1BDC0];
	[tilespmem:$0x15200] =	vst v15  }
0x1a2: {  	[tilespmem:$0x15100] =	vst v2;
	v2 =	vld [tilespmem:$0x1BDA0]  }
0x1a3: {  	[tilespmem:$0x15180] =	vst v3;
	v3 =	vld [tilespmem:$0x1BDB0]  }
0x1a4: {  	v19 =	vld [tilespmem:$0x1BDD0];
	[tilespmem:$0x15280] =	vst v16  }
0x1a5: {  	v20 =	vld [tilespmem:$0x1BDE0];
	[tilespmem:$0x15300] =	vst v17  }
0x1a6: {  	v21 =	vld [tilespmem:$0x1BE10];
	[tilespmem:$0x15480] =	vst v18  }
0x1a7: {  	[tilespmem:$0x15380] =	vst v2;
	v2 =	vld [tilespmem:$0x1BDF0]  }
0x1a8: {  	[tilespmem:$0x15400] =	vst v3;
	v3 =	vld [tilespmem:$0x1BE00]  }
0x1a9: {  	v22 =	vld [tilespmem:$0x1BE20];
	[tilespmem:$0x15500] =	vst v19  }
0x1aa: {  	v23 =	vld [tilespmem:$0x1BE30];
	[tilespmem:$0x15580] =	vst v20  }
0x1ab: {  	v24 =	vld [tilespmem:$0x1BE60];
	[tilespmem:$0x15700] =	vst v21  }
0x1ac: {  	[tilespmem:$0x15600] =	vst v2;
	v2 =	vld [tilespmem:$0x1BE40]  }
0x1ad: {  	[tilespmem:$0x15680] =	vst v3;
	v3 =	vld [tilespmem:$0x1BE50]  }
0x1ae: {  	v25 =	vld [tilespmem:$0x1BE70];
	[tilespmem:$0x15780] =	vst v22  }
0x1af: {  	v26 =	vld [tilespmem:$0x1BE80];
	[tilespmem:$0x15800] =	vst v23  }
0x1b0: {  	v27 =	vld [tilespmem:$0x1BEB0];
	[tilespmem:$0x15980] =	vst v24  }
0x1b1: {  	[tilespmem:$0x15880] =	vst v2;
	v2 =	vld [tilespmem:$0x1BE90]  }
0x1b2: {  	[tilespmem:$0x15900] =	vst v3;
	v3 =	vld [tilespmem:$0x1BEA0]  }
0x1b3: {  	v28 =	vld [tilespmem:$0x1BEC0];
	[tilespmem:$0x15A00] =	vst v25  }
0x1b4: {  	v29 =	vld [tilespmem:$0x1BED0];
	[tilespmem:$0x15A80] =	vst v26  }
0x1b5: {  	v30 =	vld [tilespmem:$0x1BF00];
	[tilespmem:$0x15C00] =	vst v27  }
0x1b6: {  	[tilespmem:$0x15B00] =	vst v2;
	v2 =	vld [tilespmem:$0x1BEE0]  }
0x1b7: {  	[tilespmem:$0x15B80] =	vst v3;
	v3 =	vld [tilespmem:$0x1BEF0]  }
0x1b8: {  	v31 =	vld [tilespmem:$0x1BF10];
	[tilespmem:$0x15C80] =	vst v28  }
0x1b9: {  	v32 =	vld [tilespmem:$0x1BF20];
	[tilespmem:$0x15D00] =	vst v29  }
0x1ba: {  	v33 =	vld [tilespmem:$0x1BF50];
	[tilespmem:$0x15E80] =	vst v30  }
0x1bb: {  	[tilespmem:$0x15D80] =	vst v2;
	v2 =	vld [tilespmem:$0x1BF30]  }
0x1bc: {  	[tilespmem:$0x15E00] =	vst v3;
	v3 =	vld [tilespmem:$0x1BF40]  }
0x1bd: {  	v34 =	vld [tilespmem:$0x1BF60];
	[tilespmem:$0x15F00] =	vst v31  }
0x1be: {  	v35 =	vld [tilespmem:$0x1BF70];
	[tilespmem:$0x15F80] =	vst v32  }
0x1bf: {  	v36 =	vld [tilespmem:$0x1BFA0];
	[tilespmem:$0x16100] =	vst v33  }
0x1c0: {  	[tilespmem:$0x16000] =	vst v2;
	v2 =	vld [tilespmem:$0x1BF80]  }
0x1c1: {  	[tilespmem:$0x16080] =	vst v3;
	v3 =	vld [tilespmem:$0x1BF90]  }
0x1c2: {  	v37 =	vld [tilespmem:$0x1BFB0];
	[tilespmem:$0x16180] =	vst v34  }
0x1c3: {  	v38 =	vld [tilespmem:$0x1BFC0];
	[tilespmem:$0x16200] =	vst v35  }
0x1c4: {  	v39 =	vld [tilespmem:$0x1BFF0];
	[tilespmem:$0x16380] =	vst v36  }
0x1c5: {  	[tilespmem:$0x16280] =	vst v2;
	v2 =	vld [tilespmem:$0x1BFD0]  }
0x1c6: {  	[tilespmem:$0x16300] =	vst v3;
	v3 =	vld [tilespmem:$0x1BFE0]  }
0x1c7: {  	v40 =	vld [tilespmem:$0x1C000];
	[tilespmem:$0x16400] =	vst v37  }
0x1c8: {  	v41 =	vld [tilespmem:$0x1C010];
	[tilespmem:$0x16480] =	vst v38  }
0x1c9: {  	v42 =	vld [tilespmem:$0x1C040];
	[tilespmem:$0x16600] =	vst v39  }
0x1ca: {  	[tilespmem:$0x16500] =	vst v2;
	v2 =	vld [tilespmem:$0x1C020]  }
0x1cb: {  	[tilespmem:$0x16580] =	vst v3;
	v3 =	vld [tilespmem:$0x1C030]  }
0x1cc: {  	v43 =	vld [tilespmem:$0x1C050];
	[tilespmem:$0x16680] =	vst v40  }
0x1cd: {  	v44 =	vld [tilespmem:$0x1C060];
	[tilespmem:$0x16700] =	vst v41  }
0x1ce: {  	v45 =	vld [tilespmem:$0x1C090];
	[tilespmem:$0x16880] =	vst v42  }
0x1cf: {  	[tilespmem:$0x16780] =	vst v2;
	v2 =	vld [tilespmem:$0x1C070]  }
0x1d0: {  	[tilespmem:$0x16800] =	vst v3;
	v3 =	vld [tilespmem:$0x1C080]  }
0x1d1: {  	[tilespmem:$0x16900] =	vst v43;
	v46 =	vld [tilespmem:$0x1C0A0]  }
0x1d2: {  	[tilespmem:$0x16980] =	vst v44;
	v47 =	vld [tilespmem:$0x1C0B0]  }
0x1d3: {  	[tilespmem:$0x16B00] =	vst v45;
	v48 =	vld [tilespmem:$0x1C0E0]  }
0x1d4: {  	[tilespmem:$0x16A00] =	vst v2;
	v2 =	vld [tilespmem:$0x1C0C0]  }
0x1d5: {  	[tilespmem:$0x16A80] =	vst v3;
	v3 =	vld [tilespmem:$0x1C0D0]  }
0x1d6: {  	v49 =	vld [tilespmem:$0x1C0F0];
	[tilespmem:$0x16B80] =	vst v46  }
0x1d7: {  	v50 =	vld [tilespmem:$0x1C100];
	[tilespmem:$0x16C00] =	vst v47  }
0x1d8: {  	v51 =	vld [tilespmem:$0x1C130];
	[tilespmem:$0x16D80] =	vst v48  }
0x1d9: {  	[tilespmem:$0x16C80] =	vst v2;
	v2 =	vld [tilespmem:$0x1C110]  }
0x1da: {  	[tilespmem:$0x16D00] =	vst v3;
	v3 =	vld [tilespmem:$0x1C120]  }
0x1db: {  	v52 =	vld [tilespmem:$0x1C140];
	[tilespmem:$0x16E00] =	vst v49  }
0x1dc: {  	v53 =	vld [tilespmem:$0x1C150];
	[tilespmem:$0x16E80] =	vst v50  }
0x1dd: {  	v54 =	vld [tilespmem:$0x1C180];
	[tilespmem:$0x17000] =	vst v51  }
0x1de: {  	[tilespmem:$0x16F00] =	vst v2;
	v2 =	vld [tilespmem:$0x1C160]  }
0x1df: {  	[tilespmem:$0x16F80] =	vst v3;
	v3 =	vld [tilespmem:$0x1C170]  }
0x1e0: {  	v55 =	vld [tilespmem:$0x1C190];
	[tilespmem:$0x17080] =	vst v52  }
0x1e1: {  	v56 =	vld [tilespmem:$0x1C1A0];
	[tilespmem:$0x17100] =	vst v53  }
0x1e2: {  	v57 =	vld [tilespmem:$0x1C1D0];
	[tilespmem:$0x17280] =	vst v54  }
0x1e3: {  	[tilespmem:$0x17180] =	vst v2;
	v2 =	vld [tilespmem:$0x1C1B0]  }
0x1e4: {  	[tilespmem:$0x17200] =	vst v3;
	v3 =	vld [tilespmem:$0x1C1C0]  }
0x1e5: {  	v58 =	vld [tilespmem:$0x1C1E0];
	[tilespmem:$0x17300] =	vst v55  }
0x1e6: {  	v59 =	vld [tilespmem:$0x1C1F0];
	[tilespmem:$0x17380] =	vst v56  }
0x1e7: {  	v60 =	vld [tilespmem:$0x1C220];
	[tilespmem:$0x17500] =	vst v57  }
0x1e8: {  	[tilespmem:$0x17400] =	vst v2;
	v2 =	vld [tilespmem:$0x1C200]  }
0x1e9: {  	[tilespmem:$0x17480] =	vst v3;
	v3 =	vld [tilespmem:$0x1C210]  }
0x1ea: {  	v61 =	vld [tilespmem:$0x1C230];
	[tilespmem:$0x17580] =	vst v58  }
0x1eb: {  	v62 =	vld [tilespmem:$0x1C240];
	[tilespmem:$0x17600] =	vst v59  }
0x1ec: {  	v63 =	vld [tilespmem:$0x1C270];
	[tilespmem:$0x17780] =	vst v60  }
0x1ed: {  	[tilespmem:$0x17680] =	vst v2;
	v2 =	vld [tilespmem:$0x1C250]  }
0x1ee: {  	[tilespmem:$0x17700] =	vst v3;
	v3 =	vld [tilespmem:$0x1C260]  }
0x1ef: {  	[tilespmem:$0x17800] =	vst v61  }
0x1f0: {  	[tilespmem:$0x17880] =	vst v62  }
0x1f1: {  	[tilespmem:$0x17A00] =	vst v63  }
0x1f2: {  	[tilespmem:$0x17900] =	vst v2  }
.Ltmp9:
0x1f3: {  	[tilespmem:$0x17980] =	vst v3;
	(pc) =	sbr.rel .LBB2_12-.Ltmp9, $4  }
0x1f4: {  	[spmem:s2] =	stream.indirect.scatter.add.f32 [tilespmem:s25], [sflag:$0x3], $0x80, s29, s30, $0xb8;
	[tilespmem:$0x1C280] =	vst v63  }
0x1f5: {  	_ =	swait.ge [sflag:s26], $0x4000  }
0x1f6: {  	[sflag:s26] =	ssyncset.done $0x0  }
0x1f7: {  	[sflag:s26] =	ssyncadd.s32 $0xFFFFC000  }
.LBB2_14:
0x1f8: {  	_ =	sfence.sel $0x180000  }
0x1f9: {  	[bflag:$0x0] =	sbarrier.arrive $0xFFFF  }
0x1fa: {  	_ =	strace $0x90000047  }
0x1fb: {  	s0 =	stileid.u32;
	[bflag:$0x2] =	sbarrier.arrive $0xFFFF  }
0x1fc: {  	p0 =	sne.s32 s0, $0x0;
	s0 =	rddreg [dreg:$0x4]  }
0x1fd: {  	s0 =	sadd.s32 @!p0 $0x100000, s0  }
0x1fe: {  	[sflag:s0] =	ssyncadd.tile.s32 @!p0 $0x1;
	_ =	shalt  }
.Lfunc_end2:
_tile_overlayer_lowered:
.L_overlay_start_2:
0x1ff: {  	(tag) =	ssettag $0x2  }
0x200: {  	s0 =	rddreg [dreg:$0x0];
	s2 =	stileid.u32  }
0x201: {  	s1 =	rddreg [dreg:$0x1];
	p0 =	sne.s32 s2, $0x0  }
0x202: {  	s3 =	rddreg [dreg:$0x2];
	[bflag:$0x3] =	sbarrier.arrive $0xFFFF;
	s2 =	simm.s32 @!p0 $0x1C03  }
0x203: {  	[timem:s3], [sflag:s2] =	dma.local @!p0 [hbm:s0], s1  }
0x204: {  	s0 =	simm.s32 @!p0 $0x3  }
0x205: {  	_ =	swait.ge @!p0 [sflag:s0], s1  }
0x206: {  	s1 =	ssub.s32 @!p0 $0x0, s1;
	[sflag:s0] =	ssyncset.done @!p0 $0x0  }
0x207: {  	[sflag:s0] =	ssyncadd.s32 @!p0 s1  }
0x208: {  	[bflag:$0x3] =	sbarrier.arrive $0xFFFF  }
0x209: {  	_ =	shalt  }

</sc_bundles>
